<compile_context>
chip_gen: v7x
topology: tpu7x:2x2x1
jax: 0.10.2.dev20260603
libtpu: 0.0.44.dev20260713+nightly
codegen_flags: <defaults>
</compile_context>

<pallas_src>
import functools

import jax
import jax.numpy as jnp
from jax import lax
from jax.experimental import pallas as pl
from jax.experimental.pallas import tpu as pltpu
from jax.experimental.pallas import tpu_sc as plsc

TABLE_ROWS = 100000
EMBED_D = 64
BATCH = 4096
SEQ = 26
NUM_CORES = 2
NUM_SUBCORES = 16
NW = NUM_CORES * NUM_SUBCORES
CHUNK = 128

_mesh = plsc.VectorSubcoreMesh(core_axis_name="c", subcore_axis_name="s")


@functools.partial(
    pl.kernel,
    mesh=_mesh,
    compiler_params=pltpu.CompilerParams(
        use_tc_tiling_on_sc=False,
        needs_layout_passes=False,
        disable_bounds_checks=True,
        disable_semaphore_checks=True,
    ),
    out_type=jax.ShapeDtypeStruct((SEQ, 8, NW, 8, CHUNK), jnp.float32),
    scratch_types=[
        pltpu.VMEM((SEQ, CHUNK), jnp.int32),
        pltpu.VMEM((2, CHUNK, EMBED_D), jnp.float32),
        pltpu.VMEM((2, 8, 8, 129), jnp.float32),
        pltpu.SemaphoreType.DMA,
        pltpu.SemaphoreType.DMA,
        pltpu.SemaphoreType.DMA,
        pltpu.SemaphoreType.DMA,
    ],
)
def _gather_sc(idx_hbm, table_hbm, out_hbm, idx_v, rows_v, t_v, g0, g1, w0, w1):
    wid = lax.axis_index("s") * NUM_CORES + lax.axis_index("c")
    pltpu.sync_copy(idx_hbm.at[:, wid], idx_v)
    gs = (g0, g1)
    ws = (w0, w1)
    lanes = lax.broadcasted_iota(jnp.int32, (16,), 0)
    trs = [(d0 + lanes) >> 3 for d0 in (0, 16, 32, 48)]
    rrs = [(d0 + lanes) & 7 for d0 in (0, 16, 32, 48)]

    def transpose(rref, tref):
        @plsc.parallel_loop(0, 16)
        def _cstep(c0):
            for ci in range(8):
                c = c0 * 8 + ci
                cvec = jnp.full((16,), c, jnp.int32)
                for k in range(4):
                    x = rref[c, pl.ds(k * 16, 16)]
                    plsc.store_scatter(tref, [trs[k], rrs[k], cvec], x)

    def wb_copy(b, j):
        return pltpu.make_async_copy(
            t_v.at[b, :, :, pl.ds(0, CHUNK)], out_hbm.at[j, :, wid], ws[b]
        )

    for b in range(2):
        pltpu.async_copy(table_hbm.at[idx_v.at[b]], rows_v.at[b], gs[b])

    def outer(j0, carry):
        for b in range(2):
            j = 2 * j0 + b

            @pl.when(j0 > 0)
            def _reclaim():
                wb_copy(b, j - 2).wait()

            pltpu.make_async_copy(
                table_hbm.at[idx_v.at[j]], rows_v.at[b], gs[b]
            ).wait()

            transpose(rows_v.at[b], t_v.at[b])

            wb_copy(b, j).start()

            @pl.when(j < SEQ - 2)
            def _refill():
                pltpu.async_copy(
                    table_hbm.at[idx_v.at[j + 2]], rows_v.at[b], gs[b]
                )

        return carry

    lax.fori_loop(0, SEQ // 2, outer, 0)

    for b in range(2):
        wb_copy(b, SEQ - 2 + b).wait()


def kernel(inputs, embeddings):
    idx = inputs.astype(jnp.int32).T.reshape(SEQ, NW, CHUNK)
    out = _gather_sc(idx, embeddings)
    return out.transpose(2, 4, 0, 1, 3).reshape(BATCH, SEQ, EMBED_D)

# --- scband reference (transcript-rebuilt; emitter-appended) ---
"""Pipeline reference for scband-embedding-11879879544648 (READ-ONLY COPY).

The authoritative reference and input builder live on the scoring server;
editing this copy changes nothing except your own understanding.
"""

import jax, jax.numpy as jnp
import numpy as np

TABLE_SIZE = 100000
EMBED_DIM = 64

def setup_inputs(seed: int = 0) -> dict:
    key = jax.random.key(seed)
    k1, k2 = jax.random.split(key)
    inputs = jax.random.randint(k1, (4096, 26), 0, TABLE_SIZE, dtype=jnp.int64)
    # embeddings initialized uniform(-sqrt(3), sqrt(3)) per RandomUniform initializer
    embeddings = jax.random.uniform(k2, (TABLE_SIZE, EMBED_DIM), dtype=jnp.float32,
                                    minval=-np.sqrt(3), maxval=np.sqrt(3))
    return {"inputs": inputs, "embeddings": embeddings}

def reference(inputs, embeddings):
    # Forward of the scaling op is identity; forward pass is a plain gather.
    return jnp.take(embeddings, inputs, axis=0)

if __name__ == "__main__":
    import jax
    _d = setup_inputs()
    print(jax.jit(kernel)(*tuple(_d.values())))

</pallas_src>

<mosaic_0001>
#map = affine_map<(d0, d1) -> (0, 0, 0)>
#map1 = affine_map<(d0, d1) -> (0, 0)>
#map2 = affine_map<(d0, d1) -> (0, 0, 0, 0, 0)>
module attributes {stable_mosaic.version = 14 : i64} {
  func.func @_gather_sc(%arg0: i32, %arg1: i32, %arg2: memref<26x32x128xi32, #tpu.memory_space<hbm>>, %arg3: memref<100000x64xf32, #tpu.memory_space<hbm>>, %arg4: memref<26x8x32x8x128xf32, #tpu.memory_space<hbm>>, %arg5: memref<26x128xi32, #tpu.memory_space<vmem>>, %arg6: memref<2x128x64xf32, #tpu.memory_space<vmem>>, %arg7: memref<2x8x8x129xf32, #tpu.memory_space<vmem>>, %arg8: memref<!tpu.dma_semaphore, #tpu.memory_space<semaphore_mem>>, %arg9: memref<!tpu.dma_semaphore, #tpu.memory_space<semaphore_mem>>, %arg10: memref<!tpu.dma_semaphore, #tpu.memory_space<semaphore_mem>>, %arg11: memref<!tpu.dma_semaphore, #tpu.memory_space<semaphore_mem>>) attributes {dimension_semantics = [#tpu.dimension_semantics<core_parallel>, #tpu.dimension_semantics<subcore_parallel>], iteration_bounds = array<i64: 2, 16>, scalar_prefetch = 0 : i64, scratch_operands = 7 : i64, tpu.core_type = #tpu.core_type<sc_vector_subcore>, window_params = [{transform_indices = #map}, {transform_indices = #map1}, {transform_indices = #map2}]} {
    %mul3A = arith.constant 2 : i32
    %mul3A_0 = arith.muli %arg1, %mul3A : i32
    %add3A = arith.addi %mul3A_0, %arg0 : i32
    "tpu.region"() ({
      %run_scoped3A = tpu.sem_alloc : memref<!tpu.dma_semaphore, #tpu.memory_space<semaphore_mem>>
      %dma_start3A_118 = arith.constant 0 : i32
      %dma_start3A_119 = arith.constant 0 : i32
      %dma_start3A_120 = tpu.memref_slice %arg2[%dma_start3A_118, %add3A, %dma_start3A_119] : memref<26x32x128xi32, #tpu.memory_space<hbm>> -> memref<26x1x128xi32, #tpu.memory_space<hbm>>
      %dma_start3A_121 = tpu.memref_squeeze %dma_start3A_120 : memref<26x1x128xi32, #tpu.memory_space<hbm>> -> memref<26x128xi32, #tpu.memory_space<hbm>>
      %dma_start3A_122 = arith.constant 0 : i32
      %dma_start3A_123 = arith.constant 0 : i32
      %dma_start3A_124 = tpu.memref_slice %arg2[%dma_start3A_122, %add3A, %dma_start3A_123] : memref<26x32x128xi32, #tpu.memory_space<hbm>> -> memref<26x1x128xi32, #tpu.memory_space<hbm>>
      %dma_start3A_125 = tpu.memref_squeeze %dma_start3A_124 : memref<26x1x128xi32, #tpu.memory_space<hbm>> -> memref<26x128xi32, #tpu.memory_space<hbm>>
      tpu.enqueue_dma source(%dma_start3A_125 : memref<26x128xi32, #tpu.memory_space<hbm>>) target(%arg5 : memref<26x128xi32, #tpu.memory_space<vmem>>) target_semaphore(%run_scoped3A : memref<!tpu.dma_semaphore, #tpu.memory_space<semaphore_mem>>)
      %dma_wait3A_126 = arith.constant 0 : i32
      %dma_wait3A_127 = arith.constant 0 : i32
      %dma_wait3A_128 = tpu.memref_slice %arg2[%dma_wait3A_126, %add3A, %dma_wait3A_127] : memref<26x32x128xi32, #tpu.memory_space<hbm>> -> memref<26x1x128xi32, #tpu.memory_space<hbm>>
      %dma_wait3A_129 = tpu.memref_squeeze %dma_wait3A_128 : memref<26x1x128xi32, #tpu.memory_space<hbm>> -> memref<26x128xi32, #tpu.memory_space<hbm>>
      %dma_wait3A_130 = arith.constant 0 : i32
      %dma_wait3A_131 = arith.constant 0 : i32
      %dma_wait3A_132 = tpu.memref_slice %arg2[%dma_wait3A_130, %add3A, %dma_wait3A_131] : memref<26x32x128xi32, #tpu.memory_space<hbm>> -> memref<26x1x128xi32, #tpu.memory_space<hbm>>
      %dma_wait3A_133 = tpu.memref_squeeze %dma_wait3A_132 : memref<26x1x128xi32, #tpu.memory_space<hbm>> -> memref<26x128xi32, #tpu.memory_space<hbm>>
      tpu.wait_dma2 semaphore(%run_scoped3A : memref<!tpu.dma_semaphore, #tpu.memory_space<semaphore_mem>>) src(%dma_wait3A_133 : memref<26x128xi32, #tpu.memory_space<hbm>>) dst(%arg5 : memref<26x128xi32, #tpu.memory_space<vmem>>)
      tpu.yield
    }) : () -> ()
    %iota3A = tpu.iota {dimensions = array<i32: 0>} : vector<16xi32>
    %add3A_1 = arith.constant 0 : i32
    %add3A_2 = vector.broadcast %add3A_1 : i32 to vector<16xi32>
    %add3A_3 = arith.addi %add3A_2, %iota3A : vector<16xi32>
    %shift_right_arithmetic3A = arith.constant 3 : i32
    %shift_right_arithmetic3A_4 = vector.broadcast %shift_right_arithmetic3A : i32 to vector<16xi32>
    %shift_right_arithmetic3A_5 = arith.shrsi %add3A_3, %shift_right_arithmetic3A_4 : vector<16xi32>
    %add3A_6 = arith.constant 16 : i32
    %add3A_7 = vector.broadcast %add3A_6 : i32 to vector<16xi32>
    %add3A_8 = arith.addi %add3A_7, %iota3A : vector<16xi32>
    %shift_right_arithmetic3A_9 = arith.constant 3 : i32
    %shift_right_arithmetic3A_10 = vector.broadcast %shift_right_arithmetic3A_9 : i32 to vector<16xi32>
    %shift_right_arithmetic3A_11 = arith.shrsi %add3A_8, %shift_right_arithmetic3A_10 : vector<16xi32>
    %add3A_12 = arith.constant 32 : i32
    %add3A_13 = vector.broadcast %add3A_12 : i32 to vector<16xi32>
    %add3A_14 = arith.addi %add3A_13, %iota3A : vector<16xi32>
    %shift_right_arithmetic3A_15 = arith.constant 3 : i32
    %shift_right_arithmetic3A_16 = vector.broadcast %shift_right_arithmetic3A_15 : i32 to vector<16xi32>
    %shift_right_arithmetic3A_17 = arith.shrsi %add3A_14, %shift_right_arithmetic3A_16 : vector<16xi32>
    %add3A_18 = arith.constant 48 : i32
    %add3A_19 = vector.broadcast %add3A_18 : i32 to vector<16xi32>
    %add3A_20 = arith.addi %add3A_19, %iota3A : vector<16xi32>
    %shift_right_arithmetic3A_21 = arith.constant 3 : i32
    %shift_right_arithmetic3A_22 = vector.broadcast %shift_right_arithmetic3A_21 : i32 to vector<16xi32>
    %shift_right_arithmetic3A_23 = arith.shrsi %add3A_20, %shift_right_arithmetic3A_22 : vector<16xi32>
    %add3A_24 = arith.constant 0 : i32
    %add3A_25 = vector.broadcast %add3A_24 : i32 to vector<16xi32>
    %add3A_26 = arith.addi %add3A_25, %iota3A : vector<16xi32>
    %and3A = arith.constant 7 : i32
    %and3A_27 = vector.broadcast %and3A : i32 to vector<16xi32>
    %and3A_28 = arith.andi %add3A_26, %and3A_27 : vector<16xi32>
    %add3A_29 = arith.constant 16 : i32
    %add3A_30 = vector.broadcast %add3A_29 : i32 to vector<16xi32>
    %add3A_31 = arith.addi %add3A_30, %iota3A : vector<16xi32>
    %and3A_32 = arith.constant 7 : i32
    %and3A_33 = vector.broadcast %and3A_32 : i32 to vector<16xi32>
    %and3A_34 = arith.andi %add3A_31, %and3A_33 : vector<16xi32>
    %add3A_35 = arith.constant 32 : i32
    %add3A_36 = vector.broadcast %add3A_35 : i32 to vector<16xi32>
    %add3A_37 = arith.addi %add3A_36, %iota3A : vector<16xi32>
    %and3A_38 = arith.constant 7 : i32
    %and3A_39 = vector.broadcast %and3A_38 : i32 to vector<16xi32>
    %and3A_40 = arith.andi %add3A_37, %and3A_39 : vector<16xi32>
    %add3A_41 = arith.constant 48 : i32
    %add3A_42 = vector.broadcast %add3A_41 : i32 to vector<16xi32>
    %add3A_43 = arith.addi %add3A_42, %iota3A : vector<16xi32>
    %and3A_44 = arith.constant 7 : i32
    %and3A_45 = vector.broadcast %and3A_44 : i32 to vector<16xi32>
    %and3A_46 = arith.andi %add3A_43, %and3A_45 : vector<16xi32>
    %dma_start3A = arith.constant 0 : i32
    %dma_start3A_47 = arith.constant 0 : i32
    %dma_start3A_48 = arith.constant 0 : i32
    %dma_start3A_49 = arith.constant 0 : i32
    %dma_start3A_50 = tpu.memref_slice %arg6[%dma_start3A_47, %dma_start3A_48, %dma_start3A_49] : memref<2x128x64xf32, #tpu.memory_space<vmem>> -> memref<1x128x64xf32, #tpu.memory_space<vmem>>
    %dma_start3A_51 = tpu.memref_squeeze %dma_start3A_50 : memref<1x128x64xf32, #tpu.memory_space<vmem>> -> memref<128x64xf32, #tpu.memory_space<vmem>>
    %dma_start3A_52 = arith.constant 0 : i32
    %dma_start3A_53 = tpu.memref_slice %arg5[%dma_start3A, %dma_start3A_52] : memref<26x128xi32, #tpu.memory_space<vmem>> -> memref<1x128xi32, #tpu.memory_space<vmem>>
    %dma_start3A_54 = tpu.memref_squeeze %dma_start3A_53 : memref<1x128xi32, #tpu.memory_space<vmem>> -> memref<128xi32, #tpu.memory_space<vmem>>
    %dma_start3A_55 = arith.constant 0 : i32
    %dma_start3A_56 = arith.constant 0 : i32
    %dma_start3A_57 = tpu.memref_slice %arg3[%dma_start3A_55, %dma_start3A_56] : memref<100000x64xf32, #tpu.memory_space<hbm>> -> memref<100000x64xf32, #tpu.memory_space<hbm>>
    tpu.enqueue_indirect_dma source(%dma_start3A_57 : memref<100000x64xf32, #tpu.memory_space<hbm>>) target(%dma_start3A_51 : memref<128x64xf32, #tpu.memory_space<vmem>>) offsets(%dma_start3A_54 : memref<128xi32, #tpu.memory_space<vmem>>) semaphore(%arg8 : memref<!tpu.dma_semaphore, #tpu.memory_space<semaphore_mem>>)
    %dma_start3A_58 = arith.constant 1 : i32
    %dma_start3A_59 = arith.constant 1 : i32
    %dma_start3A_60 = arith.constant 0 : i32
    %dma_start3A_61 = arith.constant 0 : i32
    %dma_start3A_62 = tpu.memref_slice %arg6[%dma_start3A_59, %dma_start3A_60, %dma_start3A_61] : memref<2x128x64xf32, #tpu.memory_space<vmem>> -> memref<1x128x64xf32, #tpu.memory_space<vmem>>
    %dma_start3A_63 = tpu.memref_squeeze %dma_start3A_62 : memref<1x128x64xf32, #tpu.memory_space<vmem>> -> memref<128x64xf32, #tpu.memory_space<vmem>>
    %dma_start3A_64 = arith.constant 0 : i32
    %dma_start3A_65 = tpu.memref_slice %arg5[%dma_start3A_58, %dma_start3A_64] : memref<26x128xi32, #tpu.memory_space<vmem>> -> memref<1x128xi32, #tpu.memory_space<vmem>>
    %dma_start3A_66 = tpu.memref_squeeze %dma_start3A_65 : memref<1x128xi32, #tpu.memory_space<vmem>> -> memref<128xi32, #tpu.memory_space<vmem>>
    %dma_start3A_67 = arith.constant 0 : i32
    %dma_start3A_68 = arith.constant 0 : i32
    %dma_start3A_69 = tpu.memref_slice %arg3[%dma_start3A_67, %dma_start3A_68] : memref<100000x64xf32, #tpu.memory_space<hbm>> -> memref<100000x64xf32, #tpu.memory_space<hbm>>
    tpu.enqueue_indirect_dma source(%dma_start3A_69 : memref<100000x64xf32, #tpu.memory_space<hbm>>) target(%dma_start3A_63 : memref<128x64xf32, #tpu.memory_space<vmem>>) offsets(%dma_start3A_66 : memref<128xi32, #tpu.memory_space<vmem>>) semaphore(%arg9 : memref<!tpu.dma_semaphore, #tpu.memory_space<semaphore_mem>>)
    %scan3A = arith.constant 0 : i32
    %scan3A_70 = arith.constant 0 : i32
    %scan3A_71 = arith.constant 13 : i32
    %scan3A_72 = arith.addi %scan3A_70, %scan3A_71 : i32
    %scan3A_73 = arith.constant 1 : i32
    scf.for %scan3A_118 = %scan3A_70 to %scan3A_72 step %scan3A_73  : i32 {
      %mul3A_119 = arith.constant 2 : i32
      %mul3A_120 = arith.muli %mul3A_119, %scan3A_118 : i32
      %add3A_121 = arith.constant 0 : i32
      %add3A_122 = arith.addi %mul3A_120, %add3A_121 : i32
      %gt3A = arith.constant 0 : i32
      %gt3A_123 = arith.cmpi sgt, %scan3A_118, %gt3A : i32
      %convert_element_type3A = arith.extui %gt3A_123 : i1 to i32
      %cond3A = arith.constant 0 : i32
      %cond3A_124 = arith.cmpi ne, %convert_element_type3A, %cond3A : i32
      scf.if %cond3A_124 {
        %sub3A = arith.constant 2 : i32
        %sub3A_216 = arith.subi %add3A_122, %sub3A : i32
        %dma_wait3A_217 = arith.constant 0 : i32
        %dma_wait3A_218 = arith.constant 0 : i32
        %dma_wait3A_219 = arith.constant 0 : i32
        %dma_wait3A_220 = arith.constant 0 : i32
        %dma_wait3A_221 = tpu.memref_slice %arg7[%dma_wait3A_217, %dma_wait3A_218, %dma_wait3A_219, %dma_wait3A_220] : memref<2x8x8x129xf32, #tpu.memory_space<vmem>> -> memref<1x8x8x128xf32, #tpu.memory_space<vmem>>
        %dma_wait3A_222 = tpu.memref_squeeze %dma_wait3A_221 : memref<1x8x8x128xf32, #tpu.memory_space<vmem>> -> memref<8x8x128xf32, #tpu.memory_space<vmem>>
        %dma_wait3A_223 = arith.constant 0 : i32
        %dma_wait3A_224 = arith.constant 0 : i32
        %dma_wait3A_225 = arith.constant 0 : i32
        %dma_wait3A_226 = tpu.memref_slice %arg4[%sub3A_216, %dma_wait3A_223, %add3A, %dma_wait3A_224, %dma_wait3A_225] : memref<26x8x32x8x128xf32, #tpu.memory_space<hbm>> -> memref<1x8x1x8x128xf32, #tpu.memory_space<hbm>>
        %dma_wait3A_227 = tpu.memref_squeeze %dma_wait3A_226 : memref<1x8x1x8x128xf32, #tpu.memory_space<hbm>> -> memref<8x8x128xf32, #tpu.memory_space<hbm>>
        %dma_wait3A_228 = arith.constant 0 : i32
        %dma_wait3A_229 = arith.constant 0 : i32
        %dma_wait3A_230 = arith.constant 0 : i32
        %dma_wait3A_231 = tpu.memref_slice %arg4[%sub3A_216, %dma_wait3A_228, %add3A, %dma_wait3A_229, %dma_wait3A_230] : memref<26x8x32x8x128xf32, #tpu.memory_space<hbm>> -> memref<1x8x1x8x128xf32, #tpu.memory_space<hbm>>
        %dma_wait3A_232 = tpu.memref_squeeze %dma_wait3A_231 : memref<1x8x1x8x128xf32, #tpu.memory_space<hbm>> -> memref<8x8x128xf32, #tpu.memory_space<hbm>>
        %dma_wait3A_233 = arith.constant 0 : i32
        %dma_wait3A_234 = arith.constant 0 : i32
        %dma_wait3A_235 = arith.constant 0 : i32
        %dma_wait3A_236 = tpu.memref_slice %arg7[%dma_wait3A_217, %dma_wait3A_233, %dma_wait3A_234, %dma_wait3A_235] : memref<2x8x8x129xf32, #tpu.memory_space<vmem>> -> memref<1x8x8x128xf32, #tpu.memory_space<vmem>>
        %dma_wait3A_237 = tpu.memref_squeeze %dma_wait3A_236 : memref<1x8x8x128xf32, #tpu.memory_space<vmem>> -> memref<8x8x128xf32, #tpu.memory_space<vmem>>
        tpu.wait_dma2 semaphore(%arg10 : memref<!tpu.dma_semaphore, #tpu.memory_space<semaphore_mem>>) src(%dma_wait3A_237 : memref<8x8x128xf32, #tpu.memory_space<vmem>>) dst(%dma_wait3A_232 : memref<8x8x128xf32, #tpu.memory_space<hbm>>)
      } else {
      }
      %dma_wait3A_125 = arith.constant 0 : i32
      %dma_wait3A_126 = arith.constant 0 : i32
      %dma_wait3A_127 = arith.constant 0 : i32
      %dma_wait3A_128 = tpu.memref_slice %arg6[%dma_wait3A_125, %dma_wait3A_126, %dma_wait3A_127] : memref<2x128x64xf32, #tpu.memory_space<vmem>> -> memref<1x128x64xf32, #tpu.memory_space<vmem>>
      %dma_wait3A_129 = tpu.memref_squeeze %dma_wait3A_128 : memref<1x128x64xf32, #tpu.memory_space<vmem>> -> memref<128x64xf32, #tpu.memory_space<vmem>>
      %dma_wait3A_130 = arith.constant 0 : i32
      %dma_wait3A_131 = tpu.memref_slice %arg5[%add3A_122, %dma_wait3A_130] : memref<26x128xi32, #tpu.memory_space<vmem>> -> memref<1x128xi32, #tpu.memory_space<vmem>>
      %dma_wait3A_132 = tpu.memref_squeeze %dma_wait3A_131 : memref<1x128xi32, #tpu.memory_space<vmem>> -> memref<128xi32, #tpu.memory_space<vmem>>
      %dma_wait3A_133 = arith.constant 0 : i32
      %dma_wait3A_134 = arith.constant 0 : i32
      %dma_wait3A_135 = tpu.memref_slice %arg3[%dma_wait3A_133, %dma_wait3A_134] : memref<100000x64xf32, #tpu.memory_space<hbm>> -> memref<100000x64xf32, #tpu.memory_space<hbm>>
      tpu.wait_indirect_dma semaphore(%arg8 : memref<!tpu.dma_semaphore, #tpu.memory_space<semaphore_mem>>) src(%dma_wait3A_135 : memref<100000x64xf32, #tpu.memory_space<hbm>>) dst(%dma_wait3A_129 : memref<128x64xf32, #tpu.memory_space<vmem>>)
      %parallel_loop3A = arith.constant 0 : i32
      %parallel_loop3A_136 = arith.constant 16 : i32
      %parallel_loop3A_137 = arith.constant 1 : i32
      %parallel_loop3A_138 = arith.constant 0 : i32
      %parallel_loop3A_139 = arith.constant 0 : i32
      scf.for %parallel_loop3A_216 = %parallel_loop3A to %parallel_loop3A_136 step %parallel_loop3A_137  : i32 {
        %parallel_loop3A_217 = arith.constant 8 : i32
        %parallel_loop3A_218 = arith.muli %parallel_loop3A_216, %parallel_loop3A_217 : i32
        %parallel_loop3A_219 = arith.constant 0 : i32
        %parallel_loop3A_220 = arith.addi %parallel_loop3A_218, %parallel_loop3A_219 : i32
        %parallel_loop3A_221 = vector.broadcast %parallel_loop3A_220 : i32 to vector<16xi32>
        %parallel_loop3A_222 = arith.constant 0 : i32
        %parallel_loop3A_223 = arith.constant 0 : i32
        %parallel_loop3A_224 = tpu.memref_slice %arg6[%parallel_loop3A_138, %parallel_loop3A_222, %parallel_loop3A_223] : memref<2x128x64xf32, #tpu.memory_space<vmem>> -> memref<1x128x64xf32, #tpu.memory_space<vmem>>
        %parallel_loop3A_225 = tpu.memref_squeeze %parallel_loop3A_224 : memref<1x128x64xf32, #tpu.memory_space<vmem>> -> memref<128x64xf32, #tpu.memory_space<vmem>>
        %parallel_loop3A_226 = arith.index_cast %parallel_loop3A_220 : i32 to index
        %parallel_loop3A_227 = arith.constant 0 : index
        %parallel_loop3A_228 = tpu.vector_load %parallel_loop3A_225[%parallel_loop3A_226, %parallel_loop3A_227] {strides = array<i32>} : memref<128x64xf32, #tpu.memory_space<vmem>>, vector<16xf32>,
        %parallel_loop3A_229 = arith.constant 0 : i32
        %parallel_loop3A_230 = arith.constant 0 : i32
        %parallel_loop3A_231 = arith.constant 0 : i32
        %parallel_loop3A_232 = tpu.memref_slice %arg7[%parallel_loop3A_139, %parallel_loop3A_229, %parallel_loop3A_230, %parallel_loop3A_231] : memref<2x8x8x129xf32, #tpu.memory_space<vmem>> -> memref<1x8x8x129xf32, #tpu.memory_space<vmem>>
        %parallel_loop3A_233 = tpu.memref_squeeze %parallel_loop3A_232 : memref<1x8x8x129xf32, #tpu.memory_space<vmem>> -> memref<8x8x129xf32, #tpu.memory_space<vmem>>
        tpu.vector_store_idx %parallel_loop3A_233[%shift_right_arithmetic3A_5, %and3A_28, %parallel_loop3A_221], %parallel_loop3A_228 : memref<8x8x129xf32, #tpu.memory_space<vmem>>[vector<16xi32>, vector<16xi32>, vector<16xi32>], vector<16xf32>,
        %parallel_loop3A_234 = arith.constant 0 : i32
        %parallel_loop3A_235 = arith.constant 0 : i32
        %parallel_loop3A_236 = tpu.memref_slice %arg6[%parallel_loop3A_138, %parallel_loop3A_234, %parallel_loop3A_235] : memref<2x128x64xf32, #tpu.memory_space<vmem>> -> memref<1x128x64xf32, #tpu.memory_space<vmem>>
        %parallel_loop3A_237 = tpu.memref_squeeze %parallel_loop3A_236 : memref<1x128x64xf32, #tpu.memory_space<vmem>> -> memref<128x64xf32, #tpu.memory_space<vmem>>
        %parallel_loop3A_238 = arith.index_cast %parallel_loop3A_220 : i32 to index
        %parallel_loop3A_239 = arith.constant 16 : index
        %parallel_loop3A_240 = tpu.vector_load %parallel_loop3A_237[%parallel_loop3A_238, %parallel_loop3A_239] {strides = array<i32>} : memref<128x64xf32, #tpu.memory_space<vmem>>, vector<16xf32>,
        %parallel_loop3A_241 = arith.constant 0 : i32
        %parallel_loop3A_242 = arith.constant 0 : i32
        %parallel_loop3A_243 = arith.constant 0 : i32
        %parallel_loop3A_244 = tpu.memref_slice %arg7[%parallel_loop3A_139, %parallel_loop3A_241, %parallel_loop3A_242, %parallel_loop3A_243] : memref<2x8x8x129xf32, #tpu.memory_space<vmem>> -> memref<1x8x8x129xf32, #tpu.memory_space<vmem>>
        %parallel_loop3A_245 = tpu.memref_squeeze %parallel_loop3A_244 : memref<1x8x8x129xf32, #tpu.memory_space<vmem>> -> memref<8x8x129xf32, #tpu.memory_space<vmem>>
        tpu.vector_store_idx %parallel_loop3A_245[%shift_right_arithmetic3A_11, %and3A_34, %parallel_loop3A_221], %parallel_loop3A_240 : memref<8x8x129xf32, #tpu.memory_space<vmem>>[vector<16xi32>, vector<16xi32>, vector<16xi32>], vector<16xf32>,
        %parallel_loop3A_246 = arith.constant 0 : i32
        %parallel_loop3A_247 = arith.constant 0 : i32
        %parallel_loop3A_248 = tpu.memref_slice %arg6[%parallel_loop3A_138, %parallel_loop3A_246, %parallel_loop3A_247] : memref<2x128x64xf32, #tpu.memory_space<vmem>> -> memref<1x128x64xf32, #tpu.memory_space<vmem>>
        %parallel_loop3A_249 = tpu.memref_squeeze %parallel_loop3A_248 : memref<1x128x64xf32, #tpu.memory_space<vmem>> -> memref<128x64xf32, #tpu.memory_space<vmem>>
        %parallel_loop3A_250 = arith.index_cast %parallel_loop3A_220 : i32 to index
        %parallel_loop3A_251 = arith.constant 32 : index
        %parallel_loop3A_252 = tpu.vector_load %parallel_loop3A_249[%parallel_loop3A_250, %parallel_loop3A_251] {strides = array<i32>} : memref<128x64xf32, #tpu.memory_space<vmem>>, vector<16xf32>,
        %parallel_loop3A_253 = arith.constant 0 : i32
        %parallel_loop3A_254 = arith.constant 0 : i32
        %parallel_loop3A_255 = arith.constant 0 : i32
        %parallel_loop3A_256 = tpu.memref_slice %arg7[%parallel_loop3A_139, %parallel_loop3A_253, %parallel_loop3A_254, %parallel_loop3A_255] : memref<2x8x8x129xf32, #tpu.memory_space<vmem>> -> memref<1x8x8x129xf32, #tpu.memory_space<vmem>>
        %parallel_loop3A_257 = tpu.memref_squeeze %parallel_loop3A_256 : memref<1x8x8x129xf32, #tpu.memory_space<vmem>> -> memref<8x8x129xf32, #tpu.memory_space<vmem>>
        tpu.vector_store_idx %parallel_loop3A_257[%shift_right_arithmetic3A_17, %and3A_40, %parallel_loop3A_221], %parallel_loop3A_252 : memref<8x8x129xf32, #tpu.memory_space<vmem>>[vector<16xi32>, vector<16xi32>, vector<16xi32>], vector<16xf32>,
        %parallel_loop3A_258 = arith.constant 0 : i32
        %parallel_loop3A_259 = arith.constant 0 : i32
        %parallel_loop3A_260 = tpu.memref_slice %arg6[%parallel_loop3A_138, %parallel_loop3A_258, %parallel_loop3A_259] : memref<2x128x64xf32, #tpu.memory_space<vmem>> -> memref<1x128x64xf32, #tpu.memory_space<vmem>>
        %parallel_loop3A_261 = tpu.memref_squeeze %parallel_loop3A_260 : memref<1x128x64xf32, #tpu.memory_space<vmem>> -> memref<128x64xf32, #tpu.memory_space<vmem>>
        %parallel_loop3A_262 = arith.index_cast %parallel_loop3A_220 : i32 to index
        %parallel_loop3A_263 = arith.constant 48 : index
        %parallel_loop3A_264 = tpu.vector_load %parallel_loop3A_261[%parallel_loop3A_262, %parallel_loop3A_263] {strides = array<i32>} : memref<128x64xf32, #tpu.memory_space<vmem>>, vector<16xf32>,
        %parallel_loop3A_265 = arith.constant 0 : i32
        %parallel_loop3A_266 = arith.constant 0 : i32
        %parallel_loop3A_267 = arith.constant 0 : i32
        %parallel_loop3A_268 = tpu.memref_slice %arg7[%parallel_loop3A_139, %parallel_loop3A_265, %parallel_loop3A_266, %parallel_loop3A_267] : memref<2x8x8x129xf32, #tpu.memory_space<vmem>> -> memref<1x8x8x129xf32, #tpu.memory_space<vmem>>
        %parallel_loop3A_269 = tpu.memref_squeeze %parallel_loop3A_268 : memref<1x8x8x129xf32, #tpu.memory_space<vmem>> -> memref<8x8x129xf32, #tpu.memory_space<vmem>>
        tpu.vector_store_idx %parallel_loop3A_269[%shift_right_arithmetic3A_23, %and3A_46, %parallel_loop3A_221], %parallel_loop3A_264 : memref<8x8x129xf32, #tpu.memory_space<vmem>>[vector<16xi32>, vector<16xi32>, vector<16xi32>], vector<16xf32>,
        %parallel_loop3A_270 = arith.constant 8 : i32
        %parallel_loop3A_271 = arith.muli %parallel_loop3A_216, %parallel_loop3A_270 : i32
        %parallel_loop3A_272 = arith.constant 1 : i32
        %parallel_loop3A_273 = arith.addi %parallel_loop3A_271, %parallel_loop3A_272 : i32
        %parallel_loop3A_274 = vector.broadcast %parallel_loop3A_273 : i32 to vector<16xi32>
        %parallel_loop3A_275 = arith.constant 0 : i32
        %parallel_loop3A_276 = arith.constant 0 : i32
        %parallel_loop3A_277 = tpu.memref_slice %arg6[%parallel_loop3A_138, %parallel_loop3A_275, %parallel_loop3A_276] : memref<2x128x64xf32, #tpu.memory_space<vmem>> -> memref<1x128x64xf32, #tpu.memory_space<vmem>>
        %parallel_loop3A_278 = tpu.memref_squeeze %parallel_loop3A_277 : memref<1x128x64xf32, #tpu.memory_space<vmem>> -> memref<128x64xf32, #tpu.memory_space<vmem>>
        %parallel_loop3A_279 = arith.index_cast %parallel_loop3A_273 : i32 to index
        %parallel_loop3A_280 = arith.constant 0 : index
        %parallel_loop3A_281 = tpu.vector_load %parallel_loop3A_278[%parallel_loop3A_279, %parallel_loop3A_280] {strides = array<i32>} : memref<128x64xf32, #tpu.memory_space<vmem>>, vector<16xf32>,
        %parallel_loop3A_282 = arith.constant 0 : i32
        %parallel_loop3A_283 = arith.constant 0 : i32
        %parallel_loop3A_284 = arith.constant 0 : i32
        %parallel_loop3A_285 = tpu.memref_slice %arg7[%parallel_loop3A_139, %parallel_loop3A_282, %parallel_loop3A_283, %parallel_loop3A_284] : memref<2x8x8x129xf32, #tpu.memory_space<vmem>> -> memref<1x8x8x129xf32, #tpu.memory_space<vmem>>
        %parallel_loop3A_286 = tpu.memref_squeeze %parallel_loop3A_285 : memref<1x8x8x129xf32, #tpu.memory_space<vmem>> -> memref<8x8x129xf32, #tpu.memory_space<vmem>>
        tpu.vector_store_idx %parallel_loop3A_286[%shift_right_arithmetic3A_5, %and3A_28, %parallel_loop3A_274], %parallel_loop3A_281 : memref<8x8x129xf32, #tpu.memory_space<vmem>>[vector<16xi32>, vector<16xi32>, vector<16xi32>], vector<16xf32>,
        %parallel_loop3A_287 = arith.constant 0 : i32
        %parallel_loop3A_288 = arith.constant 0 : i32
        %parallel_loop3A_289 = tpu.memref_slice %arg6[%parallel_loop3A_138, %parallel_loop3A_287, %parallel_loop3A_288] : memref<2x128x64xf32, #tpu.memory_space<vmem>> -> memref<1x128x64xf32, #tpu.memory_space<vmem>>
        %parallel_loop3A_290 = tpu.memref_squeeze %parallel_loop3A_289 : memref<1x128x64xf32, #tpu.memory_space<vmem>> -> memref<128x64xf32, #tpu.memory_space<vmem>>
        %parallel_loop3A_291 = arith.index_cast %parallel_loop3A_273 : i32 to index
        %parallel_loop3A_292 = arith.constant 16 : index
        %parallel_loop3A_293 = tpu.vector_load %parallel_loop3A_290[%parallel_loop3A_291, %parallel_loop3A_292] {strides = array<i32>} : memref<128x64xf32, #tpu.memory_space<vmem>>, vector<16xf32>,
        %parallel_loop3A_294 = arith.constant 0 : i32
        %parallel_loop3A_295 = arith.constant 0 : i32
        %parallel_loop3A_296 = arith.constant 0 : i32
        %parallel_loop3A_297 = tpu.memref_slice %arg7[%parallel_loop3A_139, %parallel_loop3A_294, %parallel_loop3A_295, %parallel_loop3A_296] : memref<2x8x8x129xf32, #tpu.memory_space<vmem>> -> memref<1x8x8x129xf32, #tpu.memory_space<vmem>>
        %parallel_loop3A_298 = tpu.memref_squeeze %parallel_loop3A_297 : memref<1x8x8x129xf32, #tpu.memory_space<vmem>> -> memref<8x8x129xf32, #tpu.memory_space<vmem>>
        tpu.vector_store_idx %parallel_loop3A_298[%shift_right_arithmetic3A_11, %and3A_34, %parallel_loop3A_274], %parallel_loop3A_293 : memref<8x8x129xf32, #tpu.memory_space<vmem>>[vector<16xi32>, vector<16xi32>, vector<16xi32>], vector<16xf32>,
        %parallel_loop3A_299 = arith.constant 0 : i32
        %parallel_loop3A_300 = arith.constant 0 : i32
        %parallel_loop3A_301 = tpu.memref_slice %arg6[%parallel_loop3A_138, %parallel_loop3A_299, %parallel_loop3A_300] : memref<2x128x64xf32, #tpu.memory_space<vmem>> -> memref<1x128x64xf32, #tpu.memory_space<vmem>>
        %parallel_loop3A_302 = tpu.memref_squeeze %parallel_loop3A_301 : memref<1x128x64xf32, #tpu.memory_space<vmem>> -> memref<128x64xf32, #tpu.memory_space<vmem>>
        %parallel_loop3A_303 = arith.index_cast %parallel_loop3A_273 : i32 to index
        %parallel_loop3A_304 = arith.constant 32 : index
        %parallel_loop3A_305 = tpu.vector_load %parallel_loop3A_302[%parallel_loop3A_303, %parallel_loop3A_304] {strides = array<i32>} : memref<128x64xf32, #tpu.memory_space<vmem>>, vector<16xf32>,
        %parallel_loop3A_306 = arith.constant 0 : i32
        %parallel_loop3A_307 = arith.constant 0 : i32
        %parallel_loop3A_308 = arith.constant 0 : i32
        %parallel_loop3A_309 = tpu.memref_slice %arg7[%parallel_loop3A_139, %parallel_loop3A_306, %parallel_loop3A_307, %parallel_loop3A_308] : memref<2x8x8x129xf32, #tpu.memory_space<vmem>> -> memref<1x8x8x129xf32, #tpu.memory_space<vmem>>
        %parallel_loop3A_310 = tpu.memref_squeeze %parallel_loop3A_309 : memref<1x8x8x129xf32, #tpu.memory_space<vmem>> -> memref<8x8x129xf32, #tpu.memory_space<vmem>>
        tpu.vector_store_idx %parallel_loop3A_310[%shift_right_arithmetic3A_17, %and3A_40, %parallel_loop3A_274], %parallel_loop3A_305 : memref<8x8x129xf32, #tpu.memory_space<vmem>>[vector<16xi32>, vector<16xi32>, vector<16xi32>], vector<16xf32>,
        %parallel_loop3A_311 = arith.constant 0 : i32
        %parallel_loop3A_312 = arith.constant 0 : i32
        %parallel_loop3A_313 = tpu.memref_slice %arg6[%parallel_loop3A_138, %parallel_loop3A_311, %parallel_loop3A_312] : memref<2x128x64xf32, #tpu.memory_space<vmem>> -> memref<1x128x64xf32, #tpu.memory_space<vmem>>
        %parallel_loop3A_314 = tpu.memref_squeeze %parallel_loop3A_313 : memref<1x128x64xf32, #tpu.memory_space<vmem>> -> memref<128x64xf32, #tpu.memory_space<vmem>>
        %parallel_loop3A_315 = arith.index_cast %parallel_loop3A_273 : i32 to index
        %parallel_loop3A_316 = arith.constant 48 : index
        %parallel_loop3A_317 = tpu.vector_load %parallel_loop3A_314[%parallel_loop3A_315, %parallel_loop3A_316] {strides = array<i32>} : memref<128x64xf32, #tpu.memory_space<vmem>>, vector<16xf32>,
        %parallel_loop3A_318 = arith.constant 0 : i32
        %parallel_loop3A_319 = arith.constant 0 : i32
        %parallel_loop3A_320 = arith.constant 0 : i32
        %parallel_loop3A_321 = tpu.memref_slice %arg7[%parallel_loop3A_139, %parallel_loop3A_318, %parallel_loop3A_319, %parallel_loop3A_320] : memref<2x8x8x129xf32, #tpu.memory_space<vmem>> -> memref<1x8x8x129xf32, #tpu.memory_space<vmem>>
        %parallel_loop3A_322 = tpu.memref_squeeze %parallel_loop3A_321 : memref<1x8x8x129xf32, #tpu.memory_space<vmem>> -> memref<8x8x129xf32, #tpu.memory_space<vmem>>
        tpu.vector_store_idx %parallel_loop3A_322[%shift_right_arithmetic3A_23, %and3A_46, %parallel_loop3A_274], %parallel_loop3A_317 : memref<8x8x129xf32, #tpu.memory_space<vmem>>[vector<16xi32>, vector<16xi32>, vector<16xi32>], vector<16xf32>,
        %parallel_loop3A_323 = arith.constant 8 : i32
        %parallel_loop3A_324 = arith.muli %parallel_loop3A_216, %parallel_loop3A_323 : i32
        %parallel_loop3A_325 = arith.constant 2 : i32
        %parallel_loop3A_326 = arith.addi %parallel_loop3A_324, %parallel_loop3A_325 : i32
        %parallel_loop3A_327 = vector.broadcast %parallel_loop3A_326 : i32 to vector<16xi32>
        %parallel_loop3A_328 = arith.constant 0 : i32
        %parallel_loop3A_329 = arith.constant 0 : i32
        %parallel_loop3A_330 = tpu.memref_slice %arg6[%parallel_loop3A_138, %parallel_loop3A_328, %parallel_loop3A_329] : memref<2x128x64xf32, #tpu.memory_space<vmem>> -> memref<1x128x64xf32, #tpu.memory_space<vmem>>
        %parallel_loop3A_331 = tpu.memref_squeeze %parallel_loop3A_330 : memref<1x128x64xf32, #tpu.memory_space<vmem>> -> memref<128x64xf32, #tpu.memory_space<vmem>>
        %parallel_loop3A_332 = arith.index_cast %parallel_loop3A_326 : i32 to index
        %parallel_loop3A_333 = arith.constant 0 : index
        %parallel_loop3A_334 = tpu.vector_load %parallel_loop3A_331[%parallel_loop3A_332, %parallel_loop3A_333] {strides = array<i32>} : memref<128x64xf32, #tpu.memory_space<vmem>>, vector<16xf32>,
        %parallel_loop3A_335 = arith.constant 0 : i32
        %parallel_loop3A_336 = arith.constant 0 : i32
        %parallel_loop3A_337 = arith.constant 0 : i32
        %parallel_loop3A_338 = tpu.memref_slice %arg7[%parallel_loop3A_139, %parallel_loop3A_335, %parallel_loop3A_336, %parallel_loop3A_337] : memref<2x8x8x129xf32, #tpu.memory_space<vmem>> -> memref<1x8x8x129xf32, #tpu.memory_space<vmem>>
        %parallel_loop3A_339 = tpu.memref_squeeze %parallel_loop3A_338 : memref<1x8x8x129xf32, #tpu.memory_space<vmem>> -> memref<8x8x129xf32, #tpu.memory_space<vmem>>
        tpu.vector_store_idx %parallel_loop3A_339[%shift_right_arithmetic3A_5, %and3A_28, %parallel_loop3A_327], %parallel_loop3A_334 : memref<8x8x129xf32, #tpu.memory_space<vmem>>[vector<16xi32>, vector<16xi32>, vector<16xi32>], vector<16xf32>,
        %parallel_loop3A_340 = arith.constant 0 : i32
        %parallel_loop3A_341 = arith.constant 0 : i32
        %parallel_loop3A_342 = tpu.memref_slice %arg6[%parallel_loop3A_138, %parallel_loop3A_340, %parallel_loop3A_341] : memref<2x128x64xf32, #tpu.memory_space<vmem>> -> memref<1x128x64xf32, #tpu.memory_space<vmem>>
        %parallel_loop3A_343 = tpu.memref_squeeze %parallel_loop3A_342 : memref<1x128x64xf32, #tpu.memory_space<vmem>> -> memref<128x64xf32, #tpu.memory_space<vmem>>
        %parallel_loop3A_344 = arith.index_cast %parallel_loop3A_326 : i32 to index
        %parallel_loop3A_345 = arith.constant 16 : index
        %parallel_loop3A_346 = tpu.vector_load %parallel_loop3A_343[%parallel_loop3A_344, %parallel_loop3A_345] {strides = array<i32>} : memref<128x64xf32, #tpu.memory_space<vmem>>, vector<16xf32>,
        %parallel_loop3A_347 = arith.constant 0 : i32
        %parallel_loop3A_348 = arith.constant 0 : i32
        %parallel_loop3A_349 = arith.constant 0 : i32
        %parallel_loop3A_350 = tpu.memref_slice %arg7[%parallel_loop3A_139, %parallel_loop3A_347, %parallel_loop3A_348, %parallel_loop3A_349] : memref<2x8x8x129xf32, #tpu.memory_space<vmem>> -> memref<1x8x8x129xf32, #tpu.memory_space<vmem>>
        %parallel_loop3A_351 = tpu.memref_squeeze %parallel_loop3A_350 : memref<1x8x8x129xf32, #tpu.memory_space<vmem>> -> memref<8x8x129xf32, #tpu.memory_space<vmem>>
        tpu.vector_store_idx %parallel_loop3A_351[%shift_right_arithmetic3A_11, %and3A_34, %parallel_loop3A_327], %parallel_loop3A_346 : memref<8x8x129xf32, #tpu.memory_space<vmem>>[vector<16xi32>, vector<16xi32>, vector<16xi32>], vector<16xf32>,
        %parallel_loop3A_352 = arith.constant 0 : i32
        %parallel_loop3A_353 = arith.constant 0 : i32
        %parallel_loop3A_354 = tpu.memref_slice %arg6[%parallel_loop3A_138, %parallel_loop3A_352, %parallel_loop3A_353] : memref<2x128x64xf32, #tpu.memory_space<vmem>> -> memref<1x128x64xf32, #tpu.memory_space<vmem>>
        %parallel_loop3A_355 = tpu.memref_squeeze %parallel_loop3A_354 : memref<1x128x64xf32, #tpu.memory_space<vmem>> -> memref<128x64xf32, #tpu.memory_space<vmem>>
        %parallel_loop3A_356 = arith.index_cast %parallel_loop3A_326 : i32 to index
        %parallel_loop3A_357 = arith.constant 32 : index
        %parallel_loop3A_358 = tpu.vector_load %parallel_loop3A_355[%parallel_loop3A_356, %parallel_loop3A_357] {strides = array<i32>} : memref<128x64xf32, #tpu.memory_space<vmem>>, vector<16xf32>,
        %parallel_loop3A_359 = arith.constant 0 : i32
        %parallel_loop3A_360 = arith.constant 0 : i32
        %parallel_loop3A_361 = arith.constant 0 : i32
        %parallel_loop3A_362 = tpu.memref_slice %arg7[%parallel_loop3A_139, %parallel_loop3A_359, %parallel_loop3A_360, %parallel_loop3A_361] : memref<2x8x8x129xf32, #tpu.memory_space<vmem>> -> memref<1x8x8x129xf32, #tpu.memory_space<vmem>>
        %parallel_loop3A_363 = tpu.memref_squeeze %parallel_loop3A_362 : memref<1x8x8x129xf32, #tpu.memory_space<vmem>> -> memref<8x8x129xf32, #tpu.memory_space<vmem>>
        tpu.vector_store_idx %parallel_loop3A_363[%shift_right_arithmetic3A_17, %and3A_40, %parallel_loop3A_327], %parallel_loop3A_358 : memref<8x8x129xf32, #tpu.memory_space<vmem>>[vector<16xi32>, vector<16xi32>, vector<16xi32>], vector<16xf32>,
        %parallel_loop3A_364 = arith.constant 0 : i32
        %parallel_loop3A_365 = arith.constant 0 : i32
        %parallel_loop3A_366 = tpu.memref_slice %arg6[%parallel_loop3A_138, %parallel_loop3A_364, %parallel_loop3A_365] : memref<2x128x64xf32, #tpu.memory_space<vmem>> -> memref<1x128x64xf32, #tpu.memory_space<vmem>>
        %parallel_loop3A_367 = tpu.memref_squeeze %parallel_loop3A_366 : memref<1x128x64xf32, #tpu.memory_space<vmem>> -> memref<128x64xf32, #tpu.memory_space<vmem>>
        %parallel_loop3A_368 = arith.index_cast %parallel_loop3A_326 : i32 to index
        %parallel_loop3A_369 = arith.constant 48 : index
        %parallel_loop3A_370 = tpu.vector_load %parallel_loop3A_367[%parallel_loop3A_368, %parallel_loop3A_369] {strides = array<i32>} : memref<128x64xf32, #tpu.memory_space<vmem>>, vector<16xf32>,
        %parallel_loop3A_371 = arith.constant 0 : i32
        %parallel_loop3A_372 = arith.constant 0 : i32
        %parallel_loop3A_373 = arith.constant 0 : i32
        %parallel_loop3A_374 = tpu.memref_slice %arg7[%parallel_loop3A_139, %parallel_loop3A_371, %parallel_loop3A_372, %parallel_loop3A_373] : memref<2x8x8x129xf32, #tpu.memory_space<vmem>> -> memref<1x8x8x129xf32, #tpu.memory_space<vmem>>
        %parallel_loop3A_375 = tpu.memref_squeeze %parallel_loop3A_374 : memref<1x8x8x129xf32, #tpu.memory_space<vmem>> -> memref<8x8x129xf32, #tpu.memory_space<vmem>>
        tpu.vector_store_idx %parallel_loop3A_375[%shift_right_arithmetic3A_23, %and3A_46, %parallel_loop3A_327], %parallel_loop3A_370 : memref<8x8x129xf32, #tpu.memory_space<vmem>>[vector<16xi32>, vector<16xi32>, vector<16xi32>], vector<16xf32>,
        %parallel_loop3A_376 = arith.constant 8 : i32
        %parallel_loop3A_377 = arith.muli %parallel_loop3A_216, %parallel_loop3A_376 : i32
        %parallel_loop3A_378 = arith.constant 3 : i32
        %parallel_loop3A_379 = arith.addi %parallel_loop3A_377, %parallel_loop3A_378 : i32
        %parallel_loop3A_380 = vector.broadcast %parallel_loop3A_379 : i32 to vector<16xi32>
        %parallel_loop3A_381 = arith.constant 0 : i32
        %parallel_loop3A_382 = arith.constant 0 : i32
        %parallel_loop3A_383 = tpu.memref_slice %arg6[%parallel_loop3A_138, %parallel_loop3A_381, %parallel_loop3A_382] : memref<2x128x64xf32, #tpu.memory_space<vmem>> -> memref<1x128x64xf32, #tpu.memory_space<vmem>>
        %parallel_loop3A_384 = tpu.memref_squeeze %parallel_loop3A_383 : memref<1x128x64xf32, #tpu.memory_space<vmem>> -> memref<128x64xf32, #tpu.memory_space<vmem>>
        %parallel_loop3A_385 = arith.index_cast %parallel_loop3A_379 : i32 to index
        %parallel_loop3A_386 = arith.constant 0 : index
        %parallel_loop3A_387 = tpu.vector_load %parallel_loop3A_384[%parallel_loop3A_385, %parallel_loop3A_386] {strides = array<i32>} : memref<128x64xf32, #tpu.memory_space<vmem>>, vector<16xf32>,
        %parallel_loop3A_388 = arith.constant 0 : i32
        %parallel_loop3A_389 = arith.constant 0 : i32
        %parallel_loop3A_390 = arith.constant 0 : i32
        %parallel_loop3A_391 = tpu.memref_slice %arg7[%parallel_loop3A_139, %parallel_loop3A_388, %parallel_loop3A_389, %parallel_loop3A_390] : memref<2x8x8x129xf32, #tpu.memory_space<vmem>> -> memref<1x8x8x129xf32, #tpu.memory_space<vmem>>
        %parallel_loop3A_392 = tpu.memref_squeeze %parallel_loop3A_391 : memref<1x8x8x129xf32, #tpu.memory_space<vmem>> -> memref<8x8x129xf32, #tpu.memory_space<vmem>>
        tpu.vector_store_idx %parallel_loop3A_392[%shift_right_arithmetic3A_5, %and3A_28, %parallel_loop3A_380], %parallel_loop3A_387 : memref<8x8x129xf32, #tpu.memory_space<vmem>>[vector<16xi32>, vector<16xi32>, vector<16xi32>], vector<16xf32>,
        %parallel_loop3A_393 = arith.constant 0 : i32
        %parallel_loop3A_394 = arith.constant 0 : i32
        %parallel_loop3A_395 = tpu.memref_slice %arg6[%parallel_loop3A_138, %parallel_loop3A_393, %parallel_loop3A_394] : memref<2x128x64xf32, #tpu.memory_space<vmem>> -> memref<1x128x64xf32, #tpu.memory_space<vmem>>
        %parallel_loop3A_396 = tpu.memref_squeeze %parallel_loop3A_395 : memref<1x128x64xf32, #tpu.memory_space<vmem>> -> memref<128x64xf32, #tpu.memory_space<vmem>>
        %parallel_loop3A_397 = arith.index_cast %parallel_loop3A_379 : i32 to index
        %parallel_loop3A_398 = arith.constant 16 : index
        %parallel_loop3A_399 = tpu.vector_load %parallel_loop3A_396[%parallel_loop3A_397, %parallel_loop3A_398] {strides = array<i32>} : memref<128x64xf32, #tpu.memory_space<vmem>>, vector<16xf32>,
        %parallel_loop3A_400 = arith.constant 0 : i32
        %parallel_loop3A_401 = arith.constant 0 : i32
        %parallel_loop3A_402 = arith.constant 0 : i32
        %parallel_loop3A_403 = tpu.memref_slice %arg7[%parallel_loop3A_139, %parallel_loop3A_400, %parallel_loop3A_401, %parallel_loop3A_402] : memref<2x8x8x129xf32, #tpu.memory_space<vmem>> -> memref<1x8x8x129xf32, #tpu.memory_space<vmem>>
        %parallel_loop3A_404 = tpu.memref_squeeze %parallel_loop3A_403 : memref<1x8x8x129xf32, #tpu.memory_space<vmem>> -> memref<8x8x129xf32, #tpu.memory_space<vmem>>
        tpu.vector_store_idx %parallel_loop3A_404[%shift_right_arithmetic3A_11, %and3A_34, %parallel_loop3A_380], %parallel_loop3A_399 : memref<8x8x129xf32, #tpu.memory_space<vmem>>[vector<16xi32>, vector<16xi32>, vector<16xi32>], vector<16xf32>,
        %parallel_loop3A_405 = arith.constant 0 : i32
        %parallel_loop3A_406 = arith.constant 0 : i32
        %parallel_loop3A_407 = tpu.memref_slice %arg6[%parallel_loop3A_138, %parallel_loop3A_405, %parallel_loop3A_406] : memref<2x128x64xf32, #tpu.memory_space<vmem>> -> memref<1x128x64xf32, #tpu.memory_space<vmem>>
        %parallel_loop3A_408 = tpu.memref_squeeze %parallel_loop3A_407 : memref<1x128x64xf32, #tpu.memory_space<vmem>> -> memref<128x64xf32, #tpu.memory_space<vmem>>
        %parallel_loop3A_409 = arith.index_cast %parallel_loop3A_379 : i32 to index
        %parallel_loop3A_410 = arith.constant 32 : index
        %parallel_loop3A_411 = tpu.vector_load %parallel_loop3A_408[%parallel_loop3A_409, %parallel_loop3A_410] {strides = array<i32>} : memref<128x64xf32, #tpu.memory_space<vmem>>, vector<16xf32>,
        %parallel_loop3A_412 = arith.constant 0 : i32
        %parallel_loop3A_413 = arith.constant 0 : i32
        %parallel_loop3A_414 = arith.constant 0 : i32
        %parallel_loop3A_415 = tpu.memref_slice %arg7[%parallel_loop3A_139, %parallel_loop3A_412, %parallel_loop3A_413, %parallel_loop3A_414] : memref<2x8x8x129xf32, #tpu.memory_space<vmem>> -> memref<1x8x8x129xf32, #tpu.memory_space<vmem>>
        %parallel_loop3A_416 = tpu.memref_squeeze %parallel_loop3A_415 : memref<1x8x8x129xf32, #tpu.memory_space<vmem>> -> memref<8x8x129xf32, #tpu.memory_space<vmem>>
        tpu.vector_store_idx %parallel_loop3A_416[%shift_right_arithmetic3A_17, %and3A_40, %parallel_loop3A_380], %parallel_loop3A_411 : memref<8x8x129xf32, #tpu.memory_space<vmem>>[vector<16xi32>, vector<16xi32>, vector<16xi32>], vector<16xf32>,
        %parallel_loop3A_417 = arith.constant 0 : i32
        %parallel_loop3A_418 = arith.constant 0 : i32
        %parallel_loop3A_419 = tpu.memref_slice %arg6[%parallel_loop3A_138, %parallel_loop3A_417, %parallel_loop3A_418] : memref<2x128x64xf32, #tpu.memory_space<vmem>> -> memref<1x128x64xf32, #tpu.memory_space<vmem>>
        %parallel_loop3A_420 = tpu.memref_squeeze %parallel_loop3A_419 : memref<1x128x64xf32, #tpu.memory_space<vmem>> -> memref<128x64xf32, #tpu.memory_space<vmem>>
        %parallel_loop3A_421 = arith.index_cast %parallel_loop3A_379 : i32 to index
        %parallel_loop3A_422 = arith.constant 48 : index
        %parallel_loop3A_423 = tpu.vector_load %parallel_loop3A_420[%parallel_loop3A_421, %parallel_loop3A_422] {strides = array<i32>} : memref<128x64xf32, #tpu.memory_space<vmem>>, vector<16xf32>,
        %parallel_loop3A_424 = arith.constant 0 : i32
        %parallel_loop3A_425 = arith.constant 0 : i32
        %parallel_loop3A_426 = arith.constant 0 : i32
        %parallel_loop3A_427 = tpu.memref_slice %arg7[%parallel_loop3A_139, %parallel_loop3A_424, %parallel_loop3A_425, %parallel_loop3A_426] : memref<2x8x8x129xf32, #tpu.memory_space<vmem>> -> memref<1x8x8x129xf32, #tpu.memory_space<vmem>>
        %parallel_loop3A_428 = tpu.memref_squeeze %parallel_loop3A_427 : memref<1x8x8x129xf32, #tpu.memory_space<vmem>> -> memref<8x8x129xf32, #tpu.memory_space<vmem>>
        tpu.vector_store_idx %parallel_loop3A_428[%shift_right_arithmetic3A_23, %and3A_46, %parallel_loop3A_380], %parallel_loop3A_423 : memref<8x8x129xf32, #tpu.memory_space<vmem>>[vector<16xi32>, vector<16xi32>, vector<16xi32>], vector<16xf32>,
        %parallel_loop3A_429 = arith.constant 8 : i32
        %parallel_loop3A_430 = arith.muli %parallel_loop3A_216, %parallel_loop3A_429 : i32
        %parallel_loop3A_431 = arith.constant 4 : i32
        %parallel_loop3A_432 = arith.addi %parallel_loop3A_430, %parallel_loop3A_431 : i32
        %parallel_loop3A_433 = vector.broadcast %parallel_loop3A_432 : i32 to vector<16xi32>
        %parallel_loop3A_434 = arith.constant 0 : i32
        %parallel_loop3A_435 = arith.constant 0 : i32
        %parallel_loop3A_436 = tpu.memref_slice %arg6[%parallel_loop3A_138, %parallel_loop3A_434, %parallel_loop3A_435] : memref<2x128x64xf32, #tpu.memory_space<vmem>> -> memref<1x128x64xf32, #tpu.memory_space<vmem>>
        %parallel_loop3A_437 = tpu.memref_squeeze %parallel_loop3A_436 : memref<1x128x64xf32, #tpu.memory_space<vmem>> -> memref<128x64xf32, #tpu.memory_space<vmem>>
        %parallel_loop3A_438 = arith.index_cast %parallel_loop3A_432 : i32 to index
        %parallel_loop3A_439 = arith.constant 0 : index
        %parallel_loop3A_440 = tpu.vector_load %parallel_loop3A_437[%parallel_loop3A_438, %parallel_loop3A_439] {strides = array<i32>} : memref<128x64xf32, #tpu.memory_space<vmem>>, vector<16xf32>,
        %parallel_loop3A_441 = arith.constant 0 : i32
        %parallel_loop3A_442 = arith.constant 0 : i32
        %parallel_loop3A_443 = arith.constant 0 : i32
        %parallel_loop3A_444 = tpu.memref_slice %arg7[%parallel_loop3A_139, %parallel_loop3A_441, %parallel_loop3A_442, %parallel_loop3A_443] : memref<2x8x8x129xf32, #tpu.memory_space<vmem>> -> memref<1x8x8x129xf32, #tpu.memory_space<vmem>>
        %parallel_loop3A_445 = tpu.memref_squeeze %parallel_loop3A_444 : memref<1x8x8x129xf32, #tpu.memory_space<vmem>> -> memref<8x8x129xf32, #tpu.memory_space<vmem>>
        tpu.vector_store_idx %parallel_loop3A_445[%shift_right_arithmetic3A_5, %and3A_28, %parallel_loop3A_433], %parallel_loop3A_440 : memref<8x8x129xf32, #tpu.memory_space<vmem>>[vector<16xi32>, vector<16xi32>, vector<16xi32>], vector<16xf32>,
        %parallel_loop3A_446 = arith.constant 0 : i32
        %parallel_loop3A_447 = arith.constant 0 : i32
        %parallel_loop3A_448 = tpu.memref_slice %arg6[%parallel_loop3A_138, %parallel_loop3A_446, %parallel_loop3A_447] : memref<2x128x64xf32, #tpu.memory_space<vmem>> -> memref<1x128x64xf32, #tpu.memory_space<vmem>>
        %parallel_loop3A_449 = tpu.memref_squeeze %parallel_loop3A_448 : memref<1x128x64xf32, #tpu.memory_space<vmem>> -> memref<128x64xf32, #tpu.memory_space<vmem>>
        %parallel_loop3A_450 = arith.index_cast %parallel_loop3A_432 : i32 to index
        %parallel_loop3A_451 = arith.constant 16 : index
        %parallel_loop3A_452 = tpu.vector_load %parallel_loop3A_449[%parallel_loop3A_450, %parallel_loop3A_451] {strides = array<i32>} : memref<128x64xf32, #tpu.memory_space<vmem>>, vector<16xf32>,
        %parallel_loop3A_453 = arith.constant 0 : i32
        %parallel_loop3A_454 = arith.constant 0 : i32
        %parallel_loop3A_455 = arith.constant 0 : i32
        %parallel_loop3A_456 = tpu.memref_slice %arg7[%parallel_loop3A_139, %parallel_loop3A_453, %parallel_loop3A_454, %parallel_loop3A_455] : memref<2x8x8x129xf32, #tpu.memory_space<vmem>> -> memref<1x8x8x129xf32, #tpu.memory_space<vmem>>
        %parallel_loop3A_457 = tpu.memref_squeeze %parallel_loop3A_456 : memref<1x8x8x129xf32, #tpu.memory_space<vmem>> -> memref<8x8x129xf32, #tpu.memory_space<vmem>>
        tpu.vector_store_idx %parallel_loop3A_457[%shift_right_arithmetic3A_11, %and3A_34, %parallel_loop3A_433], %parallel_loop3A_452 : memref<8x8x129xf32, #tpu.memory_space<vmem>>[vector<16xi32>, vector<16xi32>, vector<16xi32>], vector<16xf32>,
        %parallel_loop3A_458 = arith.constant 0 : i32
        %parallel_loop3A_459 = arith.constant 0 : i32
        %parallel_loop3A_460 = tpu.memref_slice %arg6[%parallel_loop3A_138, %parallel_loop3A_458, %parallel_loop3A_459] : memref<2x128x64xf32, #tpu.memory_space<vmem>> -> memref<1x128x64xf32, #tpu.memory_space<vmem>>
        %parallel_loop3A_461 = tpu.memref_squeeze %parallel_loop3A_460 : memref<1x128x64xf32, #tpu.memory_space<vmem>> -> memref<128x64xf32, #tpu.memory_space<vmem>>
        %parallel_loop3A_462 = arith.index_cast %parallel_loop3A_432 : i32 to index
        %parallel_loop3A_463 = arith.constant 32 : index
        %parallel_loop3A_464 = tpu.vector_load %parallel_loop3A_461[%parallel_loop3A_462, %parallel_loop3A_463] {strides = array<i32>} : memref<128x64xf32, #tpu.memory_space<vmem>>, vector<16xf32>,
        %parallel_loop3A_465 = arith.constant 0 : i32
        %parallel_loop3A_466 = arith.constant 0 : i32
        %parallel_loop3A_467 = arith.constant 0 : i32
        %parallel_loop3A_468 = tpu.memref_slice %arg7[%parallel_loop3A_139, %parallel_loop3A_465, %parallel_loop3A_466, %parallel_loop3A_467] : memref<2x8x8x129xf32, #tpu.memory_space<vmem>> -> memref<1x8x8x129xf32, #tpu.memory_space<vmem>>
        %parallel_loop3A_469 = tpu.memref_squeeze %parallel_loop3A_468 : memref<1x8x8x129xf32, #tpu.memory_space<vmem>> -> memref<8x8x129xf32, #tpu.memory_space<vmem>>
        tpu.vector_store_idx %parallel_loop3A_469[%shift_right_arithmetic3A_17, %and3A_40, %parallel_loop3A_433], %parallel_loop3A_464 : memref<8x8x129xf32, #tpu.memory_space<vmem>>[vector<16xi32>, vector<16xi32>, vector<16xi32>], vector<16xf32>,
        %parallel_loop3A_470 = arith.constant 0 : i32
        %parallel_loop3A_471 = arith.constant 0 : i32
        %parallel_loop3A_472 = tpu.memref_slice %arg6[%parallel_loop3A_138, %parallel_loop3A_470, %parallel_loop3A_471] : memref<2x128x64xf32, #tpu.memory_space<vmem>> -> memref<1x128x64xf32, #tpu.memory_space<vmem>>
        %parallel_loop3A_473 = tpu.memref_squeeze %parallel_loop3A_472 : memref<1x128x64xf32, #tpu.memory_space<vmem>> -> memref<128x64xf32, #tpu.memory_space<vmem>>
        %parallel_loop3A_474 = arith.index_cast %parallel_loop3A_432 : i32 to index
        %parallel_loop3A_475 = arith.constant 48 : index
        %parallel_loop3A_476 = tpu.vector_load %parallel_loop3A_473[%parallel_loop3A_474, %parallel_loop3A_475] {strides = array<i32>} : memref<128x64xf32, #tpu.memory_space<vmem>>, vector<16xf32>,
        %parallel_loop3A_477 = arith.constant 0 : i32
        %parallel_loop3A_478 = arith.constant 0 : i32
        %parallel_loop3A_479 = arith.constant 0 : i32
        %parallel_loop3A_480 = tpu.memref_slice %arg7[%parallel_loop3A_139, %parallel_loop3A_477, %parallel_loop3A_478, %parallel_loop3A_479] : memref<2x8x8x129xf32, #tpu.memory_space<vmem>> -> memref<1x8x8x129xf32, #tpu.memory_space<vmem>>
        %parallel_loop3A_481 = tpu.memref_squeeze %parallel_loop3A_480 : memref<1x8x8x129xf32, #tpu.memory_space<vmem>> -> memref<8x8x129xf32, #tpu.memory_space<vmem>>
        tpu.vector_store_idx %parallel_loop3A_481[%shift_right_arithmetic3A_23, %and3A_46, %parallel_loop3A_433], %parallel_loop3A_476 : memref<8x8x129xf32, #tpu.memory_space<vmem>>[vector<16xi32>, vector<16xi32>, vector<16xi32>], vector<16xf32>,
        %parallel_loop3A_482 = arith.constant 8 : i32
        %parallel_loop3A_483 = arith.muli %parallel_loop3A_216, %parallel_loop3A_482 : i32
        %parallel_loop3A_484 = arith.constant 5 : i32
        %parallel_loop3A_485 = arith.addi %parallel_loop3A_483, %parallel_loop3A_484 : i32
        %parallel_loop3A_486 = vector.broadcast %parallel_loop3A_485 : i32 to vector<16xi32>
        %parallel_loop3A_487 = arith.constant 0 : i32
        %parallel_loop3A_488 = arith.constant 0 : i32
        %parallel_loop3A_489 = tpu.memref_slice %arg6[%parallel_loop3A_138, %parallel_loop3A_487, %parallel_loop3A_488] : memref<2x128x64xf32, #tpu.memory_space<vmem>> -> memref<1x128x64xf32, #tpu.memory_space<vmem>>
        %parallel_loop3A_490 = tpu.memref_squeeze %parallel_loop3A_489 : memref<1x128x64xf32, #tpu.memory_space<vmem>> -> memref<128x64xf32, #tpu.memory_space<vmem>>
        %parallel_loop3A_491 = arith.index_cast %parallel_loop3A_485 : i32 to index
        %parallel_loop3A_492 = arith.constant 0 : index
        %parallel_loop3A_493 = tpu.vector_load %parallel_loop3A_490[%parallel_loop3A_491, %parallel_loop3A_492] {strides = array<i32>} : memref<128x64xf32, #tpu.memory_space<vmem>>, vector<16xf32>,
        %parallel_loop3A_494 = arith.constant 0 : i32
        %parallel_loop3A_495 = arith.constant 0 : i32
        %parallel_loop3A_496 = arith.constant 0 : i32
        %parallel_loop3A_497 = tpu.memref_slice %arg7[%parallel_loop3A_139, %parallel_loop3A_494, %parallel_loop3A_495, %parallel_loop3A_496] : memref<2x8x8x129xf32, #tpu.memory_space<vmem>> -> memref<1x8x8x129xf32, #tpu.memory_space<vmem>>
        %parallel_loop3A_498 = tpu.memref_squeeze %parallel_loop3A_497 : memref<1x8x8x129xf32, #tpu.memory_space<vmem>> -> memref<8x8x129xf32, #tpu.memory_space<vmem>>
        tpu.vector_store_idx %parallel_loop3A_498[%shift_right_arithmetic3A_5, %and3A_28, %parallel_loop3A_486], %parallel_loop3A_493 : memref<8x8x129xf32, #tpu.memory_space<vmem>>[vector<16xi32>, vector<16xi32>, vector<16xi32>], vector<16xf32>,
        %parallel_loop3A_499 = arith.constant 0 : i32
        %parallel_loop3A_500 = arith.constant 0 : i32
        %parallel_loop3A_501 = tpu.memref_slice %arg6[%parallel_loop3A_138, %parallel_loop3A_499, %parallel_loop3A_500] : memref<2x128x64xf32, #tpu.memory_space<vmem>> -> memref<1x128x64xf32, #tpu.memory_space<vmem>>
        %parallel_loop3A_502 = tpu.memref_squeeze %parallel_loop3A_501 : memref<1x128x64xf32, #tpu.memory_space<vmem>> -> memref<128x64xf32, #tpu.memory_space<vmem>>
        %parallel_loop3A_503 = arith.index_cast %parallel_loop3A_485 : i32 to index
        %parallel_loop3A_504 = arith.constant 16 : index
        %parallel_loop3A_505 = tpu.vector_load %parallel_loop3A_502[%parallel_loop3A_503, %parallel_loop3A_504] {strides = array<i32>} : memref<128x64xf32, #tpu.memory_space<vmem>>, vector<16xf32>,
        %parallel_loop3A_506 = arith.constant 0 : i32
        %parallel_loop3A_507 = arith.constant 0 : i32
        %parallel_loop3A_508 = arith.constant 0 : i32
        %parallel_loop3A_509 = tpu.memref_slice %arg7[%parallel_loop3A_139, %parallel_loop3A_506, %parallel_loop3A_507, %parallel_loop3A_508] : memref<2x8x8x129xf32, #tpu.memory_space<vmem>> -> memref<1x8x8x129xf32, #tpu.memory_space<vmem>>
        %parallel_loop3A_510 = tpu.memref_squeeze %parallel_loop3A_509 : memref<1x8x8x129xf32, #tpu.memory_space<vmem>> -> memref<8x8x129xf32, #tpu.memory_space<vmem>>
        tpu.vector_store_idx %parallel_loop3A_510[%shift_right_arithmetic3A_11, %and3A_34, %parallel_loop3A_486], %parallel_loop3A_505 : memref<8x8x129xf32, #tpu.memory_space<vmem>>[vector<16xi32>, vector<16xi32>, vector<16xi32>], vector<16xf32>,
        %parallel_loop3A_511 = arith.constant 0 : i32
        %parallel_loop3A_512 = arith.constant 0 : i32
        %parallel_loop3A_513 = tpu.memref_slice %arg6[%parallel_loop3A_138, %parallel_loop3A_511, %parallel_loop3A_512] : memref<2x128x64xf32, #tpu.memory_space<vmem>> -> memref<1x128x64xf32, #tpu.memory_space<vmem>>
        %parallel_loop3A_514 = tpu.memref_squeeze %parallel_loop3A_513 : memref<1x128x64xf32, #tpu.memory_space<vmem>> -> memref<128x64xf32, #tpu.memory_space<vmem>>
        %parallel_loop3A_515 = arith.index_cast %parallel_loop3A_485 : i32 to index
        %parallel_loop3A_516 = arith.constant 32 : index
        %parallel_loop3A_517 = tpu.vector_load %parallel_loop3A_514[%parallel_loop3A_515, %parallel_loop3A_516] {strides = array<i32>} : memref<128x64xf32, #tpu.memory_space<vmem>>, vector<16xf32>,
        %parallel_loop3A_518 = arith.constant 0 : i32
        %parallel_loop3A_519 = arith.constant 0 : i32
        %parallel_loop3A_520 = arith.constant 0 : i32
        %parallel_loop3A_521 = tpu.memref_slice %arg7[%parallel_loop3A_139, %parallel_loop3A_518, %parallel_loop3A_519, %parallel_loop3A_520] : memref<2x8x8x129xf32, #tpu.memory_space<vmem>> -> memref<1x8x8x129xf32, #tpu.memory_space<vmem>>
        %parallel_loop3A_522 = tpu.memref_squeeze %parallel_loop3A_521 : memref<1x8x8x129xf32, #tpu.memory_space<vmem>> -> memref<8x8x129xf32, #tpu.memory_space<vmem>>
        tpu.vector_store_idx %parallel_loop3A_522[%shift_right_arithmetic3A_17, %and3A_40, %parallel_loop3A_486], %parallel_loop3A_517 : memref<8x8x129xf32, #tpu.memory_space<vmem>>[vector<16xi32>, vector<16xi32>, vector<16xi32>], vector<16xf32>,
        %parallel_loop3A_523 = arith.constant 0 : i32
        %parallel_loop3A_524 = arith.constant 0 : i32
        %parallel_loop3A_525 = tpu.memref_slice %arg6[%parallel_loop3A_138, %parallel_loop3A_523, %parallel_loop3A_524] : memref<2x128x64xf32, #tpu.memory_space<vmem>> -> memref<1x128x64xf32, #tpu.memory_space<vmem>>
        %parallel_loop3A_526 = tpu.memref_squeeze %parallel_loop3A_525 : memref<1x128x64xf32, #tpu.memory_space<vmem>> -> memref<128x64xf32, #tpu.memory_space<vmem>>
        %parallel_loop3A_527 = arith.index_cast %parallel_loop3A_485 : i32 to index
        %parallel_loop3A_528 = arith.constant 48 : index
        %parallel_loop3A_529 = tpu.vector_load %parallel_loop3A_526[%parallel_loop3A_527, %parallel_loop3A_528] {strides = array<i32>} : memref<128x64xf32, #tpu.memory_space<vmem>>, vector<16xf32>,
        %parallel_loop3A_530 = arith.constant 0 : i32
        %parallel_loop3A_531 = arith.constant 0 : i32
        %parallel_loop3A_532 = arith.constant 0 : i32
        %parallel_loop3A_533 = tpu.memref_slice %arg7[%parallel_loop3A_139, %parallel_loop3A_530, %parallel_loop3A_531, %parallel_loop3A_532] : memref<2x8x8x129xf32, #tpu.memory_space<vmem>> -> memref<1x8x8x129xf32, #tpu.memory_space<vmem>>
        %parallel_loop3A_534 = tpu.memref_squeeze %parallel_loop3A_533 : memref<1x8x8x129xf32, #tpu.memory_space<vmem>> -> memref<8x8x129xf32, #tpu.memory_space<vmem>>
        tpu.vector_store_idx %parallel_loop3A_534[%shift_right_arithmetic3A_23, %and3A_46, %parallel_loop3A_486], %parallel_loop3A_529 : memref<8x8x129xf32, #tpu.memory_space<vmem>>[vector<16xi32>, vector<16xi32>, vector<16xi32>], vector<16xf32>,
        %parallel_loop3A_535 = arith.constant 8 : i32
        %parallel_loop3A_536 = arith.muli %parallel_loop3A_216, %parallel_loop3A_535 : i32
        %parallel_loop3A_537 = arith.constant 6 : i32
        %parallel_loop3A_538 = arith.addi %parallel_loop3A_536, %parallel_loop3A_537 : i32
        %parallel_loop3A_539 = vector.broadcast %parallel_loop3A_538 : i32 to vector<16xi32>
        %parallel_loop3A_540 = arith.constant 0 : i32
        %parallel_loop3A_541 = arith.constant 0 : i32
        %parallel_loop3A_542 = tpu.memref_slice %arg6[%parallel_loop3A_138, %parallel_loop3A_540, %parallel_loop3A_541] : memref<2x128x64xf32, #tpu.memory_space<vmem>> -> memref<1x128x64xf32, #tpu.memory_space<vmem>>
        %parallel_loop3A_543 = tpu.memref_squeeze %parallel_loop3A_542 : memref<1x128x64xf32, #tpu.memory_space<vmem>> -> memref<128x64xf32, #tpu.memory_space<vmem>>
        %parallel_loop3A_544 = arith.index_cast %parallel_loop3A_538 : i32 to index
        %parallel_loop3A_545 = arith.constant 0 : index
        %parallel_loop3A_546 = tpu.vector_load %parallel_loop3A_543[%parallel_loop3A_544, %parallel_loop3A_545] {strides = array<i32>} : memref<128x64xf32, #tpu.memory_space<vmem>>, vector<16xf32>,
        %parallel_loop3A_547 = arith.constant 0 : i32
        %parallel_loop3A_548 = arith.constant 0 : i32
        %parallel_loop3A_549 = arith.constant 0 : i32
        %parallel_loop3A_550 = tpu.memref_slice %arg7[%parallel_loop3A_139, %parallel_loop3A_547, %parallel_loop3A_548, %parallel_loop3A_549] : memref<2x8x8x129xf32, #tpu.memory_space<vmem>> -> memref<1x8x8x129xf32, #tpu.memory_space<vmem>>
        %parallel_loop3A_551 = tpu.memref_squeeze %parallel_loop3A_550 : memref<1x8x8x129xf32, #tpu.memory_space<vmem>> -> memref<8x8x129xf32, #tpu.memory_space<vmem>>
        tpu.vector_store_idx %parallel_loop3A_551[%shift_right_arithmetic3A_5, %and3A_28, %parallel_loop3A_539], %parallel_loop3A_546 : memref<8x8x129xf32, #tpu.memory_space<vmem>>[vector<16xi32>, vector<16xi32>, vector<16xi32>], vector<16xf32>,
        %parallel_loop3A_552 = arith.constant 0 : i32
        %parallel_loop3A_553 = arith.constant 0 : i32
        %parallel_loop3A_554 = tpu.memref_slice %arg6[%parallel_loop3A_138, %parallel_loop3A_552, %parallel_loop3A_553] : memref<2x128x64xf32, #tpu.memory_space<vmem>> -> memref<1x128x64xf32, #tpu.memory_space<vmem>>
        %parallel_loop3A_555 = tpu.memref_squeeze %parallel_loop3A_554 : memref<1x128x64xf32, #tpu.memory_space<vmem>> -> memref<128x64xf32, #tpu.memory_space<vmem>>
        %parallel_loop3A_556 = arith.index_cast %parallel_loop3A_538 : i32 to index
        %parallel_loop3A_557 = arith.constant 16 : index
        %parallel_loop3A_558 = tpu.vector_load %parallel_loop3A_555[%parallel_loop3A_556, %parallel_loop3A_557] {strides = array<i32>} : memref<128x64xf32, #tpu.memory_space<vmem>>, vector<16xf32>,
        %parallel_loop3A_559 = arith.constant 0 : i32
        %parallel_loop3A_560 = arith.constant 0 : i32
        %parallel_loop3A_561 = arith.constant 0 : i32
        %parallel_loop3A_562 = tpu.memref_slice %arg7[%parallel_loop3A_139, %parallel_loop3A_559, %parallel_loop3A_560, %parallel_loop3A_561] : memref<2x8x8x129xf32, #tpu.memory_space<vmem>> -> memref<1x8x8x129xf32, #tpu.memory_space<vmem>>
        %parallel_loop3A_563 = tpu.memref_squeeze %parallel_loop3A_562 : memref<1x8x8x129xf32, #tpu.memory_space<vmem>> -> memref<8x8x129xf32, #tpu.memory_space<vmem>>
        tpu.vector_store_idx %parallel_loop3A_563[%shift_right_arithmetic3A_11, %and3A_34, %parallel_loop3A_539], %parallel_loop3A_558 : memref<8x8x129xf32, #tpu.memory_space<vmem>>[vector<16xi32>, vector<16xi32>, vector<16xi32>], vector<16xf32>,
        %parallel_loop3A_564 = arith.constant 0 : i32
        %parallel_loop3A_565 = arith.constant 0 : i32
        %parallel_loop3A_566 = tpu.memref_slice %arg6[%parallel_loop3A_138, %parallel_loop3A_564, %parallel_loop3A_565] : memref<2x128x64xf32, #tpu.memory_space<vmem>> -> memref<1x128x64xf32, #tpu.memory_space<vmem>>
        %parallel_loop3A_567 = tpu.memref_squeeze %parallel_loop3A_566 : memref<1x128x64xf32, #tpu.memory_space<vmem>> -> memref<128x64xf32, #tpu.memory_space<vmem>>
        %parallel_loop3A_568 = arith.index_cast %parallel_loop3A_538 : i32 to index
        %parallel_loop3A_569 = arith.constant 32 : index
        %parallel_loop3A_570 = tpu.vector_load %parallel_loop3A_567[%parallel_loop3A_568, %parallel_loop3A_569] {strides = array<i32>} : memref<128x64xf32, #tpu.memory_space<vmem>>, vector<16xf32>,
        %parallel_loop3A_571 = arith.constant 0 : i32
        %parallel_loop3A_572 = arith.constant 0 : i32
        %parallel_loop3A_573 = arith.constant 0 : i32
        %parallel_loop3A_574 = tpu.memref_slice %arg7[%parallel_loop3A_139, %parallel_loop3A_571, %parallel_loop3A_572, %parallel_loop3A_573] : memref<2x8x8x129xf32, #tpu.memory_space<vmem>> -> memref<1x8x8x129xf32, #tpu.memory_space<vmem>>
        %parallel_loop3A_575 = tpu.memref_squeeze %parallel_loop3A_574 : memref<1x8x8x129xf32, #tpu.memory_space<vmem>> -> memref<8x8x129xf32, #tpu.memory_space<vmem>>
        tpu.vector_store_idx %parallel_loop3A_575[%shift_right_arithmetic3A_17, %and3A_40, %parallel_loop3A_539], %parallel_loop3A_570 : memref<8x8x129xf32, #tpu.memory_space<vmem>>[vector<16xi32>, vector<16xi32>, vector<16xi32>], vector<16xf32>,
        %parallel_loop3A_576 = arith.constant 0 : i32
        %parallel_loop3A_577 = arith.constant 0 : i32
        %parallel_loop3A_578 = tpu.memref_slice %arg6[%parallel_loop3A_138, %parallel_loop3A_576, %parallel_loop3A_577] : memref<2x128x64xf32, #tpu.memory_space<vmem>> -> memref<1x128x64xf32, #tpu.memory_space<vmem>>
        %parallel_loop3A_579 = tpu.memref_squeeze %parallel_loop3A_578 : memref<1x128x64xf32, #tpu.memory_space<vmem>> -> memref<128x64xf32, #tpu.memory_space<vmem>>
        %parallel_loop3A_580 = arith.index_cast %parallel_loop3A_538 : i32 to index
        %parallel_loop3A_581 = arith.constant 48 : index
        %parallel_loop3A_582 = tpu.vector_load %parallel_loop3A_579[%parallel_loop3A_580, %parallel_loop3A_581] {strides = array<i32>} : memref<128x64xf32, #tpu.memory_space<vmem>>, vector<16xf32>,
        %parallel_loop3A_583 = arith.constant 0 : i32
        %parallel_loop3A_584 = arith.constant 0 : i32
        %parallel_loop3A_585 = arith.constant 0 : i32
        %parallel_loop3A_586 = tpu.memref_slice %arg7[%parallel_loop3A_139, %parallel_loop3A_583, %parallel_loop3A_584, %parallel_loop3A_585] : memref<2x8x8x129xf32, #tpu.memory_space<vmem>> -> memref<1x8x8x129xf32, #tpu.memory_space<vmem>>
        %parallel_loop3A_587 = tpu.memref_squeeze %parallel_loop3A_586 : memref<1x8x8x129xf32, #tpu.memory_space<vmem>> -> memref<8x8x129xf32, #tpu.memory_space<vmem>>
        tpu.vector_store_idx %parallel_loop3A_587[%shift_right_arithmetic3A_23, %and3A_46, %parallel_loop3A_539], %parallel_loop3A_582 : memref<8x8x129xf32, #tpu.memory_space<vmem>>[vector<16xi32>, vector<16xi32>, vector<16xi32>], vector<16xf32>,
        %parallel_loop3A_588 = arith.constant 8 : i32
        %parallel_loop3A_589 = arith.muli %parallel_loop3A_216, %parallel_loop3A_588 : i32
        %parallel_loop3A_590 = arith.constant 7 : i32
        %parallel_loop3A_591 = arith.addi %parallel_loop3A_589, %parallel_loop3A_590 : i32
        %parallel_loop3A_592 = vector.broadcast %parallel_loop3A_591 : i32 to vector<16xi32>
        %parallel_loop3A_593 = arith.constant 0 : i32
        %parallel_loop3A_594 = arith.constant 0 : i32
        %parallel_loop3A_595 = tpu.memref_slice %arg6[%parallel_loop3A_138, %parallel_loop3A_593, %parallel_loop3A_594] : memref<2x128x64xf32, #tpu.memory_space<vmem>> -> memref<1x128x64xf32, #tpu.memory_space<vmem>>
        %parallel_loop3A_596 = tpu.memref_squeeze %parallel_loop3A_595 : memref<1x128x64xf32, #tpu.memory_space<vmem>> -> memref<128x64xf32, #tpu.memory_space<vmem>>
        %parallel_loop3A_597 = arith.index_cast %parallel_loop3A_591 : i32 to index
        %parallel_loop3A_598 = arith.constant 0 : index
        %parallel_loop3A_599 = tpu.vector_load %parallel_loop3A_596[%parallel_loop3A_597, %parallel_loop3A_598] {strides = array<i32>} : memref<128x64xf32, #tpu.memory_space<vmem>>, vector<16xf32>,
        %parallel_loop3A_600 = arith.constant 0 : i32
        %parallel_loop3A_601 = arith.constant 0 : i32
        %parallel_loop3A_602 = arith.constant 0 : i32
        %parallel_loop3A_603 = tpu.memref_slice %arg7[%parallel_loop3A_139, %parallel_loop3A_600, %parallel_loop3A_601, %parallel_loop3A_602] : memref<2x8x8x129xf32, #tpu.memory_space<vmem>> -> memref<1x8x8x129xf32, #tpu.memory_space<vmem>>
        %parallel_loop3A_604 = tpu.memref_squeeze %parallel_loop3A_603 : memref<1x8x8x129xf32, #tpu.memory_space<vmem>> -> memref<8x8x129xf32, #tpu.memory_space<vmem>>
        tpu.vector_store_idx %parallel_loop3A_604[%shift_right_arithmetic3A_5, %and3A_28, %parallel_loop3A_592], %parallel_loop3A_599 : memref<8x8x129xf32, #tpu.memory_space<vmem>>[vector<16xi32>, vector<16xi32>, vector<16xi32>], vector<16xf32>,
        %parallel_loop3A_605 = arith.constant 0 : i32
        %parallel_loop3A_606 = arith.constant 0 : i32
        %parallel_loop3A_607 = tpu.memref_slice %arg6[%parallel_loop3A_138, %parallel_loop3A_605, %parallel_loop3A_606] : memref<2x128x64xf32, #tpu.memory_space<vmem>> -> memref<1x128x64xf32, #tpu.memory_space<vmem>>
        %parallel_loop3A_608 = tpu.memref_squeeze %parallel_loop3A_607 : memref<1x128x64xf32, #tpu.memory_space<vmem>> -> memref<128x64xf32, #tpu.memory_space<vmem>>
        %parallel_loop3A_609 = arith.index_cast %parallel_loop3A_591 : i32 to index
        %parallel_loop3A_610 = arith.constant 16 : index
        %parallel_loop3A_611 = tpu.vector_load %parallel_loop3A_608[%parallel_loop3A_609, %parallel_loop3A_610] {strides = array<i32>} : memref<128x64xf32, #tpu.memory_space<vmem>>, vector<16xf32>,
        %parallel_loop3A_612 = arith.constant 0 : i32
        %parallel_loop3A_613 = arith.constant 0 : i32
        %parallel_loop3A_614 = arith.constant 0 : i32
        %parallel_loop3A_615 = tpu.memref_slice %arg7[%parallel_loop3A_139, %parallel_loop3A_612, %parallel_loop3A_613, %parallel_loop3A_614] : memref<2x8x8x129xf32, #tpu.memory_space<vmem>> -> memref<1x8x8x129xf32, #tpu.memory_space<vmem>>
        %parallel_loop3A_616 = tpu.memref_squeeze %parallel_loop3A_615 : memref<1x8x8x129xf32, #tpu.memory_space<vmem>> -> memref<8x8x129xf32, #tpu.memory_space<vmem>>
        tpu.vector_store_idx %parallel_loop3A_616[%shift_right_arithmetic3A_11, %and3A_34, %parallel_loop3A_592], %parallel_loop3A_611 : memref<8x8x129xf32, #tpu.memory_space<vmem>>[vector<16xi32>, vector<16xi32>, vector<16xi32>], vector<16xf32>,
        %parallel_loop3A_617 = arith.constant 0 : i32
        %parallel_loop3A_618 = arith.constant 0 : i32
        %parallel_loop3A_619 = tpu.memref_slice %arg6[%parallel_loop3A_138, %parallel_loop3A_617, %parallel_loop3A_618] : memref<2x128x64xf32, #tpu.memory_space<vmem>> -> memref<1x128x64xf32, #tpu.memory_space<vmem>>
        %parallel_loop3A_620 = tpu.memref_squeeze %parallel_loop3A_619 : memref<1x128x64xf32, #tpu.memory_space<vmem>> -> memref<128x64xf32, #tpu.memory_space<vmem>>
        %parallel_loop3A_621 = arith.index_cast %parallel_loop3A_591 : i32 to index
        %parallel_loop3A_622 = arith.constant 32 : index
        %parallel_loop3A_623 = tpu.vector_load %parallel_loop3A_620[%parallel_loop3A_621, %parallel_loop3A_622] {strides = array<i32>} : memref<128x64xf32, #tpu.memory_space<vmem>>, vector<16xf32>,
        %parallel_loop3A_624 = arith.constant 0 : i32
        %parallel_loop3A_625 = arith.constant 0 : i32
        %parallel_loop3A_626 = arith.constant 0 : i32
        %parallel_loop3A_627 = tpu.memref_slice %arg7[%parallel_loop3A_139, %parallel_loop3A_624, %parallel_loop3A_625, %parallel_loop3A_626] : memref<2x8x8x129xf32, #tpu.memory_space<vmem>> -> memref<1x8x8x129xf32, #tpu.memory_space<vmem>>
        %parallel_loop3A_628 = tpu.memref_squeeze %parallel_loop3A_627 : memref<1x8x8x129xf32, #tpu.memory_space<vmem>> -> memref<8x8x129xf32, #tpu.memory_space<vmem>>
        tpu.vector_store_idx %parallel_loop3A_628[%shift_right_arithmetic3A_17, %and3A_40, %parallel_loop3A_592], %parallel_loop3A_623 : memref<8x8x129xf32, #tpu.memory_space<vmem>>[vector<16xi32>, vector<16xi32>, vector<16xi32>], vector<16xf32>,
        %parallel_loop3A_629 = arith.constant 0 : i32
        %parallel_loop3A_630 = arith.constant 0 : i32
        %parallel_loop3A_631 = tpu.memref_slice %arg6[%parallel_loop3A_138, %parallel_loop3A_629, %parallel_loop3A_630] : memref<2x128x64xf32, #tpu.memory_space<vmem>> -> memref<1x128x64xf32, #tpu.memory_space<vmem>>
        %parallel_loop3A_632 = tpu.memref_squeeze %parallel_loop3A_631 : memref<1x128x64xf32, #tpu.memory_space<vmem>> -> memref<128x64xf32, #tpu.memory_space<vmem>>
        %parallel_loop3A_633 = arith.index_cast %parallel_loop3A_591 : i32 to index
        %parallel_loop3A_634 = arith.constant 48 : index
        %parallel_loop3A_635 = tpu.vector_load %parallel_loop3A_632[%parallel_loop3A_633, %parallel_loop3A_634] {strides = array<i32>} : memref<128x64xf32, #tpu.memory_space<vmem>>, vector<16xf32>,
        %parallel_loop3A_636 = arith.constant 0 : i32
        %parallel_loop3A_637 = arith.constant 0 : i32
        %parallel_loop3A_638 = arith.constant 0 : i32
        %parallel_loop3A_639 = tpu.memref_slice %arg7[%parallel_loop3A_139, %parallel_loop3A_636, %parallel_loop3A_637, %parallel_loop3A_638] : memref<2x8x8x129xf32, #tpu.memory_space<vmem>> -> memref<1x8x8x129xf32, #tpu.memory_space<vmem>>
        %parallel_loop3A_640 = tpu.memref_squeeze %parallel_loop3A_639 : memref<1x8x8x129xf32, #tpu.memory_space<vmem>> -> memref<8x8x129xf32, #tpu.memory_space<vmem>>
        tpu.vector_store_idx %parallel_loop3A_640[%shift_right_arithmetic3A_23, %and3A_46, %parallel_loop3A_592], %parallel_loop3A_635 : memref<8x8x129xf32, #tpu.memory_space<vmem>>[vector<16xi32>, vector<16xi32>, vector<16xi32>], vector<16xf32>,
      } {sc.loop_unroll_factor = 1 : i64, sc.parallel_access}
      %dma_start3A_140 = arith.constant 0 : i32
      %dma_start3A_141 = arith.constant 0 : i32
      %dma_start3A_142 = arith.constant 0 : i32
      %dma_start3A_143 = arith.constant 0 : i32
      %dma_start3A_144 = tpu.memref_slice %arg7[%dma_start3A_140, %dma_start3A_141, %dma_start3A_142, %dma_start3A_143] : memref<2x8x8x129xf32, #tpu.memory_space<vmem>> -> memref<1x8x8x128xf32, #tpu.memory_space<vmem>>
      %dma_start3A_145 = tpu.memref_squeeze %dma_start3A_144 : memref<1x8x8x128xf32, #tpu.memory_space<vmem>> -> memref<8x8x128xf32, #tpu.memory_space<vmem>>
      %dma_start3A_146 = arith.constant 0 : i32
      %dma_start3A_147 = arith.constant 0 : i32
      %dma_start3A_148 = arith.constant 0 : i32
      %dma_start3A_149 = tpu.memref_slice %arg4[%add3A_122, %dma_start3A_146, %add3A, %dma_start3A_147, %dma_start3A_148] : memref<26x8x32x8x128xf32, #tpu.memory_space<hbm>> -> memref<1x8x1x8x128xf32, #tpu.memory_space<hbm>>
      %dma_start3A_150 = tpu.memref_squeeze %dma_start3A_149 : memref<1x8x1x8x128xf32, #tpu.memory_space<hbm>> -> memref<8x8x128xf32, #tpu.memory_space<hbm>>
      %dma_start3A_151 = arith.constant 0 : i32
      %dma_start3A_152 = arith.constant 0 : i32
      %dma_start3A_153 = arith.constant 0 : i32
      %dma_start3A_154 = tpu.memref_slice %arg4[%add3A_122, %dma_start3A_151, %add3A, %dma_start3A_152, %dma_start3A_153] : memref<26x8x32x8x128xf32, #tpu.memory_space<hbm>> -> memref<1x8x1x8x128xf32, #tpu.memory_space<hbm>>
      %dma_start3A_155 = tpu.memref_squeeze %dma_start3A_154 : memref<1x8x1x8x128xf32, #tpu.memory_space<hbm>> -> memref<8x8x128xf32, #tpu.memory_space<hbm>>
      %dma_start3A_156 = arith.constant 0 : i32
      %dma_start3A_157 = arith.constant 0 : i32
      %dma_start3A_158 = arith.constant 0 : i32
      %dma_start3A_159 = tpu.memref_slice %arg7[%dma_start3A_140, %dma_start3A_156, %dma_start3A_157, %dma_start3A_158] : memref<2x8x8x129xf32, #tpu.memory_space<vmem>> -> memref<1x8x8x128xf32, #tpu.memory_space<vmem>>
      %dma_start3A_160 = tpu.memref_squeeze %dma_start3A_159 : memref<1x8x8x128xf32, #tpu.memory_space<vmem>> -> memref<8x8x128xf32, #tpu.memory_space<vmem>>
      tpu.enqueue_dma source(%dma_start3A_160 : memref<8x8x128xf32, #tpu.memory_space<vmem>>) target(%dma_start3A_155 : memref<8x8x128xf32, #tpu.memory_space<hbm>>) target_semaphore(%arg10 : memref<!tpu.dma_semaphore, #tpu.memory_space<semaphore_mem>>)
      %lt3A = arith.constant 24 : i32
      %lt3A_161 = arith.cmpi slt, %add3A_122, %lt3A : i32
      %convert_element_type3A_162 = arith.extui %lt3A_161 : i1 to i32
      %cond3A_163 = arith.constant 0 : i32
      %cond3A_164 = arith.cmpi ne, %convert_element_type3A_162, %cond3A_163 : i32
      scf.if %cond3A_164 {
        %add3A_216 = arith.constant 2 : i32
        %add3A_217 = arith.addi %add3A_122, %add3A_216 : i32
        %dma_start3A_218 = arith.constant 0 : i32
        %dma_start3A_219 = arith.constant 0 : i32
        %dma_start3A_220 = arith.constant 0 : i32
        %dma_start3A_221 = tpu.memref_slice %arg6[%dma_start3A_218, %dma_start3A_219, %dma_start3A_220] : memref<2x128x64xf32, #tpu.memory_space<vmem>> -> memref<1x128x64xf32, #tpu.memory_space<vmem>>
        %dma_start3A_222 = tpu.memref_squeeze %dma_start3A_221 : memref<1x128x64xf32, #tpu.memory_space<vmem>> -> memref<128x64xf32, #tpu.memory_space<vmem>>
        %dma_start3A_223 = arith.constant 0 : i32
        %dma_start3A_224 = tpu.memref_slice %arg5[%add3A_217, %dma_start3A_223] : memref<26x128xi32, #tpu.memory_space<vmem>> -> memref<1x128xi32, #tpu.memory_space<vmem>>
        %dma_start3A_225 = tpu.memref_squeeze %dma_start3A_224 : memref<1x128xi32, #tpu.memory_space<vmem>> -> memref<128xi32, #tpu.memory_space<vmem>>
        %dma_start3A_226 = arith.constant 0 : i32
        %dma_start3A_227 = arith.constant 0 : i32
        %dma_start3A_228 = tpu.memref_slice %arg3[%dma_start3A_226, %dma_start3A_227] : memref<100000x64xf32, #tpu.memory_space<hbm>> -> memref<100000x64xf32, #tpu.memory_space<hbm>>
        tpu.enqueue_indirect_dma source(%dma_start3A_228 : memref<100000x64xf32, #tpu.memory_space<hbm>>) target(%dma_start3A_222 : memref<128x64xf32, #tpu.memory_space<vmem>>) offsets(%dma_start3A_225 : memref<128xi32, #tpu.memory_space<vmem>>) semaphore(%arg8 : memref<!tpu.dma_semaphore, #tpu.memory_space<semaphore_mem>>)
      } else {
      }
      %mul3A_165 = arith.constant 2 : i32
      %mul3A_166 = arith.muli %mul3A_165, %scan3A_118 : i32
      %add3A_167 = arith.constant 1 : i32
      %add3A_168 = arith.addi %mul3A_166, %add3A_167 : i32
      %gt3A_169 = arith.constant 0 : i32
      %gt3A_170 = arith.cmpi sgt, %scan3A_118, %gt3A_169 : i32
      %convert_element_type3A_171 = arith.extui %gt3A_170 : i1 to i32
      %cond3A_172 = arith.constant 0 : i32
      %cond3A_173 = arith.cmpi ne, %convert_element_type3A_171, %cond3A_172 : i32
      scf.if %cond3A_173 {
        %sub3A = arith.constant 2 : i32
        %sub3A_216 = arith.subi %add3A_168, %sub3A : i32
        %dma_wait3A_217 = arith.constant 1 : i32
        %dma_wait3A_218 = arith.constant 0 : i32
        %dma_wait3A_219 = arith.constant 0 : i32
        %dma_wait3A_220 = arith.constant 0 : i32
        %dma_wait3A_221 = tpu.memref_slice %arg7[%dma_wait3A_217, %dma_wait3A_218, %dma_wait3A_219, %dma_wait3A_220] : memref<2x8x8x129xf32, #tpu.memory_space<vmem>> -> memref<1x8x8x128xf32, #tpu.memory_space<vmem>>
        %dma_wait3A_222 = tpu.memref_squeeze %dma_wait3A_221 : memref<1x8x8x128xf32, #tpu.memory_space<vmem>> -> memref<8x8x128xf32, #tpu.memory_space<vmem>>
        %dma_wait3A_223 = arith.constant 0 : i32
        %dma_wait3A_224 = arith.constant 0 : i32
        %dma_wait3A_225 = arith.constant 0 : i32
        %dma_wait3A_226 = tpu.memref_slice %arg4[%sub3A_216, %dma_wait3A_223, %add3A, %dma_wait3A_224, %dma_wait3A_225] : memref<26x8x32x8x128xf32, #tpu.memory_space<hbm>> -> memref<1x8x1x8x128xf32, #tpu.memory_space<hbm>>
        %dma_wait3A_227 = tpu.memref_squeeze %dma_wait3A_226 : memref<1x8x1x8x128xf32, #tpu.memory_space<hbm>> -> memref<8x8x128xf32, #tpu.memory_space<hbm>>
        %dma_wait3A_228 = arith.constant 0 : i32
        %dma_wait3A_229 = arith.constant 0 : i32
        %dma_wait3A_230 = arith.constant 0 : i32
        %dma_wait3A_231 = tpu.memref_slice %arg4[%sub3A_216, %dma_wait3A_228, %add3A, %dma_wait3A_229, %dma_wait3A_230] : memref<26x8x32x8x128xf32, #tpu.memory_space<hbm>> -> memref<1x8x1x8x128xf32, #tpu.memory_space<hbm>>
        %dma_wait3A_232 = tpu.memref_squeeze %dma_wait3A_231 : memref<1x8x1x8x128xf32, #tpu.memory_space<hbm>> -> memref<8x8x128xf32, #tpu.memory_space<hbm>>
        %dma_wait3A_233 = arith.constant 0 : i32
        %dma_wait3A_234 = arith.constant 0 : i32
        %dma_wait3A_235 = arith.constant 0 : i32
        %dma_wait3A_236 = tpu.memref_slice %arg7[%dma_wait3A_217, %dma_wait3A_233, %dma_wait3A_234, %dma_wait3A_235] : memref<2x8x8x129xf32, #tpu.memory_space<vmem>> -> memref<1x8x8x128xf32, #tpu.memory_space<vmem>>
        %dma_wait3A_237 = tpu.memref_squeeze %dma_wait3A_236 : memref<1x8x8x128xf32, #tpu.memory_space<vmem>> -> memref<8x8x128xf32, #tpu.memory_space<vmem>>
        tpu.wait_dma2 semaphore(%arg11 : memref<!tpu.dma_semaphore, #tpu.memory_space<semaphore_mem>>) src(%dma_wait3A_237 : memref<8x8x128xf32, #tpu.memory_space<vmem>>) dst(%dma_wait3A_232 : memref<8x8x128xf32, #tpu.memory_space<hbm>>)
      } else {
      }
      %dma_wait3A_174 = arith.constant 1 : i32
      %dma_wait3A_175 = arith.constant 0 : i32
      %dma_wait3A_176 = arith.constant 0 : i32
      %dma_wait3A_177 = tpu.memref_slice %arg6[%dma_wait3A_174, %dma_wait3A_175, %dma_wait3A_176] : memref<2x128x64xf32, #tpu.memory_space<vmem>> -> memref<1x128x64xf32, #tpu.memory_space<vmem>>
      %dma_wait3A_178 = tpu.memref_squeeze %dma_wait3A_177 : memref<1x128x64xf32, #tpu.memory_space<vmem>> -> memref<128x64xf32, #tpu.memory_space<vmem>>
      %dma_wait3A_179 = arith.constant 0 : i32
      %dma_wait3A_180 = tpu.memref_slice %arg5[%add3A_168, %dma_wait3A_179] : memref<26x128xi32, #tpu.memory_space<vmem>> -> memref<1x128xi32, #tpu.memory_space<vmem>>
      %dma_wait3A_181 = tpu.memref_squeeze %dma_wait3A_180 : memref<1x128xi32, #tpu.memory_space<vmem>> -> memref<128xi32, #tpu.memory_space<vmem>>
      %dma_wait3A_182 = arith.constant 0 : i32
      %dma_wait3A_183 = arith.constant 0 : i32
      %dma_wait3A_184 = tpu.memref_slice %arg3[%dma_wait3A_182, %dma_wait3A_183] : memref<100000x64xf32, #tpu.memory_space<hbm>> -> memref<100000x64xf32, #tpu.memory_space<hbm>>
      tpu.wait_indirect_dma semaphore(%arg9 : memref<!tpu.dma_semaphore, #tpu.memory_space<semaphore_mem>>) src(%dma_wait3A_184 : memref<100000x64xf32, #tpu.memory_space<hbm>>) dst(%dma_wait3A_178 : memref<128x64xf32, #tpu.memory_space<vmem>>)
      %parallel_loop3A_185 = arith.constant 0 : i32
      %parallel_loop3A_186 = arith.constant 16 : i32
      %parallel_loop3A_187 = arith.constant 1 : i32
      %parallel_loop3A_188 = arith.constant 1 : i32
      %parallel_loop3A_189 = arith.constant 1 : i32
      scf.for %parallel_loop3A_216 = %parallel_loop3A_185 to %parallel_loop3A_186 step %parallel_loop3A_187  : i32 {
        %parallel_loop3A_217 = arith.constant 8 : i32
        %parallel_loop3A_218 = arith.muli %parallel_loop3A_216, %parallel_loop3A_217 : i32
        %parallel_loop3A_219 = arith.constant 0 : i32
        %parallel_loop3A_220 = arith.addi %parallel_loop3A_218, %parallel_loop3A_219 : i32
        %parallel_loop3A_221 = vector.broadcast %parallel_loop3A_220 : i32 to vector<16xi32>
        %parallel_loop3A_222 = arith.constant 0 : i32
        %parallel_loop3A_223 = arith.constant 0 : i32
        %parallel_loop3A_224 = tpu.memref_slice %arg6[%parallel_loop3A_188, %parallel_loop3A_222, %parallel_loop3A_223] : memref<2x128x64xf32, #tpu.memory_space<vmem>> -> memref<1x128x64xf32, #tpu.memory_space<vmem>>
        %parallel_loop3A_225 = tpu.memref_squeeze %parallel_loop3A_224 : memref<1x128x64xf32, #tpu.memory_space<vmem>> -> memref<128x64xf32, #tpu.memory_space<vmem>>
        %parallel_loop3A_226 = arith.index_cast %parallel_loop3A_220 : i32 to index
        %parallel_loop3A_227 = arith.constant 0 : index
        %parallel_loop3A_228 = tpu.vector_load %parallel_loop3A_225[%parallel_loop3A_226, %parallel_loop3A_227] {strides = array<i32>} : memref<128x64xf32, #tpu.memory_space<vmem>>, vector<16xf32>,
        %parallel_loop3A_229 = arith.constant 0 : i32
        %parallel_loop3A_230 = arith.constant 0 : i32
        %parallel_loop3A_231 = arith.constant 0 : i32
        %parallel_loop3A_232 = tpu.memref_slice %arg7[%parallel_loop3A_189, %parallel_loop3A_229, %parallel_loop3A_230, %parallel_loop3A_231] : memref<2x8x8x129xf32, #tpu.memory_space<vmem>> -> memref<1x8x8x129xf32, #tpu.memory_space<vmem>>
        %parallel_loop3A_233 = tpu.memref_squeeze %parallel_loop3A_232 : memref<1x8x8x129xf32, #tpu.memory_space<vmem>> -> memref<8x8x129xf32, #tpu.memory_space<vmem>>
        tpu.vector_store_idx %parallel_loop3A_233[%shift_right_arithmetic3A_5, %and3A_28, %parallel_loop3A_221], %parallel_loop3A_228 : memref<8x8x129xf32, #tpu.memory_space<vmem>>[vector<16xi32>, vector<16xi32>, vector<16xi32>], vector<16xf32>,
        %parallel_loop3A_234 = arith.constant 0 : i32
        %parallel_loop3A_235 = arith.constant 0 : i32
        %parallel_loop3A_236 = tpu.memref_slice %arg6[%parallel_loop3A_188, %parallel_loop3A_234, %parallel_loop3A_235] : memref<2x128x64xf32, #tpu.memory_space<vmem>> -> memref<1x128x64xf32, #tpu.memory_space<vmem>>
        %parallel_loop3A_237 = tpu.memref_squeeze %parallel_loop3A_236 : memref<1x128x64xf32, #tpu.memory_space<vmem>> -> memref<128x64xf32, #tpu.memory_space<vmem>>
        %parallel_loop3A_238 = arith.index_cast %parallel_loop3A_220 : i32 to index
        %parallel_loop3A_239 = arith.constant 16 : index
        %parallel_loop3A_240 = tpu.vector_load %parallel_loop3A_237[%parallel_loop3A_238, %parallel_loop3A_239] {strides = array<i32>} : memref<128x64xf32, #tpu.memory_space<vmem>>, vector<16xf32>,
        %parallel_loop3A_241 = arith.constant 0 : i32
        %parallel_loop3A_242 = arith.constant 0 : i32
        %parallel_loop3A_243 = arith.constant 0 : i32
        %parallel_loop3A_244 = tpu.memref_slice %arg7[%parallel_loop3A_189, %parallel_loop3A_241, %parallel_loop3A_242, %parallel_loop3A_243] : memref<2x8x8x129xf32, #tpu.memory_space<vmem>> -> memref<1x8x8x129xf32, #tpu.memory_space<vmem>>
        %parallel_loop3A_245 = tpu.memref_squeeze %parallel_loop3A_244 : memref<1x8x8x129xf32, #tpu.memory_space<vmem>> -> memref<8x8x129xf32, #tpu.memory_space<vmem>>
        tpu.vector_store_idx %parallel_loop3A_245[%shift_right_arithmetic3A_11, %and3A_34, %parallel_loop3A_221], %parallel_loop3A_240 : memref<8x8x129xf32, #tpu.memory_space<vmem>>[vector<16xi32>, vector<16xi32>, vector<16xi32>], vector<16xf32>,
        %parallel_loop3A_246 = arith.constant 0 : i32
        %parallel_loop3A_247 = arith.constant 0 : i32
        %parallel_loop3A_248 = tpu.memref_slice %arg6[%parallel_loop3A_188, %parallel_loop3A_246, %parallel_loop3A_247] : memref<2x128x64xf32, #tpu.memory_space<vmem>> -> memref<1x128x64xf32, #tpu.memory_space<vmem>>
        %parallel_loop3A_249 = tpu.memref_squeeze %parallel_loop3A_248 : memref<1x128x64xf32, #tpu.memory_space<vmem>> -> memref<128x64xf32, #tpu.memory_space<vmem>>
        %parallel_loop3A_250 = arith.index_cast %parallel_loop3A_220 : i32 to index
        %parallel_loop3A_251 = arith.constant 32 : index
        %parallel_loop3A_252 = tpu.vector_load %parallel_loop3A_249[%parallel_loop3A_250, %parallel_loop3A_251] {strides = array<i32>} : memref<128x64xf32, #tpu.memory_space<vmem>>, vector<16xf32>,
        %parallel_loop3A_253 = arith.constant 0 : i32
        %parallel_loop3A_254 = arith.constant 0 : i32
        %parallel_loop3A_255 = arith.constant 0 : i32
        %parallel_loop3A_256 = tpu.memref_slice %arg7[%parallel_loop3A_189, %parallel_loop3A_253, %parallel_loop3A_254, %parallel_loop3A_255] : memref<2x8x8x129xf32, #tpu.memory_space<vmem>> -> memref<1x8x8x129xf32, #tpu.memory_space<vmem>>
        %parallel_loop3A_257 = tpu.memref_squeeze %parallel_loop3A_256 : memref<1x8x8x129xf32, #tpu.memory_space<vmem>> -> memref<8x8x129xf32, #tpu.memory_space<vmem>>
        tpu.vector_store_idx %parallel_loop3A_257[%shift_right_arithmetic3A_17, %and3A_40, %parallel_loop3A_221], %parallel_loop3A_252 : memref<8x8x129xf32, #tpu.memory_space<vmem>>[vector<16xi32>, vector<16xi32>, vector<16xi32>], vector<16xf32>,
        %parallel_loop3A_258 = arith.constant 0 : i32
        %parallel_loop3A_259 = arith.constant 0 : i32
        %parallel_loop3A_260 = tpu.memref_slice %arg6[%parallel_loop3A_188, %parallel_loop3A_258, %parallel_loop3A_259] : memref<2x128x64xf32, #tpu.memory_space<vmem>> -> memref<1x128x64xf32, #tpu.memory_space<vmem>>
        %parallel_loop3A_261 = tpu.memref_squeeze %parallel_loop3A_260 : memref<1x128x64xf32, #tpu.memory_space<vmem>> -> memref<128x64xf32, #tpu.memory_space<vmem>>
        %parallel_loop3A_262 = arith.index_cast %parallel_loop3A_220 : i32 to index
        %parallel_loop3A_263 = arith.constant 48 : index
        %parallel_loop3A_264 = tpu.vector_load %parallel_loop3A_261[%parallel_loop3A_262, %parallel_loop3A_263] {strides = array<i32>} : memref<128x64xf32, #tpu.memory_space<vmem>>, vector<16xf32>,
        %parallel_loop3A_265 = arith.constant 0 : i32
        %parallel_loop3A_266 = arith.constant 0 : i32
        %parallel_loop3A_267 = arith.constant 0 : i32
        %parallel_loop3A_268 = tpu.memref_slice %arg7[%parallel_loop3A_189, %parallel_loop3A_265, %parallel_loop3A_266, %parallel_loop3A_267] : memref<2x8x8x129xf32, #tpu.memory_space<vmem>> -> memref<1x8x8x129xf32, #tpu.memory_space<vmem>>
        %parallel_loop3A_269 = tpu.memref_squeeze %parallel_loop3A_268 : memref<1x8x8x129xf32, #tpu.memory_space<vmem>> -> memref<8x8x129xf32, #tpu.memory_space<vmem>>
        tpu.vector_store_idx %parallel_loop3A_269[%shift_right_arithmetic3A_23, %and3A_46, %parallel_loop3A_221], %parallel_loop3A_264 : memref<8x8x129xf32, #tpu.memory_space<vmem>>[vector<16xi32>, vector<16xi32>, vector<16xi32>], vector<16xf32>,
        %parallel_loop3A_270 = arith.constant 8 : i32
        %parallel_loop3A_271 = arith.muli %parallel_loop3A_216, %parallel_loop3A_270 : i32
        %parallel_loop3A_272 = arith.constant 1 : i32
        %parallel_loop3A_273 = arith.addi %parallel_loop3A_271, %parallel_loop3A_272 : i32
        %parallel_loop3A_274 = vector.broadcast %parallel_loop3A_273 : i32 to vector<16xi32>
        %parallel_loop3A_275 = arith.constant 0 : i32
        %parallel_loop3A_276 = arith.constant 0 : i32
        %parallel_loop3A_277 = tpu.memref_slice %arg6[%parallel_loop3A_188, %parallel_loop3A_275, %parallel_loop3A_276] : memref<2x128x64xf32, #tpu.memory_space<vmem>> -> memref<1x128x64xf32, #tpu.memory_space<vmem>>
        %parallel_loop3A_278 = tpu.memref_squeeze %parallel_loop3A_277 : memref<1x128x64xf32, #tpu.memory_space<vmem>> -> memref<128x64xf32, #tpu.memory_space<vmem>>
        %parallel_loop3A_279 = arith.index_cast %parallel_loop3A_273 : i32 to index
        %parallel_loop3A_280 = arith.constant 0 : index
        %parallel_loop3A_281 = tpu.vector_load %parallel_loop3A_278[%parallel_loop3A_279, %parallel_loop3A_280] {strides = array<i32>} : memref<128x64xf32, #tpu.memory_space<vmem>>, vector<16xf32>,
        %parallel_loop3A_282 = arith.constant 0 : i32
        %parallel_loop3A_283 = arith.constant 0 : i32
        %parallel_loop3A_284 = arith.constant 0 : i32
        %parallel_loop3A_285 = tpu.memref_slice %arg7[%parallel_loop3A_189, %parallel_loop3A_282, %parallel_loop3A_283, %parallel_loop3A_284] : memref<2x8x8x129xf32, #tpu.memory_space<vmem>> -> memref<1x8x8x129xf32, #tpu.memory_space<vmem>>
        %parallel_loop3A_286 = tpu.memref_squeeze %parallel_loop3A_285 : memref<1x8x8x129xf32, #tpu.memory_space<vmem>> -> memref<8x8x129xf32, #tpu.memory_space<vmem>>
        tpu.vector_store_idx %parallel_loop3A_286[%shift_right_arithmetic3A_5, %and3A_28, %parallel_loop3A_274], %parallel_loop3A_281 : memref<8x8x129xf32, #tpu.memory_space<vmem>>[vector<16xi32>, vector<16xi32>, vector<16xi32>], vector<16xf32>,
        %parallel_loop3A_287 = arith.constant 0 : i32
        %parallel_loop3A_288 = arith.constant 0 : i32
        %parallel_loop3A_289 = tpu.memref_slice %arg6[%parallel_loop3A_188, %parallel_loop3A_287, %parallel_loop3A_288] : memref<2x128x64xf32, #tpu.memory_space<vmem>> -> memref<1x128x64xf32, #tpu.memory_space<vmem>>
        %parallel_loop3A_290 = tpu.memref_squeeze %parallel_loop3A_289 : memref<1x128x64xf32, #tpu.memory_space<vmem>> -> memref<128x64xf32, #tpu.memory_space<vmem>>
        %parallel_loop3A_291 = arith.index_cast %parallel_loop3A_273 : i32 to index
        %parallel_loop3A_292 = arith.constant 16 : index
        %parallel_loop3A_293 = tpu.vector_load %parallel_loop3A_290[%parallel_loop3A_291, %parallel_loop3A_292] {strides = array<i32>} : memref<128x64xf32, #tpu.memory_space<vmem>>, vector<16xf32>,
        %parallel_loop3A_294 = arith.constant 0 : i32
        %parallel_loop3A_295 = arith.constant 0 : i32
        %parallel_loop3A_296 = arith.constant 0 : i32
        %parallel_loop3A_297 = tpu.memref_slice %arg7[%parallel_loop3A_189, %parallel_loop3A_294, %parallel_loop3A_295, %parallel_loop3A_296] : memref<2x8x8x129xf32, #tpu.memory_space<vmem>> -> memref<1x8x8x129xf32, #tpu.memory_space<vmem>>
        %parallel_loop3A_298 = tpu.memref_squeeze %parallel_loop3A_297 : memref<1x8x8x129xf32, #tpu.memory_space<vmem>> -> memref<8x8x129xf32, #tpu.memory_space<vmem>>
        tpu.vector_store_idx %parallel_loop3A_298[%shift_right_arithmetic3A_11, %and3A_34, %parallel_loop3A_274], %parallel_loop3A_293 : memref<8x8x129xf32, #tpu.memory_space<vmem>>[vector<16xi32>, vector<16xi32>, vector<16xi32>], vector<16xf32>,
        %parallel_loop3A_299 = arith.constant 0 : i32
        %parallel_loop3A_300 = arith.constant 0 : i32
        %parallel_loop3A_301 = tpu.memref_slice %arg6[%parallel_loop3A_188, %parallel_loop3A_299, %parallel_loop3A_300] : memref<2x128x64xf32, #tpu.memory_space<vmem>> -> memref<1x128x64xf32, #tpu.memory_space<vmem>>
        %parallel_loop3A_302 = tpu.memref_squeeze %parallel_loop3A_301 : memref<1x128x64xf32, #tpu.memory_space<vmem>> -> memref<128x64xf32, #tpu.memory_space<vmem>>
        %parallel_loop3A_303 = arith.index_cast %parallel_loop3A_273 : i32 to index
        %parallel_loop3A_304 = arith.constant 32 : index
        %parallel_loop3A_305 = tpu.vector_load %parallel_loop3A_302[%parallel_loop3A_303, %parallel_loop3A_304] {strides = array<i32>} : memref<128x64xf32, #tpu.memory_space<vmem>>, vector<16xf32>,
        %parallel_loop3A_306 = arith.constant 0 : i32
        %parallel_loop3A_307 = arith.constant 0 : i32
        %parallel_loop3A_308 = arith.constant 0 : i32
        %parallel_loop3A_309 = tpu.memref_slice %arg7[%parallel_loop3A_189, %parallel_loop3A_306, %parallel_loop3A_307, %parallel_loop3A_308] : memref<2x8x8x129xf32, #tpu.memory_space<vmem>> -> memref<1x8x8x129xf32, #tpu.memory_space<vmem>>
        %parallel_loop3A_310 = tpu.memref_squeeze %parallel_loop3A_309 : memref<1x8x8x129xf32, #tpu.memory_space<vmem>> -> memref<8x8x129xf32, #tpu.memory_space<vmem>>
        tpu.vector_store_idx %parallel_loop3A_310[%shift_right_arithmetic3A_17, %and3A_40, %parallel_loop3A_274], %parallel_loop3A_305 : memref<8x8x129xf32, #tpu.memory_space<vmem>>[vector<16xi32>, vector<16xi32>, vector<16xi32>], vector<16xf32>,
        %parallel_loop3A_311 = arith.constant 0 : i32
        %parallel_loop3A_312 = arith.constant 0 : i32
        %parallel_loop3A_313 = tpu.memref_slice %arg6[%parallel_loop3A_188, %parallel_loop3A_311, %parallel_loop3A_312] : memref<2x128x64xf32, #tpu.memory_space<vmem>> -> memref<1x128x64xf32, #tpu.memory_space<vmem>>
        %parallel_loop3A_314 = tpu.memref_squeeze %parallel_loop3A_313 : memref<1x128x64xf32, #tpu.memory_space<vmem>> -> memref<128x64xf32, #tpu.memory_space<vmem>>
        %parallel_loop3A_315 = arith.index_cast %parallel_loop3A_273 : i32 to index
        %parallel_loop3A_316 = arith.constant 48 : index
        %parallel_loop3A_317 = tpu.vector_load %parallel_loop3A_314[%parallel_loop3A_315, %parallel_loop3A_316] {strides = array<i32>} : memref<128x64xf32, #tpu.memory_space<vmem>>, vector<16xf32>,
        %parallel_loop3A_318 = arith.constant 0 : i32
        %parallel_loop3A_319 = arith.constant 0 : i32
        %parallel_loop3A_320 = arith.constant 0 : i32
        %parallel_loop3A_321 = tpu.memref_slice %arg7[%parallel_loop3A_189, %parallel_loop3A_318, %parallel_loop3A_319, %parallel_loop3A_320] : memref<2x8x8x129xf32, #tpu.memory_space<vmem>> -> memref<1x8x8x129xf32, #tpu.memory_space<vmem>>
        %parallel_loop3A_322 = tpu.memref_squeeze %parallel_loop3A_321 : memref<1x8x8x129xf32, #tpu.memory_space<vmem>> -> memref<8x8x129xf32, #tpu.memory_space<vmem>>
        tpu.vector_store_idx %parallel_loop3A_322[%shift_right_arithmetic3A_23, %and3A_46, %parallel_loop3A_274], %parallel_loop3A_317 : memref<8x8x129xf32, #tpu.memory_space<vmem>>[vector<16xi32>, vector<16xi32>, vector<16xi32>], vector<16xf32>,
        %parallel_loop3A_323 = arith.constant 8 : i32
        %parallel_loop3A_324 = arith.muli %parallel_loop3A_216, %parallel_loop3A_323 : i32
        %parallel_loop3A_325 = arith.constant 2 : i32
        %parallel_loop3A_326 = arith.addi %parallel_loop3A_324, %parallel_loop3A_325 : i32
        %parallel_loop3A_327 = vector.broadcast %parallel_loop3A_326 : i32 to vector<16xi32>
        %parallel_loop3A_328 = arith.constant 0 : i32
        %parallel_loop3A_329 = arith.constant 0 : i32
        %parallel_loop3A_330 = tpu.memref_slice %arg6[%parallel_loop3A_188, %parallel_loop3A_328, %parallel_loop3A_329] : memref<2x128x64xf32, #tpu.memory_space<vmem>> -> memref<1x128x64xf32, #tpu.memory_space<vmem>>
        %parallel_loop3A_331 = tpu.memref_squeeze %parallel_loop3A_330 : memref<1x128x64xf32, #tpu.memory_space<vmem>> -> memref<128x64xf32, #tpu.memory_space<vmem>>
        %parallel_loop3A_332 = arith.index_cast %parallel_loop3A_326 : i32 to index
        %parallel_loop3A_333 = arith.constant 0 : index
        %parallel_loop3A_334 = tpu.vector_load %parallel_loop3A_331[%parallel_loop3A_332, %parallel_loop3A_333] {strides = array<i32>} : memref<128x64xf32, #tpu.memory_space<vmem>>, vector<16xf32>,
        %parallel_loop3A_335 = arith.constant 0 : i32
        %parallel_loop3A_336 = arith.constant 0 : i32
        %parallel_loop3A_337 = arith.constant 0 : i32
        %parallel_loop3A_338 = tpu.memref_slice %arg7[%parallel_loop3A_189, %parallel_loop3A_335, %parallel_loop3A_336, %parallel_loop3A_337] : memref<2x8x8x129xf32, #tpu.memory_space<vmem>> -> memref<1x8x8x129xf32, #tpu.memory_space<vmem>>
        %parallel_loop3A_339 = tpu.memref_squeeze %parallel_loop3A_338 : memref<1x8x8x129xf32, #tpu.memory_space<vmem>> -> memref<8x8x129xf32, #tpu.memory_space<vmem>>
        tpu.vector_store_idx %parallel_loop3A_339[%shift_right_arithmetic3A_5, %and3A_28, %parallel_loop3A_327], %parallel_loop3A_334 : memref<8x8x129xf32, #tpu.memory_space<vmem>>[vector<16xi32>, vector<16xi32>, vector<16xi32>], vector<16xf32>,
        %parallel_loop3A_340 = arith.constant 0 : i32
        %parallel_loop3A_341 = arith.constant 0 : i32
        %parallel_loop3A_342 = tpu.memref_slice %arg6[%parallel_loop3A_188, %parallel_loop3A_340, %parallel_loop3A_341] : memref<2x128x64xf32, #tpu.memory_space<vmem>> -> memref<1x128x64xf32, #tpu.memory_space<vmem>>
        %parallel_loop3A_343 = tpu.memref_squeeze %parallel_loop3A_342 : memref<1x128x64xf32, #tpu.memory_space<vmem>> -> memref<128x64xf32, #tpu.memory_space<vmem>>
        %parallel_loop3A_344 = arith.index_cast %parallel_loop3A_326 : i32 to index
        %parallel_loop3A_345 = arith.constant 16 : index
        %parallel_loop3A_346 = tpu.vector_load %parallel_loop3A_343[%parallel_loop3A_344, %parallel_loop3A_345] {strides = array<i32>} : memref<128x64xf32, #tpu.memory_space<vmem>>, vector<16xf32>,
        %parallel_loop3A_347 = arith.constant 0 : i32
        %parallel_loop3A_348 = arith.constant 0 : i32
        %parallel_loop3A_349 = arith.constant 0 : i32
        %parallel_loop3A_350 = tpu.memref_slice %arg7[%parallel_loop3A_189, %parallel_loop3A_347, %parallel_loop3A_348, %parallel_loop3A_349] : memref<2x8x8x129xf32, #tpu.memory_space<vmem>> -> memref<1x8x8x129xf32, #tpu.memory_space<vmem>>
        %parallel_loop3A_351 = tpu.memref_squeeze %parallel_loop3A_350 : memref<1x8x8x129xf32, #tpu.memory_space<vmem>> -> memref<8x8x129xf32, #tpu.memory_space<vmem>>
        tpu.vector_store_idx %parallel_loop3A_351[%shift_right_arithmetic3A_11, %and3A_34, %parallel_loop3A_327], %parallel_loop3A_346 : memref<8x8x129xf32, #tpu.memory_space<vmem>>[vector<16xi32>, vector<16xi32>, vector<16xi32>], vector<16xf32>,
        %parallel_loop3A_352 = arith.constant 0 : i32
        %parallel_loop3A_353 = arith.constant 0 : i32
        %parallel_loop3A_354 = tpu.memref_slice %arg6[%parallel_loop3A_188, %parallel_loop3A_352, %parallel_loop3A_353] : memref<2x128x64xf32, #tpu.memory_space<vmem>> -> memref<1x128x64xf32, #tpu.memory_space<vmem>>
        %parallel_loop3A_355 = tpu.memref_squeeze %parallel_loop3A_354 : memref<1x128x64xf32, #tpu.memory_space<vmem>> -> memref<128x64xf32, #tpu.memory_space<vmem>>
        %parallel_loop3A_356 = arith.index_cast %parallel_loop3A_326 : i32 to index
        %parallel_loop3A_357 = arith.constant 32 : index
        %parallel_loop3A_358 = tpu.vector_load %parallel_loop3A_355[%parallel_loop3A_356, %parallel_loop3A_357] {strides = array<i32>} : memref<128x64xf32, #tpu.memory_space<vmem>>, vector<16xf32>,
        %parallel_loop3A_359 = arith.constant 0 : i32
        %parallel_loop3A_360 = arith.constant 0 : i32
        %parallel_loop3A_361 = arith.constant 0 : i32
        %parallel_loop3A_362 = tpu.memref_slice %arg7[%parallel_loop3A_189, %parallel_loop3A_359, %parallel_loop3A_360, %parallel_loop3A_361] : memref<2x8x8x129xf32, #tpu.memory_space<vmem>> -> memref<1x8x8x129xf32, #tpu.memory_space<vmem>>
        %parallel_loop3A_363 = tpu.memref_squeeze %parallel_loop3A_362 : memref<1x8x8x129xf32, #tpu.memory_space<vmem>> -> memref<8x8x129xf32, #tpu.memory_space<vmem>>
        tpu.vector_store_idx %parallel_loop3A_363[%shift_right_arithmetic3A_17, %and3A_40, %parallel_loop3A_327], %parallel_loop3A_358 : memref<8x8x129xf32, #tpu.memory_space<vmem>>[vector<16xi32>, vector<16xi32>, vector<16xi32>], vector<16xf32>,
        %parallel_loop3A_364 = arith.constant 0 : i32
        %parallel_loop3A_365 = arith.constant 0 : i32
        %parallel_loop3A_366 = tpu.memref_slice %arg6[%parallel_loop3A_188, %parallel_loop3A_364, %parallel_loop3A_365] : memref<2x128x64xf32, #tpu.memory_space<vmem>> -> memref<1x128x64xf32, #tpu.memory_space<vmem>>
        %parallel_loop3A_367 = tpu.memref_squeeze %parallel_loop3A_366 : memref<1x128x64xf32, #tpu.memory_space<vmem>> -> memref<128x64xf32, #tpu.memory_space<vmem>>
        %parallel_loop3A_368 = arith.index_cast %parallel_loop3A_326 : i32 to index
        %parallel_loop3A_369 = arith.constant 48 : index
        %parallel_loop3A_370 = tpu.vector_load %parallel_loop3A_367[%parallel_loop3A_368, %parallel_loop3A_369] {strides = array<i32>} : memref<128x64xf32, #tpu.memory_space<vmem>>, vector<16xf32>,
        %parallel_loop3A_371 = arith.constant 0 : i32
        %parallel_loop3A_372 = arith.constant 0 : i32
        %parallel_loop3A_373 = arith.constant 0 : i32
        %parallel_loop3A_374 = tpu.memref_slice %arg7[%parallel_loop3A_189, %parallel_loop3A_371, %parallel_loop3A_372, %parallel_loop3A_373] : memref<2x8x8x129xf32, #tpu.memory_space<vmem>> -> memref<1x8x8x129xf32, #tpu.memory_space<vmem>>
        %parallel_loop3A_375 = tpu.memref_squeeze %parallel_loop3A_374 : memref<1x8x8x129xf32, #tpu.memory_space<vmem>> -> memref<8x8x129xf32, #tpu.memory_space<vmem>>
        tpu.vector_store_idx %parallel_loop3A_375[%shift_right_arithmetic3A_23, %and3A_46, %parallel_loop3A_327], %parallel_loop3A_370 : memref<8x8x129xf32, #tpu.memory_space<vmem>>[vector<16xi32>, vector<16xi32>, vector<16xi32>], vector<16xf32>,
        %parallel_loop3A_376 = arith.constant 8 : i32
        %parallel_loop3A_377 = arith.muli %parallel_loop3A_216, %parallel_loop3A_376 : i32
        %parallel_loop3A_378 = arith.constant 3 : i32
        %parallel_loop3A_379 = arith.addi %parallel_loop3A_377, %parallel_loop3A_378 : i32
        %parallel_loop3A_380 = vector.broadcast %parallel_loop3A_379 : i32 to vector<16xi32>
        %parallel_loop3A_381 = arith.constant 0 : i32
        %parallel_loop3A_382 = arith.constant 0 : i32
        %parallel_loop3A_383 = tpu.memref_slice %arg6[%parallel_loop3A_188, %parallel_loop3A_381, %parallel_loop3A_382] : memref<2x128x64xf32, #tpu.memory_space<vmem>> -> memref<1x128x64xf32, #tpu.memory_space<vmem>>
        %parallel_loop3A_384 = tpu.memref_squeeze %parallel_loop3A_383 : memref<1x128x64xf32, #tpu.memory_space<vmem>> -> memref<128x64xf32, #tpu.memory_space<vmem>>
        %parallel_loop3A_385 = arith.index_cast %parallel_loop3A_379 : i32 to index
        %parallel_loop3A_386 = arith.constant 0 : index
        %parallel_loop3A_387 = tpu.vector_load %parallel_loop3A_384[%parallel_loop3A_385, %parallel_loop3A_386] {strides = array<i32>} : memref<128x64xf32, #tpu.memory_space<vmem>>, vector<16xf32>,
        %parallel_loop3A_388 = arith.constant 0 : i32
        %parallel_loop3A_389 = arith.constant 0 : i32
        %parallel_loop3A_390 = arith.constant 0 : i32
        %parallel_loop3A_391 = tpu.memref_slice %arg7[%parallel_loop3A_189, %parallel_loop3A_388, %parallel_loop3A_389, %parallel_loop3A_390] : memref<2x8x8x129xf32, #tpu.memory_space<vmem>> -> memref<1x8x8x129xf32, #tpu.memory_space<vmem>>
        %parallel_loop3A_392 = tpu.memref_squeeze %parallel_loop3A_391 : memref<1x8x8x129xf32, #tpu.memory_space<vmem>> -> memref<8x8x129xf32, #tpu.memory_space<vmem>>
        tpu.vector_store_idx %parallel_loop3A_392[%shift_right_arithmetic3A_5, %and3A_28, %parallel_loop3A_380], %parallel_loop3A_387 : memref<8x8x129xf32, #tpu.memory_space<vmem>>[vector<16xi32>, vector<16xi32>, vector<16xi32>], vector<16xf32>,
        %parallel_loop3A_393 = arith.constant 0 : i32
        %parallel_loop3A_394 = arith.constant 0 : i32
        %parallel_loop3A_395 = tpu.memref_slice %arg6[%parallel_loop3A_188, %parallel_loop3A_393, %parallel_loop3A_394] : memref<2x128x64xf32, #tpu.memory_space<vmem>> -> memref<1x128x64xf32, #tpu.memory_space<vmem>>
        %parallel_loop3A_396 = tpu.memref_squeeze %parallel_loop3A_395 : memref<1x128x64xf32, #tpu.memory_space<vmem>> -> memref<128x64xf32, #tpu.memory_space<vmem>>
        %parallel_loop3A_397 = arith.index_cast %parallel_loop3A_379 : i32 to index
        %parallel_loop3A_398 = arith.constant 16 : index
        %parallel_loop3A_399 = tpu.vector_load %parallel_loop3A_396[%parallel_loop3A_397, %parallel_loop3A_398] {strides = array<i32>} : memref<128x64xf32, #tpu.memory_space<vmem>>, vector<16xf32>,
        %parallel_loop3A_400 = arith.constant 0 : i32
        %parallel_loop3A_401 = arith.constant 0 : i32
        %parallel_loop3A_402 = arith.constant 0 : i32
        %parallel_loop3A_403 = tpu.memref_slice %arg7[%parallel_loop3A_189, %parallel_loop3A_400, %parallel_loop3A_401, %parallel_loop3A_402] : memref<2x8x8x129xf32, #tpu.memory_space<vmem>> -> memref<1x8x8x129xf32, #tpu.memory_space<vmem>>
        %parallel_loop3A_404 = tpu.memref_squeeze %parallel_loop3A_403 : memref<1x8x8x129xf32, #tpu.memory_space<vmem>> -> memref<8x8x129xf32, #tpu.memory_space<vmem>>
        tpu.vector_store_idx %parallel_loop3A_404[%shift_right_arithmetic3A_11, %and3A_34, %parallel_loop3A_380], %parallel_loop3A_399 : memref<8x8x129xf32, #tpu.memory_space<vmem>>[vector<16xi32>, vector<16xi32>, vector<16xi32>], vector<16xf32>,
        %parallel_loop3A_405 = arith.constant 0 : i32
        %parallel_loop3A_406 = arith.constant 0 : i32
        %parallel_loop3A_407 = tpu.memref_slice %arg6[%parallel_loop3A_188, %parallel_loop3A_405, %parallel_loop3A_406] : memref<2x128x64xf32, #tpu.memory_space<vmem>> -> memref<1x128x64xf32, #tpu.memory_space<vmem>>
        %parallel_loop3A_408 = tpu.memref_squeeze %parallel_loop3A_407 : memref<1x128x64xf32, #tpu.memory_space<vmem>> -> memref<128x64xf32, #tpu.memory_space<vmem>>
        %parallel_loop3A_409 = arith.index_cast %parallel_loop3A_379 : i32 to index
        %parallel_loop3A_410 = arith.constant 32 : index
        %parallel_loop3A_411 = tpu.vector_load %parallel_loop3A_408[%parallel_loop3A_409, %parallel_loop3A_410] {strides = array<i32>} : memref<128x64xf32, #tpu.memory_space<vmem>>, vector<16xf32>,
        %parallel_loop3A_412 = arith.constant 0 : i32
        %parallel_loop3A_413 = arith.constant 0 : i32
        %parallel_loop3A_414 = arith.constant 0 : i32
        %parallel_loop3A_415 = tpu.memref_slice %arg7[%parallel_loop3A_189, %parallel_loop3A_412, %parallel_loop3A_413, %parallel_loop3A_414] : memref<2x8x8x129xf32, #tpu.memory_space<vmem>> -> memref<1x8x8x129xf32, #tpu.memory_space<vmem>>
        %parallel_loop3A_416 = tpu.memref_squeeze %parallel_loop3A_415 : memref<1x8x8x129xf32, #tpu.memory_space<vmem>> -> memref<8x8x129xf32, #tpu.memory_space<vmem>>
        tpu.vector_store_idx %parallel_loop3A_416[%shift_right_arithmetic3A_17, %and3A_40, %parallel_loop3A_380], %parallel_loop3A_411 : memref<8x8x129xf32, #tpu.memory_space<vmem>>[vector<16xi32>, vector<16xi32>, vector<16xi32>], vector<16xf32>,
        %parallel_loop3A_417 = arith.constant 0 : i32
        %parallel_loop3A_418 = arith.constant 0 : i32
        %parallel_loop3A_419 = tpu.memref_slice %arg6[%parallel_loop3A_188, %parallel_loop3A_417, %parallel_loop3A_418] : memref<2x128x64xf32, #tpu.memory_space<vmem>> -> memref<1x128x64xf32, #tpu.memory_space<vmem>>
        %parallel_loop3A_420 = tpu.memref_squeeze %parallel_loop3A_419 : memref<1x128x64xf32, #tpu.memory_space<vmem>> -> memref<128x64xf32, #tpu.memory_space<vmem>>
        %parallel_loop3A_421 = arith.index_cast %parallel_loop3A_379 : i32 to index
        %parallel_loop3A_422 = arith.constant 48 : index
        %parallel_loop3A_423 = tpu.vector_load %parallel_loop3A_420[%parallel_loop3A_421, %parallel_loop3A_422] {strides = array<i32>} : memref<128x64xf32, #tpu.memory_space<vmem>>, vector<16xf32>,
        %parallel_loop3A_424 = arith.constant 0 : i32
        %parallel_loop3A_425 = arith.constant 0 : i32
        %parallel_loop3A_426 = arith.constant 0 : i32
        %parallel_loop3A_427 = tpu.memref_slice %arg7[%parallel_loop3A_189, %parallel_loop3A_424, %parallel_loop3A_425, %parallel_loop3A_426] : memref<2x8x8x129xf32, #tpu.memory_space<vmem>> -> memref<1x8x8x129xf32, #tpu.memory_space<vmem>>
        %parallel_loop3A_428 = tpu.memref_squeeze %parallel_loop3A_427 : memref<1x8x8x129xf32, #tpu.memory_space<vmem>> -> memref<8x8x129xf32, #tpu.memory_space<vmem>>
        tpu.vector_store_idx %parallel_loop3A_428[%shift_right_arithmetic3A_23, %and3A_46, %parallel_loop3A_380], %parallel_loop3A_423 : memref<8x8x129xf32, #tpu.memory_space<vmem>>[vector<16xi32>, vector<16xi32>, vector<16xi32>], vector<16xf32>,
        %parallel_loop3A_429 = arith.constant 8 : i32
        %parallel_loop3A_430 = arith.muli %parallel_loop3A_216, %parallel_loop3A_429 : i32
        %parallel_loop3A_431 = arith.constant 4 : i32
        %parallel_loop3A_432 = arith.addi %parallel_loop3A_430, %parallel_loop3A_431 : i32
        %parallel_loop3A_433 = vector.broadcast %parallel_loop3A_432 : i32 to vector<16xi32>
        %parallel_loop3A_434 = arith.constant 0 : i32
        %parallel_loop3A_435 = arith.constant 0 : i32
        %parallel_loop3A_436 = tpu.memref_slice %arg6[%parallel_loop3A_188, %parallel_loop3A_434, %parallel_loop3A_435] : memref<2x128x64xf32, #tpu.memory_space<vmem>> -> memref<1x128x64xf32, #tpu.memory_space<vmem>>
        %parallel_loop3A_437 = tpu.memref_squeeze %parallel_loop3A_436 : memref<1x128x64xf32, #tpu.memory_space<vmem>> -> memref<128x64xf32, #tpu.memory_space<vmem>>
        %parallel_loop3A_438 = arith.index_cast %parallel_loop3A_432 : i32 to index
        %parallel_loop3A_439 = arith.constant 0 : index
        %parallel_loop3A_440 = tpu.vector_load %parallel_loop3A_437[%parallel_loop3A_438, %parallel_loop3A_439] {strides = array<i32>} : memref<128x64xf32, #tpu.memory_space<vmem>>, vector<16xf32>,
        %parallel_loop3A_441 = arith.constant 0 : i32
        %parallel_loop3A_442 = arith.constant 0 : i32
        %parallel_loop3A_443 = arith.constant 0 : i32
        %parallel_loop3A_444 = tpu.memref_slice %arg7[%parallel_loop3A_189, %parallel_loop3A_441, %parallel_loop3A_442, %parallel_loop3A_443] : memref<2x8x8x129xf32, #tpu.memory_space<vmem>> -> memref<1x8x8x129xf32, #tpu.memory_space<vmem>>
        %parallel_loop3A_445 = tpu.memref_squeeze %parallel_loop3A_444 : memref<1x8x8x129xf32, #tpu.memory_space<vmem>> -> memref<8x8x129xf32, #tpu.memory_space<vmem>>
        tpu.vector_store_idx %parallel_loop3A_445[%shift_right_arithmetic3A_5, %and3A_28, %parallel_loop3A_433], %parallel_loop3A_440 : memref<8x8x129xf32, #tpu.memory_space<vmem>>[vector<16xi32>, vector<16xi32>, vector<16xi32>], vector<16xf32>,
        %parallel_loop3A_446 = arith.constant 0 : i32
        %parallel_loop3A_447 = arith.constant 0 : i32
        %parallel_loop3A_448 = tpu.memref_slice %arg6[%parallel_loop3A_188, %parallel_loop3A_446, %parallel_loop3A_447] : memref<2x128x64xf32, #tpu.memory_space<vmem>> -> memref<1x128x64xf32, #tpu.memory_space<vmem>>
        %parallel_loop3A_449 = tpu.memref_squeeze %parallel_loop3A_448 : memref<1x128x64xf32, #tpu.memory_space<vmem>> -> memref<128x64xf32, #tpu.memory_space<vmem>>
        %parallel_loop3A_450 = arith.index_cast %parallel_loop3A_432 : i32 to index
        %parallel_loop3A_451 = arith.constant 16 : index
        %parallel_loop3A_452 = tpu.vector_load %parallel_loop3A_449[%parallel_loop3A_450, %parallel_loop3A_451] {strides = array<i32>} : memref<128x64xf32, #tpu.memory_space<vmem>>, vector<16xf32>,
        %parallel_loop3A_453 = arith.constant 0 : i32
        %parallel_loop3A_454 = arith.constant 0 : i32
        %parallel_loop3A_455 = arith.constant 0 : i32
        %parallel_loop3A_456 = tpu.memref_slice %arg7[%parallel_loop3A_189, %parallel_loop3A_453, %parallel_loop3A_454, %parallel_loop3A_455] : memref<2x8x8x129xf32, #tpu.memory_space<vmem>> -> memref<1x8x8x129xf32, #tpu.memory_space<vmem>>
        %parallel_loop3A_457 = tpu.memref_squeeze %parallel_loop3A_456 : memref<1x8x8x129xf32, #tpu.memory_space<vmem>> -> memref<8x8x129xf32, #tpu.memory_space<vmem>>
        tpu.vector_store_idx %parallel_loop3A_457[%shift_right_arithmetic3A_11, %and3A_34, %parallel_loop3A_433], %parallel_loop3A_452 : memref<8x8x129xf32, #tpu.memory_space<vmem>>[vector<16xi32>, vector<16xi32>, vector<16xi32>], vector<16xf32>,
        %parallel_loop3A_458 = arith.constant 0 : i32
        %parallel_loop3A_459 = arith.constant 0 : i32
        %parallel_loop3A_460 = tpu.memref_slice %arg6[%parallel_loop3A_188, %parallel_loop3A_458, %parallel_loop3A_459] : memref<2x128x64xf32, #tpu.memory_space<vmem>> -> memref<1x128x64xf32, #tpu.memory_space<vmem>>
        %parallel_loop3A_461 = tpu.memref_squeeze %parallel_loop3A_460 : memref<1x128x64xf32, #tpu.memory_space<vmem>> -> memref<128x64xf32, #tpu.memory_space<vmem>>
        %parallel_loop3A_462 = arith.index_cast %parallel_loop3A_432 : i32 to index
        %parallel_loop3A_463 = arith.constant 32 : index
        %parallel_loop3A_464 = tpu.vector_load %parallel_loop3A_461[%parallel_loop3A_462, %parallel_loop3A_463] {strides = array<i32>} : memref<128x64xf32, #tpu.memory_space<vmem>>, vector<16xf32>,
        %parallel_loop3A_465 = arith.constant 0 : i32
        %parallel_loop3A_466 = arith.constant 0 : i32
        %parallel_loop3A_467 = arith.constant 0 : i32
        %parallel_loop3A_468 = tpu.memref_slice %arg7[%parallel_loop3A_189, %parallel_loop3A_465, %parallel_loop3A_466, %parallel_loop3A_467] : memref<2x8x8x129xf32, #tpu.memory_space<vmem>> -> memref<1x8x8x129xf32, #tpu.memory_space<vmem>>
        %parallel_loop3A_469 = tpu.memref_squeeze %parallel_loop3A_468 : memref<1x8x8x129xf32, #tpu.memory_space<vmem>> -> memref<8x8x129xf32, #tpu.memory_space<vmem>>
        tpu.vector_store_idx %parallel_loop3A_469[%shift_right_arithmetic3A_17, %and3A_40, %parallel_loop3A_433], %parallel_loop3A_464 : memref<8x8x129xf32, #tpu.memory_space<vmem>>[vector<16xi32>, vector<16xi32>, vector<16xi32>], vector<16xf32>,
        %parallel_loop3A_470 = arith.constant 0 : i32
        %parallel_loop3A_471 = arith.constant 0 : i32
        %parallel_loop3A_472 = tpu.memref_slice %arg6[%parallel_loop3A_188, %parallel_loop3A_470, %parallel_loop3A_471] : memref<2x128x64xf32, #tpu.memory_space<vmem>> -> memref<1x128x64xf32, #tpu.memory_space<vmem>>
        %parallel_loop3A_473 = tpu.memref_squeeze %parallel_loop3A_472 : memref<1x128x64xf32, #tpu.memory_space<vmem>> -> memref<128x64xf32, #tpu.memory_space<vmem>>
        %parallel_loop3A_474 = arith.index_cast %parallel_loop3A_432 : i32 to index
        %parallel_loop3A_475 = arith.constant 48 : index
        %parallel_loop3A_476 = tpu.vector_load %parallel_loop3A_473[%parallel_loop3A_474, %parallel_loop3A_475] {strides = array<i32>} : memref<128x64xf32, #tpu.memory_space<vmem>>, vector<16xf32>,
        %parallel_loop3A_477 = arith.constant 0 : i32
        %parallel_loop3A_478 = arith.constant 0 : i32
        %parallel_loop3A_479 = arith.constant 0 : i32
        %parallel_loop3A_480 = tpu.memref_slice %arg7[%parallel_loop3A_189, %parallel_loop3A_477, %parallel_loop3A_478, %parallel_loop3A_479] : memref<2x8x8x129xf32, #tpu.memory_space<vmem>> -> memref<1x8x8x129xf32, #tpu.memory_space<vmem>>
        %parallel_loop3A_481 = tpu.memref_squeeze %parallel_loop3A_480 : memref<1x8x8x129xf32, #tpu.memory_space<vmem>> -> memref<8x8x129xf32, #tpu.memory_space<vmem>>
        tpu.vector_store_idx %parallel_loop3A_481[%shift_right_arithmetic3A_23, %and3A_46, %parallel_loop3A_433], %parallel_loop3A_476 : memref<8x8x129xf32, #tpu.memory_space<vmem>>[vector<16xi32>, vector<16xi32>, vector<16xi32>], vector<16xf32>,
        %parallel_loop3A_482 = arith.constant 8 : i32
        %parallel_loop3A_483 = arith.muli %parallel_loop3A_216, %parallel_loop3A_482 : i32
        %parallel_loop3A_484 = arith.constant 5 : i32
        %parallel_loop3A_485 = arith.addi %parallel_loop3A_483, %parallel_loop3A_484 : i32
        %parallel_loop3A_486 = vector.broadcast %parallel_loop3A_485 : i32 to vector<16xi32>
        %parallel_loop3A_487 = arith.constant 0 : i32
        %parallel_loop3A_488 = arith.constant 0 : i32
        %parallel_loop3A_489 = tpu.memref_slice %arg6[%parallel_loop3A_188, %parallel_loop3A_487, %parallel_loop3A_488] : memref<2x128x64xf32, #tpu.memory_space<vmem>> -> memref<1x128x64xf32, #tpu.memory_space<vmem>>
        %parallel_loop3A_490 = tpu.memref_squeeze %parallel_loop3A_489 : memref<1x128x64xf32, #tpu.memory_space<vmem>> -> memref<128x64xf32, #tpu.memory_space<vmem>>
        %parallel_loop3A_491 = arith.index_cast %parallel_loop3A_485 : i32 to index
        %parallel_loop3A_492 = arith.constant 0 : index
        %parallel_loop3A_493 = tpu.vector_load %parallel_loop3A_490[%parallel_loop3A_491, %parallel_loop3A_492] {strides = array<i32>} : memref<128x64xf32, #tpu.memory_space<vmem>>, vector<16xf32>,
        %parallel_loop3A_494 = arith.constant 0 : i32
        %parallel_loop3A_495 = arith.constant 0 : i32
        %parallel_loop3A_496 = arith.constant 0 : i32
        %parallel_loop3A_497 = tpu.memref_slice %arg7[%parallel_loop3A_189, %parallel_loop3A_494, %parallel_loop3A_495, %parallel_loop3A_496] : memref<2x8x8x129xf32, #tpu.memory_space<vmem>> -> memref<1x8x8x129xf32, #tpu.memory_space<vmem>>
        %parallel_loop3A_498 = tpu.memref_squeeze %parallel_loop3A_497 : memref<1x8x8x129xf32, #tpu.memory_space<vmem>> -> memref<8x8x129xf32, #tpu.memory_space<vmem>>
        tpu.vector_store_idx %parallel_loop3A_498[%shift_right_arithmetic3A_5, %and3A_28, %parallel_loop3A_486], %parallel_loop3A_493 : memref<8x8x129xf32, #tpu.memory_space<vmem>>[vector<16xi32>, vector<16xi32>, vector<16xi32>], vector<16xf32>,
        %parallel_loop3A_499 = arith.constant 0 : i32
        %parallel_loop3A_500 = arith.constant 0 : i32
        %parallel_loop3A_501 = tpu.memref_slice %arg6[%parallel_loop3A_188, %parallel_loop3A_499, %parallel_loop3A_500] : memref<2x128x64xf32, #tpu.memory_space<vmem>> -> memref<1x128x64xf32, #tpu.memory_space<vmem>>
        %parallel_loop3A_502 = tpu.memref_squeeze %parallel_loop3A_501 : memref<1x128x64xf32, #tpu.memory_space<vmem>> -> memref<128x64xf32, #tpu.memory_space<vmem>>
        %parallel_loop3A_503 = arith.index_cast %parallel_loop3A_485 : i32 to index
        %parallel_loop3A_504 = arith.constant 16 : index
        %parallel_loop3A_505 = tpu.vector_load %parallel_loop3A_502[%parallel_loop3A_503, %parallel_loop3A_504] {strides = array<i32>} : memref<128x64xf32, #tpu.memory_space<vmem>>, vector<16xf32>,
        %parallel_loop3A_506 = arith.constant 0 : i32
        %parallel_loop3A_507 = arith.constant 0 : i32
        %parallel_loop3A_508 = arith.constant 0 : i32
        %parallel_loop3A_509 = tpu.memref_slice %arg7[%parallel_loop3A_189, %parallel_loop3A_506, %parallel_loop3A_507, %parallel_loop3A_508] : memref<2x8x8x129xf32, #tpu.memory_space<vmem>> -> memref<1x8x8x129xf32, #tpu.memory_space<vmem>>
        %parallel_loop3A_510 = tpu.memref_squeeze %parallel_loop3A_509 : memref<1x8x8x129xf32, #tpu.memory_space<vmem>> -> memref<8x8x129xf32, #tpu.memory_space<vmem>>
        tpu.vector_store_idx %parallel_loop3A_510[%shift_right_arithmetic3A_11, %and3A_34, %parallel_loop3A_486], %parallel_loop3A_505 : memref<8x8x129xf32, #tpu.memory_space<vmem>>[vector<16xi32>, vector<16xi32>, vector<16xi32>], vector<16xf32>,
        %parallel_loop3A_511 = arith.constant 0 : i32
        %parallel_loop3A_512 = arith.constant 0 : i32
        %parallel_loop3A_513 = tpu.memref_slice %arg6[%parallel_loop3A_188, %parallel_loop3A_511, %parallel_loop3A_512] : memref<2x128x64xf32, #tpu.memory_space<vmem>> -> memref<1x128x64xf32, #tpu.memory_space<vmem>>
        %parallel_loop3A_514 = tpu.memref_squeeze %parallel_loop3A_513 : memref<1x128x64xf32, #tpu.memory_space<vmem>> -> memref<128x64xf32, #tpu.memory_space<vmem>>
        %parallel_loop3A_515 = arith.index_cast %parallel_loop3A_485 : i32 to index
        %parallel_loop3A_516 = arith.constant 32 : index
        %parallel_loop3A_517 = tpu.vector_load %parallel_loop3A_514[%parallel_loop3A_515, %parallel_loop3A_516] {strides = array<i32>} : memref<128x64xf32, #tpu.memory_space<vmem>>, vector<16xf32>,
        %parallel_loop3A_518 = arith.constant 0 : i32
        %parallel_loop3A_519 = arith.constant 0 : i32
        %parallel_loop3A_520 = arith.constant 0 : i32
        %parallel_loop3A_521 = tpu.memref_slice %arg7[%parallel_loop3A_189, %parallel_loop3A_518, %parallel_loop3A_519, %parallel_loop3A_520] : memref<2x8x8x129xf32, #tpu.memory_space<vmem>> -> memref<1x8x8x129xf32, #tpu.memory_space<vmem>>
        %parallel_loop3A_522 = tpu.memref_squeeze %parallel_loop3A_521 : memref<1x8x8x129xf32, #tpu.memory_space<vmem>> -> memref<8x8x129xf32, #tpu.memory_space<vmem>>
        tpu.vector_store_idx %parallel_loop3A_522[%shift_right_arithmetic3A_17, %and3A_40, %parallel_loop3A_486], %parallel_loop3A_517 : memref<8x8x129xf32, #tpu.memory_space<vmem>>[vector<16xi32>, vector<16xi32>, vector<16xi32>], vector<16xf32>,
        %parallel_loop3A_523 = arith.constant 0 : i32
        %parallel_loop3A_524 = arith.constant 0 : i32
        %parallel_loop3A_525 = tpu.memref_slice %arg6[%parallel_loop3A_188, %parallel_loop3A_523, %parallel_loop3A_524] : memref<2x128x64xf32, #tpu.memory_space<vmem>> -> memref<1x128x64xf32, #tpu.memory_space<vmem>>
        %parallel_loop3A_526 = tpu.memref_squeeze %parallel_loop3A_525 : memref<1x128x64xf32, #tpu.memory_space<vmem>> -> memref<128x64xf32, #tpu.memory_space<vmem>>
        %parallel_loop3A_527 = arith.index_cast %parallel_loop3A_485 : i32 to index
        %parallel_loop3A_528 = arith.constant 48 : index
        %parallel_loop3A_529 = tpu.vector_load %parallel_loop3A_526[%parallel_loop3A_527, %parallel_loop3A_528] {strides = array<i32>} : memref<128x64xf32, #tpu.memory_space<vmem>>, vector<16xf32>,
        %parallel_loop3A_530 = arith.constant 0 : i32
        %parallel_loop3A_531 = arith.constant 0 : i32
        %parallel_loop3A_532 = arith.constant 0 : i32
        %parallel_loop3A_533 = tpu.memref_slice %arg7[%parallel_loop3A_189, %parallel_loop3A_530, %parallel_loop3A_531, %parallel_loop3A_532] : memref<2x8x8x129xf32, #tpu.memory_space<vmem>> -> memref<1x8x8x129xf32, #tpu.memory_space<vmem>>
        %parallel_loop3A_534 = tpu.memref_squeeze %parallel_loop3A_533 : memref<1x8x8x129xf32, #tpu.memory_space<vmem>> -> memref<8x8x129xf32, #tpu.memory_space<vmem>>
        tpu.vector_store_idx %parallel_loop3A_534[%shift_right_arithmetic3A_23, %and3A_46, %parallel_loop3A_486], %parallel_loop3A_529 : memref<8x8x129xf32, #tpu.memory_space<vmem>>[vector<16xi32>, vector<16xi32>, vector<16xi32>], vector<16xf32>,
        %parallel_loop3A_535 = arith.constant 8 : i32
        %parallel_loop3A_536 = arith.muli %parallel_loop3A_216, %parallel_loop3A_535 : i32
        %parallel_loop3A_537 = arith.constant 6 : i32
        %parallel_loop3A_538 = arith.addi %parallel_loop3A_536, %parallel_loop3A_537 : i32
        %parallel_loop3A_539 = vector.broadcast %parallel_loop3A_538 : i32 to vector<16xi32>
        %parallel_loop3A_540 = arith.constant 0 : i32
        %parallel_loop3A_541 = arith.constant 0 : i32
        %parallel_loop3A_542 = tpu.memref_slice %arg6[%parallel_loop3A_188, %parallel_loop3A_540, %parallel_loop3A_541] : memref<2x128x64xf32, #tpu.memory_space<vmem>> -> memref<1x128x64xf32, #tpu.memory_space<vmem>>
        %parallel_loop3A_543 = tpu.memref_squeeze %parallel_loop3A_542 : memref<1x128x64xf32, #tpu.memory_space<vmem>> -> memref<128x64xf32, #tpu.memory_space<vmem>>
        %parallel_loop3A_544 = arith.index_cast %parallel_loop3A_538 : i32 to index
        %parallel_loop3A_545 = arith.constant 0 : index
        %parallel_loop3A_546 = tpu.vector_load %parallel_loop3A_543[%parallel_loop3A_544, %parallel_loop3A_545] {strides = array<i32>} : memref<128x64xf32, #tpu.memory_space<vmem>>, vector<16xf32>,
        %parallel_loop3A_547 = arith.constant 0 : i32
        %parallel_loop3A_548 = arith.constant 0 : i32
        %parallel_loop3A_549 = arith.constant 0 : i32
        %parallel_loop3A_550 = tpu.memref_slice %arg7[%parallel_loop3A_189, %parallel_loop3A_547, %parallel_loop3A_548, %parallel_loop3A_549] : memref<2x8x8x129xf32, #tpu.memory_space<vmem>> -> memref<1x8x8x129xf32, #tpu.memory_space<vmem>>
        %parallel_loop3A_551 = tpu.memref_squeeze %parallel_loop3A_550 : memref<1x8x8x129xf32, #tpu.memory_space<vmem>> -> memref<8x8x129xf32, #tpu.memory_space<vmem>>
        tpu.vector_store_idx %parallel_loop3A_551[%shift_right_arithmetic3A_5, %and3A_28, %parallel_loop3A_539], %parallel_loop3A_546 : memref<8x8x129xf32, #tpu.memory_space<vmem>>[vector<16xi32>, vector<16xi32>, vector<16xi32>], vector<16xf32>,
        %parallel_loop3A_552 = arith.constant 0 : i32
        %parallel_loop3A_553 = arith.constant 0 : i32
        %parallel_loop3A_554 = tpu.memref_slice %arg6[%parallel_loop3A_188, %parallel_loop3A_552, %parallel_loop3A_553] : memref<2x128x64xf32, #tpu.memory_space<vmem>> -> memref<1x128x64xf32, #tpu.memory_space<vmem>>
        %parallel_loop3A_555 = tpu.memref_squeeze %parallel_loop3A_554 : memref<1x128x64xf32, #tpu.memory_space<vmem>> -> memref<128x64xf32, #tpu.memory_space<vmem>>
        %parallel_loop3A_556 = arith.index_cast %parallel_loop3A_538 : i32 to index
        %parallel_loop3A_557 = arith.constant 16 : index
        %parallel_loop3A_558 = tpu.vector_load %parallel_loop3A_555[%parallel_loop3A_556, %parallel_loop3A_557] {strides = array<i32>} : memref<128x64xf32, #tpu.memory_space<vmem>>, vector<16xf32>,
        %parallel_loop3A_559 = arith.constant 0 : i32
        %parallel_loop3A_560 = arith.constant 0 : i32
        %parallel_loop3A_561 = arith.constant 0 : i32
        %parallel_loop3A_562 = tpu.memref_slice %arg7[%parallel_loop3A_189, %parallel_loop3A_559, %parallel_loop3A_560, %parallel_loop3A_561] : memref<2x8x8x129xf32, #tpu.memory_space<vmem>> -> memref<1x8x8x129xf32, #tpu.memory_space<vmem>>
        %parallel_loop3A_563 = tpu.memref_squeeze %parallel_loop3A_562 : memref<1x8x8x129xf32, #tpu.memory_space<vmem>> -> memref<8x8x129xf32, #tpu.memory_space<vmem>>
        tpu.vector_store_idx %parallel_loop3A_563[%shift_right_arithmetic3A_11, %and3A_34, %parallel_loop3A_539], %parallel_loop3A_558 : memref<8x8x129xf32, #tpu.memory_space<vmem>>[vector<16xi32>, vector<16xi32>, vector<16xi32>], vector<16xf32>,
        %parallel_loop3A_564 = arith.constant 0 : i32
        %parallel_loop3A_565 = arith.constant 0 : i32
        %parallel_loop3A_566 = tpu.memref_slice %arg6[%parallel_loop3A_188, %parallel_loop3A_564, %parallel_loop3A_565] : memref<2x128x64xf32, #tpu.memory_space<vmem>> -> memref<1x128x64xf32, #tpu.memory_space<vmem>>
        %parallel_loop3A_567 = tpu.memref_squeeze %parallel_loop3A_566 : memref<1x128x64xf32, #tpu.memory_space<vmem>> -> memref<128x64xf32, #tpu.memory_space<vmem>>
        %parallel_loop3A_568 = arith.index_cast %parallel_loop3A_538 : i32 to index
        %parallel_loop3A_569 = arith.constant 32 : index
        %parallel_loop3A_570 = tpu.vector_load %parallel_loop3A_567[%parallel_loop3A_568, %parallel_loop3A_569] {strides = array<i32>} : memref<128x64xf32, #tpu.memory_space<vmem>>, vector<16xf32>,
        %parallel_loop3A_571 = arith.constant 0 : i32
        %parallel_loop3A_572 = arith.constant 0 : i32
        %parallel_loop3A_573 = arith.constant 0 : i32
        %parallel_loop3A_574 = tpu.memref_slice %arg7[%parallel_loop3A_189, %parallel_loop3A_571, %parallel_loop3A_572, %parallel_loop3A_573] : memref<2x8x8x129xf32, #tpu.memory_space<vmem>> -> memref<1x8x8x129xf32, #tpu.memory_space<vmem>>
        %parallel_loop3A_575 = tpu.memref_squeeze %parallel_loop3A_574 : memref<1x8x8x129xf32, #tpu.memory_space<vmem>> -> memref<8x8x129xf32, #tpu.memory_space<vmem>>
        tpu.vector_store_idx %parallel_loop3A_575[%shift_right_arithmetic3A_17, %and3A_40, %parallel_loop3A_539], %parallel_loop3A_570 : memref<8x8x129xf32, #tpu.memory_space<vmem>>[vector<16xi32>, vector<16xi32>, vector<16xi32>], vector<16xf32>,
        %parallel_loop3A_576 = arith.constant 0 : i32
        %parallel_loop3A_577 = arith.constant 0 : i32
        %parallel_loop3A_578 = tpu.memref_slice %arg6[%parallel_loop3A_188, %parallel_loop3A_576, %parallel_loop3A_577] : memref<2x128x64xf32, #tpu.memory_space<vmem>> -> memref<1x128x64xf32, #tpu.memory_space<vmem>>
        %parallel_loop3A_579 = tpu.memref_squeeze %parallel_loop3A_578 : memref<1x128x64xf32, #tpu.memory_space<vmem>> -> memref<128x64xf32, #tpu.memory_space<vmem>>
        %parallel_loop3A_580 = arith.index_cast %parallel_loop3A_538 : i32 to index
        %parallel_loop3A_581 = arith.constant 48 : index
        %parallel_loop3A_582 = tpu.vector_load %parallel_loop3A_579[%parallel_loop3A_580, %parallel_loop3A_581] {strides = array<i32>} : memref<128x64xf32, #tpu.memory_space<vmem>>, vector<16xf32>,
        %parallel_loop3A_583 = arith.constant 0 : i32
        %parallel_loop3A_584 = arith.constant 0 : i32
        %parallel_loop3A_585 = arith.constant 0 : i32
        %parallel_loop3A_586 = tpu.memref_slice %arg7[%parallel_loop3A_189, %parallel_loop3A_583, %parallel_loop3A_584, %parallel_loop3A_585] : memref<2x8x8x129xf32, #tpu.memory_space<vmem>> -> memref<1x8x8x129xf32, #tpu.memory_space<vmem>>
        %parallel_loop3A_587 = tpu.memref_squeeze %parallel_loop3A_586 : memref<1x8x8x129xf32, #tpu.memory_space<vmem>> -> memref<8x8x129xf32, #tpu.memory_space<vmem>>
        tpu.vector_store_idx %parallel_loop3A_587[%shift_right_arithmetic3A_23, %and3A_46, %parallel_loop3A_539], %parallel_loop3A_582 : memref<8x8x129xf32, #tpu.memory_space<vmem>>[vector<16xi32>, vector<16xi32>, vector<16xi32>], vector<16xf32>,
        %parallel_loop3A_588 = arith.constant 8 : i32
        %parallel_loop3A_589 = arith.muli %parallel_loop3A_216, %parallel_loop3A_588 : i32
        %parallel_loop3A_590 = arith.constant 7 : i32
        %parallel_loop3A_591 = arith.addi %parallel_loop3A_589, %parallel_loop3A_590 : i32
        %parallel_loop3A_592 = vector.broadcast %parallel_loop3A_591 : i32 to vector<16xi32>
        %parallel_loop3A_593 = arith.constant 0 : i32
        %parallel_loop3A_594 = arith.constant 0 : i32
        %parallel_loop3A_595 = tpu.memref_slice %arg6[%parallel_loop3A_188, %parallel_loop3A_593, %parallel_loop3A_594] : memref<2x128x64xf32, #tpu.memory_space<vmem>> -> memref<1x128x64xf32, #tpu.memory_space<vmem>>
        %parallel_loop3A_596 = tpu.memref_squeeze %parallel_loop3A_595 : memref<1x128x64xf32, #tpu.memory_space<vmem>> -> memref<128x64xf32, #tpu.memory_space<vmem>>
        %parallel_loop3A_597 = arith.index_cast %parallel_loop3A_591 : i32 to index
        %parallel_loop3A_598 = arith.constant 0 : index
        %parallel_loop3A_599 = tpu.vector_load %parallel_loop3A_596[%parallel_loop3A_597, %parallel_loop3A_598] {strides = array<i32>} : memref<128x64xf32, #tpu.memory_space<vmem>>, vector<16xf32>,
        %parallel_loop3A_600 = arith.constant 0 : i32
        %parallel_loop3A_601 = arith.constant 0 : i32
        %parallel_loop3A_602 = arith.constant 0 : i32
        %parallel_loop3A_603 = tpu.memref_slice %arg7[%parallel_loop3A_189, %parallel_loop3A_600, %parallel_loop3A_601, %parallel_loop3A_602] : memref<2x8x8x129xf32, #tpu.memory_space<vmem>> -> memref<1x8x8x129xf32, #tpu.memory_space<vmem>>
        %parallel_loop3A_604 = tpu.memref_squeeze %parallel_loop3A_603 : memref<1x8x8x129xf32, #tpu.memory_space<vmem>> -> memref<8x8x129xf32, #tpu.memory_space<vmem>>
        tpu.vector_store_idx %parallel_loop3A_604[%shift_right_arithmetic3A_5, %and3A_28, %parallel_loop3A_592], %parallel_loop3A_599 : memref<8x8x129xf32, #tpu.memory_space<vmem>>[vector<16xi32>, vector<16xi32>, vector<16xi32>], vector<16xf32>,
        %parallel_loop3A_605 = arith.constant 0 : i32
        %parallel_loop3A_606 = arith.constant 0 : i32
        %parallel_loop3A_607 = tpu.memref_slice %arg6[%parallel_loop3A_188, %parallel_loop3A_605, %parallel_loop3A_606] : memref<2x128x64xf32, #tpu.memory_space<vmem>> -> memref<1x128x64xf32, #tpu.memory_space<vmem>>
        %parallel_loop3A_608 = tpu.memref_squeeze %parallel_loop3A_607 : memref<1x128x64xf32, #tpu.memory_space<vmem>> -> memref<128x64xf32, #tpu.memory_space<vmem>>
        %parallel_loop3A_609 = arith.index_cast %parallel_loop3A_591 : i32 to index
        %parallel_loop3A_610 = arith.constant 16 : index
        %parallel_loop3A_611 = tpu.vector_load %parallel_loop3A_608[%parallel_loop3A_609, %parallel_loop3A_610] {strides = array<i32>} : memref<128x64xf32, #tpu.memory_space<vmem>>, vector<16xf32>,
        %parallel_loop3A_612 = arith.constant 0 : i32
        %parallel_loop3A_613 = arith.constant 0 : i32
        %parallel_loop3A_614 = arith.constant 0 : i32
        %parallel_loop3A_615 = tpu.memref_slice %arg7[%parallel_loop3A_189, %parallel_loop3A_612, %parallel_loop3A_613, %parallel_loop3A_614] : memref<2x8x8x129xf32, #tpu.memory_space<vmem>> -> memref<1x8x8x129xf32, #tpu.memory_space<vmem>>
        %parallel_loop3A_616 = tpu.memref_squeeze %parallel_loop3A_615 : memref<1x8x8x129xf32, #tpu.memory_space<vmem>> -> memref<8x8x129xf32, #tpu.memory_space<vmem>>
        tpu.vector_store_idx %parallel_loop3A_616[%shift_right_arithmetic3A_11, %and3A_34, %parallel_loop3A_592], %parallel_loop3A_611 : memref<8x8x129xf32, #tpu.memory_space<vmem>>[vector<16xi32>, vector<16xi32>, vector<16xi32>], vector<16xf32>,
        %parallel_loop3A_617 = arith.constant 0 : i32
        %parallel_loop3A_618 = arith.constant 0 : i32
        %parallel_loop3A_619 = tpu.memref_slice %arg6[%parallel_loop3A_188, %parallel_loop3A_617, %parallel_loop3A_618] : memref<2x128x64xf32, #tpu.memory_space<vmem>> -> memref<1x128x64xf32, #tpu.memory_space<vmem>>
        %parallel_loop3A_620 = tpu.memref_squeeze %parallel_loop3A_619 : memref<1x128x64xf32, #tpu.memory_space<vmem>> -> memref<128x64xf32, #tpu.memory_space<vmem>>
        %parallel_loop3A_621 = arith.index_cast %parallel_loop3A_591 : i32 to index
        %parallel_loop3A_622 = arith.constant 32 : index
        %parallel_loop3A_623 = tpu.vector_load %parallel_loop3A_620[%parallel_loop3A_621, %parallel_loop3A_622] {strides = array<i32>} : memref<128x64xf32, #tpu.memory_space<vmem>>, vector<16xf32>,
        %parallel_loop3A_624 = arith.constant 0 : i32
        %parallel_loop3A_625 = arith.constant 0 : i32
        %parallel_loop3A_626 = arith.constant 0 : i32
        %parallel_loop3A_627 = tpu.memref_slice %arg7[%parallel_loop3A_189, %parallel_loop3A_624, %parallel_loop3A_625, %parallel_loop3A_626] : memref<2x8x8x129xf32, #tpu.memory_space<vmem>> -> memref<1x8x8x129xf32, #tpu.memory_space<vmem>>
        %parallel_loop3A_628 = tpu.memref_squeeze %parallel_loop3A_627 : memref<1x8x8x129xf32, #tpu.memory_space<vmem>> -> memref<8x8x129xf32, #tpu.memory_space<vmem>>
        tpu.vector_store_idx %parallel_loop3A_628[%shift_right_arithmetic3A_17, %and3A_40, %parallel_loop3A_592], %parallel_loop3A_623 : memref<8x8x129xf32, #tpu.memory_space<vmem>>[vector<16xi32>, vector<16xi32>, vector<16xi32>], vector<16xf32>,
        %parallel_loop3A_629 = arith.constant 0 : i32
        %parallel_loop3A_630 = arith.constant 0 : i32
        %parallel_loop3A_631 = tpu.memref_slice %arg6[%parallel_loop3A_188, %parallel_loop3A_629, %parallel_loop3A_630] : memref<2x128x64xf32, #tpu.memory_space<vmem>> -> memref<1x128x64xf32, #tpu.memory_space<vmem>>
        %parallel_loop3A_632 = tpu.memref_squeeze %parallel_loop3A_631 : memref<1x128x64xf32, #tpu.memory_space<vmem>> -> memref<128x64xf32, #tpu.memory_space<vmem>>
        %parallel_loop3A_633 = arith.index_cast %parallel_loop3A_591 : i32 to index
        %parallel_loop3A_634 = arith.constant 48 : index
        %parallel_loop3A_635 = tpu.vector_load %parallel_loop3A_632[%parallel_loop3A_633, %parallel_loop3A_634] {strides = array<i32>} : memref<128x64xf32, #tpu.memory_space<vmem>>, vector<16xf32>,
        %parallel_loop3A_636 = arith.constant 0 : i32
        %parallel_loop3A_637 = arith.constant 0 : i32
        %parallel_loop3A_638 = arith.constant 0 : i32
        %parallel_loop3A_639 = tpu.memref_slice %arg7[%parallel_loop3A_189, %parallel_loop3A_636, %parallel_loop3A_637, %parallel_loop3A_638] : memref<2x8x8x129xf32, #tpu.memory_space<vmem>> -> memref<1x8x8x129xf32, #tpu.memory_space<vmem>>
        %parallel_loop3A_640 = tpu.memref_squeeze %parallel_loop3A_639 : memref<1x8x8x129xf32, #tpu.memory_space<vmem>> -> memref<8x8x129xf32, #tpu.memory_space<vmem>>
        tpu.vector_store_idx %parallel_loop3A_640[%shift_right_arithmetic3A_23, %and3A_46, %parallel_loop3A_592], %parallel_loop3A_635 : memref<8x8x129xf32, #tpu.memory_space<vmem>>[vector<16xi32>, vector<16xi32>, vector<16xi32>], vector<16xf32>,
      } {sc.loop_unroll_factor = 1 : i64, sc.parallel_access}
      %dma_start3A_190 = arith.constant 1 : i32
      %dma_start3A_191 = arith.constant 0 : i32
      %dma_start3A_192 = arith.constant 0 : i32
      %dma_start3A_193 = arith.constant 0 : i32
      %dma_start3A_194 = tpu.memref_slice %arg7[%dma_start3A_190, %dma_start3A_191, %dma_start3A_192, %dma_start3A_193] : memref<2x8x8x129xf32, #tpu.memory_space<vmem>> -> memref<1x8x8x128xf32, #tpu.memory_space<vmem>>
      %dma_start3A_195 = tpu.memref_squeeze %dma_start3A_194 : memref<1x8x8x128xf32, #tpu.memory_space<vmem>> -> memref<8x8x128xf32, #tpu.memory_space<vmem>>
      %dma_start3A_196 = arith.constant 0 : i32
      %dma_start3A_197 = arith.constant 0 : i32
      %dma_start3A_198 = arith.constant 0 : i32
      %dma_start3A_199 = tpu.memref_slice %arg4[%add3A_168, %dma_start3A_196, %add3A, %dma_start3A_197, %dma_start3A_198] : memref<26x8x32x8x128xf32, #tpu.memory_space<hbm>> -> memref<1x8x1x8x128xf32, #tpu.memory_space<hbm>>
      %dma_start3A_200 = tpu.memref_squeeze %dma_start3A_199 : memref<1x8x1x8x128xf32, #tpu.memory_space<hbm>> -> memref<8x8x128xf32, #tpu.memory_space<hbm>>
      %dma_start3A_201 = arith.constant 0 : i32
      %dma_start3A_202 = arith.constant 0 : i32
      %dma_start3A_203 = arith.constant 0 : i32
      %dma_start3A_204 = tpu.memref_slice %arg4[%add3A_168, %dma_start3A_201, %add3A, %dma_start3A_202, %dma_start3A_203] : memref<26x8x32x8x128xf32, #tpu.memory_space<hbm>> -> memref<1x8x1x8x128xf32, #tpu.memory_space<hbm>>
      %dma_start3A_205 = tpu.memref_squeeze %dma_start3A_204 : memref<1x8x1x8x128xf32, #tpu.memory_space<hbm>> -> memref<8x8x128xf32, #tpu.memory_space<hbm>>
      %dma_start3A_206 = arith.constant 0 : i32
      %dma_start3A_207 = arith.constant 0 : i32
      %dma_start3A_208 = arith.constant 0 : i32
      %dma_start3A_209 = tpu.memref_slice %arg7[%dma_start3A_190, %dma_start3A_206, %dma_start3A_207, %dma_start3A_208] : memref<2x8x8x129xf32, #tpu.memory_space<vmem>> -> memref<1x8x8x128xf32, #tpu.memory_space<vmem>>
      %dma_start3A_210 = tpu.memref_squeeze %dma_start3A_209 : memref<1x8x8x128xf32, #tpu.memory_space<vmem>> -> memref<8x8x128xf32, #tpu.memory_space<vmem>>
      tpu.enqueue_dma source(%dma_start3A_210 : memref<8x8x128xf32, #tpu.memory_space<vmem>>) target(%dma_start3A_205 : memref<8x8x128xf32, #tpu.memory_space<hbm>>) target_semaphore(%arg11 : memref<!tpu.dma_semaphore, #tpu.memory_space<semaphore_mem>>)
      %lt3A_211 = arith.constant 24 : i32
      %lt3A_212 = arith.cmpi slt, %add3A_168, %lt3A_211 : i32
      %convert_element_type3A_213 = arith.extui %lt3A_212 : i1 to i32
      %cond3A_214 = arith.constant 0 : i32
      %cond3A_215 = arith.cmpi ne, %convert_element_type3A_213, %cond3A_214 : i32
      scf.if %cond3A_215 {
        %add3A_216 = arith.constant 2 : i32
        %add3A_217 = arith.addi %add3A_168, %add3A_216 : i32
        %dma_start3A_218 = arith.constant 1 : i32
        %dma_start3A_219 = arith.constant 0 : i32
        %dma_start3A_220 = arith.constant 0 : i32
        %dma_start3A_221 = tpu.memref_slice %arg6[%dma_start3A_218, %dma_start3A_219, %dma_start3A_220] : memref<2x128x64xf32, #tpu.memory_space<vmem>> -> memref<1x128x64xf32, #tpu.memory_space<vmem>>
        %dma_start3A_222 = tpu.memref_squeeze %dma_start3A_221 : memref<1x128x64xf32, #tpu.memory_space<vmem>> -> memref<128x64xf32, #tpu.memory_space<vmem>>
        %dma_start3A_223 = arith.constant 0 : i32
        %dma_start3A_224 = tpu.memref_slice %arg5[%add3A_217, %dma_start3A_223] : memref<26x128xi32, #tpu.memory_space<vmem>> -> memref<1x128xi32, #tpu.memory_space<vmem>>
        %dma_start3A_225 = tpu.memref_squeeze %dma_start3A_224 : memref<1x128xi32, #tpu.memory_space<vmem>> -> memref<128xi32, #tpu.memory_space<vmem>>
        %dma_start3A_226 = arith.constant 0 : i32
        %dma_start3A_227 = arith.constant 0 : i32
        %dma_start3A_228 = tpu.memref_slice %arg3[%dma_start3A_226, %dma_start3A_227] : memref<100000x64xf32, #tpu.memory_space<hbm>> -> memref<100000x64xf32, #tpu.memory_space<hbm>>
        tpu.enqueue_indirect_dma source(%dma_start3A_228 : memref<100000x64xf32, #tpu.memory_space<hbm>>) target(%dma_start3A_222 : memref<128x64xf32, #tpu.memory_space<vmem>>) offsets(%dma_start3A_225 : memref<128xi32, #tpu.memory_space<vmem>>) semaphore(%arg9 : memref<!tpu.dma_semaphore, #tpu.memory_space<semaphore_mem>>)
      } else {
      }
    }
    %scan3A_74 = arith.constant 13 : i32
    %dma_wait3A = arith.constant 0 : i32
    %dma_wait3A_75 = arith.constant 24 : i32
    %dma_wait3A_76 = arith.constant 0 : i32
    %dma_wait3A_77 = arith.constant 0 : i32
    %dma_wait3A_78 = arith.constant 0 : i32
    %dma_wait3A_79 = tpu.memref_slice %arg7[%dma_wait3A, %dma_wait3A_76, %dma_wait3A_77, %dma_wait3A_78] : memref<2x8x8x129xf32, #tpu.memory_space<vmem>> -> memref<1x8x8x128xf32, #tpu.memory_space<vmem>>
    %dma_wait3A_80 = tpu.memref_squeeze %dma_wait3A_79 : memref<1x8x8x128xf32, #tpu.memory_space<vmem>> -> memref<8x8x128xf32, #tpu.memory_space<vmem>>
    %dma_wait3A_81 = arith.constant 0 : i32
    %dma_wait3A_82 = arith.constant 0 : i32
    %dma_wait3A_83 = arith.constant 0 : i32
    %dma_wait3A_84 = tpu.memref_slice %arg4[%dma_wait3A_75, %dma_wait3A_81, %add3A, %dma_wait3A_82, %dma_wait3A_83] : memref<26x8x32x8x128xf32, #tpu.memory_space<hbm>> -> memref<1x8x1x8x128xf32, #tpu.memory_space<hbm>>
    %dma_wait3A_85 = tpu.memref_squeeze %dma_wait3A_84 : memref<1x8x1x8x128xf32, #tpu.memory_space<hbm>> -> memref<8x8x128xf32, #tpu.memory_space<hbm>>
    %dma_wait3A_86 = arith.constant 0 : i32
    %dma_wait3A_87 = arith.constant 0 : i32
    %dma_wait3A_88 = arith.constant 0 : i32
    %dma_wait3A_89 = tpu.memref_slice %arg4[%dma_wait3A_75, %dma_wait3A_86, %add3A, %dma_wait3A_87, %dma_wait3A_88] : memref<26x8x32x8x128xf32, #tpu.memory_space<hbm>> -> memref<1x8x1x8x128xf32, #tpu.memory_space<hbm>>
    %dma_wait3A_90 = tpu.memref_squeeze %dma_wait3A_89 : memref<1x8x1x8x128xf32, #tpu.memory_space<hbm>> -> memref<8x8x128xf32, #tpu.memory_space<hbm>>
    %dma_wait3A_91 = arith.constant 0 : i32
    %dma_wait3A_92 = arith.constant 0 : i32
    %dma_wait3A_93 = arith.constant 0 : i32
    %dma_wait3A_94 = tpu.memref_slice %arg7[%dma_wait3A, %dma_wait3A_91, %dma_wait3A_92, %dma_wait3A_93] : memref<2x8x8x129xf32, #tpu.memory_space<vmem>> -> memref<1x8x8x128xf32, #tpu.memory_space<vmem>>
    %dma_wait3A_95 = tpu.memref_squeeze %dma_wait3A_94 : memref<1x8x8x128xf32, #tpu.memory_space<vmem>> -> memref<8x8x128xf32, #tpu.memory_space<vmem>>
    tpu.wait_dma2 semaphore(%arg10 : memref<!tpu.dma_semaphore, #tpu.memory_space<semaphore_mem>>) src(%dma_wait3A_95 : memref<8x8x128xf32, #tpu.memory_space<vmem>>) dst(%dma_wait3A_90 : memref<8x8x128xf32, #tpu.memory_space<hbm>>)
    %dma_wait3A_96 = arith.constant 1 : i32
    %dma_wait3A_97 = arith.constant 25 : i32
    %dma_wait3A_98 = arith.constant 0 : i32
    %dma_wait3A_99 = arith.constant 0 : i32
    %dma_wait3A_100 = arith.constant 0 : i32
    %dma_wait3A_101 = tpu.memref_slice %arg7[%dma_wait3A_96, %dma_wait3A_98, %dma_wait3A_99, %dma_wait3A_100] : memref<2x8x8x129xf32, #tpu.memory_space<vmem>> -> memref<1x8x8x128xf32, #tpu.memory_space<vmem>>
    %dma_wait3A_102 = tpu.memref_squeeze %dma_wait3A_101 : memref<1x8x8x128xf32, #tpu.memory_space<vmem>> -> memref<8x8x128xf32, #tpu.memory_space<vmem>>
    %dma_wait3A_103 = arith.constant 0 : i32
    %dma_wait3A_104 = arith.constant 0 : i32
    %dma_wait3A_105 = arith.constant 0 : i32
    %dma_wait3A_106 = tpu.memref_slice %arg4[%dma_wait3A_97, %dma_wait3A_103, %add3A, %dma_wait3A_104, %dma_wait3A_105] : memref<26x8x32x8x128xf32, #tpu.memory_space<hbm>> -> memref<1x8x1x8x128xf32, #tpu.memory_space<hbm>>
    %dma_wait3A_107 = tpu.memref_squeeze %dma_wait3A_106 : memref<1x8x1x8x128xf32, #tpu.memory_space<hbm>> -> memref<8x8x128xf32, #tpu.memory_space<hbm>>
    %dma_wait3A_108 = arith.constant 0 : i32
    %dma_wait3A_109 = arith.constant 0 : i32
    %dma_wait3A_110 = arith.constant 0 : i32
    %dma_wait3A_111 = tpu.memref_slice %arg4[%dma_wait3A_97, %dma_wait3A_108, %add3A, %dma_wait3A_109, %dma_wait3A_110] : memref<26x8x32x8x128xf32, #tpu.memory_space<hbm>> -> memref<1x8x1x8x128xf32, #tpu.memory_space<hbm>>
    %dma_wait3A_112 = tpu.memref_squeeze %dma_wait3A_111 : memref<1x8x1x8x128xf32, #tpu.memory_space<hbm>> -> memref<8x8x128xf32, #tpu.memory_space<hbm>>
    %dma_wait3A_113 = arith.constant 0 : i32
    %dma_wait3A_114 = arith.constant 0 : i32
    %dma_wait3A_115 = arith.constant 0 : i32
    %dma_wait3A_116 = tpu.memref_slice %arg7[%dma_wait3A_96, %dma_wait3A_113, %dma_wait3A_114, %dma_wait3A_115] : memref<2x8x8x129xf32, #tpu.memory_space<vmem>> -> memref<1x8x8x128xf32, #tpu.memory_space<vmem>>
    %dma_wait3A_117 = tpu.memref_squeeze %dma_wait3A_116 : memref<1x8x8x128xf32, #tpu.memory_space<vmem>> -> memref<8x8x128xf32, #tpu.memory_space<vmem>>
    tpu.wait_dma2 semaphore(%arg11 : memref<!tpu.dma_semaphore, #tpu.memory_space<semaphore_mem>>) src(%dma_wait3A_117 : memref<8x8x128xf32, #tpu.memory_space<vmem>>) dst(%dma_wait3A_112 : memref<8x8x128xf32, #tpu.memory_space<hbm>>)
    return
  }
}

</mosaic_0001>

<sc_bundles>
// kernel: kernel.3.cloned.1.call-start
scs
__scs_entry_jumppad:
0x0: {  	(pc) =	sbr.rel $0x88, $3  }
0x1: {  	(tag) =	ssettag $0x0;
	lr =	simm.s32 $0x1  }
0x2: {  	[smem:$0x3F9F] =	sst lr;
	_ =	strace $0xD0000000  }
0x3: {  	_ = 	snop  }
0x4: {  	_ = 	snop  }
0x5: {  	_ = 	snop  }
0x6: {  	_ = 	snop  }
0x7: {  	_ = 	snop  }
__scs_overlays_trampoline_lowered:
0x8: {  	[smem:$0x3FAE] =	sst s0  }
0x9: {  	[smem:$0x3FAF] =	sst s1  }
0xa: {  	[smem:$0x3FB0] =	sst s2  }
0xb: {  	[smem:$0x3FB1] =	sst s3  }
0xc: {  	[smem:$0x3FB2] =	sst s4  }
0xd: {  	[smem:$0x3FB3] =	sst s5  }
0xe: {  	[smem:$0x3FB4] =	sst s6  }
0xf: {  	[smem:$0x3FB5] =	sst s7  }
0x10: {  	[smem:$0x3FB6] =	sst s8  }
0x11: {  	[smem:$0x3FB7] =	sst s9;
	s0 =	simm.s32 @!p0 $0x0  }
0x12: {  	s1 =	sld [smem:$0x3F9D];
	s0 =	simm.s32 @p0 $0x1  }
0x13: {  	[smem:$0x3FB8] =	sst s0;
	s0 =	simm.s32 @!p1 $0x0  }
0x14: {  	s2 =	sld [smem:$0x3F9C];
	s0 =	simm.s32 @p1 $0x1  }
0x15: {  	[smem:$0x3FB9] =	sst s0;
	s0 =	simm.s32 @!p2 $0x0  }
0x16: {  	s3 =	sld [smem:$0x3FDB];
	s0 =	simm.s32 @p2 $0x1  }
0x17: {  	s4 =	simm.s32 $0x1BF5;
	[smem:$0x3FBB] =	sst s0  }
0x18: {  	s0 =	sld [smem:$0x3F9E];
	_ =	swait.ge [sflag:s4], $0x0  }
0x19: {  	s7 =	sld [smem:$0x3F9F]  }
0x1a: {  	s8 =	sadd.s32 $0xFFFFE003, lr  }
0x1b: {  	s9 =	sadd.s32 $0xFFFFFEF7, lr;
	s5 =	simm.s32 $0xFFFFFFFF;
	p2 =	slt.u32 s8, $0xFFFFF086  }
0x1c: {  	p1 =	slt.u32 s9, $0xF7A;
	s5 =	simm.s32 @!p2 $0x0  }
0x1d: {  	s5 =	simm.s32 @p1 $0x1;
	p0 =	seq.s32 s7, s2  }
0x1e: {  	s7 =	smul.u32 @!p0 $0xF7A, s2;
	p2 =	seq.s32 @!p0 s5, $0x0  }
0x1f: {  	s9 =	smul.u32 $0xF7A, s1;
	s8 =	simm.s32 @!p0 $0x1BF5;
	p2 =	por !p2, p0  }
0x20: {  	[sflag:s8] =	ssyncset.s32 @!p0 $0xFFFFF086;
	s6 =	sadd.s32 @!p0 s3, s7;
	s7 =	simm.s32 @!p0 $0x108  }
0x21: {  	s3 =	sadd.s32 s3, s9;
	s6 =	sadd.s32 @!p0 $0x88, s6;
	s7 =	simm.s32 @p2 $0x1082  }
0x22: {  	[simem:s7], [sflag:s8] =	dma.local @!p0 [hbm:s6], $0xF7A  }
0x23: {  	s9 =	sor.u32 $0xD0000000, s2;
	s6 =	simm.s32 $0x108;
	_ =	swait.ge @!p0 [sflag:s8], $0x0  }
0x24: {  	s3 =	sadd.s32 $0x88, s3;
	s6 =	simm.s32 @!p1 $0x1082;
	[sflag:s4] =	ssyncset.s32 $0xFFFFF086  }
0x25: {  	[simem:s6], [sflag:s4] =	dma.local [hbm:s3], $0xF7A  }
0x26: {  	[smem:$0x3F9F] =	sst s1;
	(tag) =	ssettag s2;
	_ =	strace s9  }
0x27: {  	s1 =	sld [smem:$0x3FAF]  }
0x28: {  	s2 =	sld [smem:$0x3FB0]  }
0x29: {  	s4 =	sld [smem:$0x3FB2]  }
0x2a: {  	p0 =	seq.s32 s5, $0x0;
	s5 =	sld [smem:$0x3FB3]  }
0x2b: {  	s6 =	sld [smem:$0x3FB4]  }
0x2c: {  	s7 =	sld [smem:$0x3FB5]  }
0x2d: {  	s3 =	simm.s32 $0x108;
	s8 =	sld [smem:$0x3FB6]  }
0x2e: {  	s3 =	simm.s32 @!p0 $0x1082;
	s9 =	sld [smem:$0x3FB7]  }
0x2f: {  	lr =	sadd.s32 s0, s3;
	s0 =	sld [smem:$0x3FAE]  }
0x30: {  	s3 =	sld [smem:$0x3FB1]  }
0x31: {  	[smem:$0x3FBA] =	sst s10  }
0x32: {  	s10 =	sld [smem:$0x3FB8];
	_ =	sdelay $0x3  }
0x33: {  	p0 =	seq.s32 s10, $0x1;
	s10 =	sld [smem:$0x3FBA];
	_ =	sdelay $0x3  }
0x34: {  	[smem:$0x3FBA] =	sst s10  }
0x35: {  	s10 =	sld [smem:$0x3FB9];
	_ =	sdelay $0x3  }
0x36: {  	p1 =	seq.s32 s10, $0x1;
	s10 =	sld [smem:$0x3FBA];
	_ =	sdelay $0x3  }
0x37: {  	[smem:$0x3FBA] =	sst s10  }
0x38: {  	s10 =	sld [smem:$0x3FBB]  }
0x39: {  	_ = 	snop;
	(pc) =	sbr.ind lr, $3  }
0x3a: {  	_ = 	snop  }
0x3b: {  	_ = 	snop  }
0x3c: {  	p2 =	seq.s32 s10, $0x1;
	s10 =	sld [smem:$0x3FBA]  }
0x3d: {  	_ =	shalt  }
0x3e: {  	_ =	shalt  }
0x3f: {  	_ =	shalt  }
0x40: {  	_ =	shalt  }
0x41: {  	_ =	shalt  }
0x42: {  	_ =	shalt  }
0x43: {  	_ =	shalt  }
0x44: {  	_ =	shalt  }
0x45: {  	_ =	shalt  }
0x46: {  	_ =	shalt  }
0x47: {  	_ =	shalt  }
0x48: {  	_ =	shalt  }
0x49: {  	_ =	shalt  }
0x4a: {  	_ =	shalt  }
0x4b: {  	_ =	shalt  }
0x4c: {  	_ =	shalt  }
0x4d: {  	_ =	shalt  }
0x4e: {  	_ =	shalt  }
0x4f: {  	_ =	shalt  }
0x50: {  	_ =	shalt  }
0x51: {  	_ =	shalt  }
0x52: {  	_ =	shalt  }
0x53: {  	_ =	shalt  }
0x54: {  	_ =	shalt  }
0x55: {  	_ =	shalt  }
0x56: {  	_ =	shalt  }
0x57: {  	_ =	shalt  }
0x58: {  	_ =	shalt  }
0x59: {  	_ =	shalt  }
0x5a: {  	_ =	shalt  }
0x5b: {  	_ =	shalt  }
0x5c: {  	_ =	shalt  }
0x5d: {  	_ =	shalt  }
0x5e: {  	_ =	shalt  }
0x5f: {  	_ =	shalt  }
0x60: {  	_ =	shalt  }
0x61: {  	_ =	shalt  }
0x62: {  	_ =	shalt  }
0x63: {  	_ =	shalt  }
0x64: {  	_ =	shalt  }
0x65: {  	_ =	shalt  }
0x66: {  	_ =	shalt  }
0x67: {  	_ =	shalt  }
0x68: {  	_ =	shalt  }
0x69: {  	_ =	shalt  }
0x6a: {  	_ =	shalt  }
0x6b: {  	_ =	shalt  }
0x6c: {  	_ =	shalt  }
0x6d: {  	_ =	shalt  }
0x6e: {  	_ =	shalt  }
0x6f: {  	_ =	shalt  }
0x70: {  	_ =	shalt  }
0x71: {  	_ =	shalt  }
0x72: {  	_ =	shalt  }
0x73: {  	_ =	shalt  }
0x74: {  	_ =	shalt  }
0x75: {  	_ =	shalt  }
0x76: {  	_ =	shalt  }
0x77: {  	_ =	shalt  }
0x78: {  	_ =	shalt  }
0x79: {  	_ =	shalt  }
0x7a: {  	_ =	shalt  }
0x7b: {  	_ =	shalt  }
0x7c: {  	_ =	shalt  }
0x7d: {  	_ =	shalt  }
0x7e: {  	_ =	shalt  }
0x7f: {  	_ =	shalt  }
0x80: {  	_ =	shalt  }
0x81: {  	_ =	shalt  }
0x82: {  	_ =	shalt  }
0x83: {  	_ =	shalt  }
0x84: {  	_ =	shalt  }
0x85: {  	_ =	shalt  }
0x86: {  	_ =	shalt  }
0x87: {  	_ =	shalt  }
.Lfunc_end0:
.L_simem_size_0:
called_computation_lowered:
.L_overlay_start_0:
0x88: {  	s2 =	sld [smem:$0x3FD9]  }
0x89: {  	s3 =	sld [smem:$0x3FFE];
	_ =	sdelay $0x1  }
0x8a: {  	s1 =	srdreg.scid  }
0x8b: {  	s0 =	sand.u32 $0x1, s1  }
0x8c: {  	s17 =	sshll.u32 s0, $0xA;
	s2 =	sadd.s32 s3, s2  }
0x8d: {  	s2 =	sadd.s32 s2, s17  }
0x8e: {  	[smem:$0x3FC6] =	sst s2  }
0x8f: {  	_ = 	snop  }
0x90: {  	s2 =	sld [smem:$0x3FD0];
	(tm) =	ssettm $0x1  }
0x91: {  	s18 =	sld [smem:$0x3FFB];
	_ =	sdelay $0x3  }
0x92: {  	_ =	strace s18  }
0x93: {  	s3 =	sld [smem:$0x3FFC];
	_ =	sdelay $0x3  }
0x94: {  	_ =	strace s3  }
0x95: {  	s3 =	sld [smem:$0x3FFD];
	_ =	sdelay $0x3  }
0x96: {  	_ =	strace s3  }
0x97: {  	_ =	strace $0x8FFFFFFF  }
0x98: {  	s19 =	sld [smem:$0x3FDB];
	_ =	sdelay $0x1  }
0x99: {  	s4 =	simm.s32 $_scs_section_size  }
0x9a: {  	s5 =	simm.s32 $_size__tile_overlayer_lowered;
	s6 =	simm.s32 $_tile_overlayer_lowered  }
0x9b: {  	s22 =	simm.s32 $0x1BFF;
	s21 =	sshll.u32 s6, $0x1;
	s3 =	sadd.s32 s4, s19  }
0x9c: {  	s7 =	simm.s32 $0x0;
	s20 =	sshll.u32 s5, $0x1;
	s5 =	sadd.s32 s21, s3  }
0x9d: {  	[timem:s7], [sflag:s22] =	dma.local [hbm:s5], s20  }
0x9e: {  	_ =	swait.ge [sflag:s22], s20  }
0x9f: {  	s4 =	ssub.s32 $0x0, s20;
	[sflag:s22] =	ssyncset.done $0x0  }
0xa0: {  	[sflag:s22] =	ssyncadd.s32 s4;
	_ =	sdelay $0x1  }
0xa1: {  	s23 =	simm.s32 $0x1B8B  }
0xa2: {  	_ =	swait.ge [sflag:s23], $0x1  }
0xa3: {  	[sflag:s23] =	ssyncset.done $0x0  }
0xa4: {  	s25 =	simm.s32 $0x1B8E;
	s24 =	sld [smem:$0x3FFE];
	[sflag:s23] =	ssyncadd.s32 $0xFFFFFFFF  }
0xa5: {  	s26 =	simm.s32 $execute0_lowered;
	[smem:$0x3FD2] =	sst s25  }
0xa6: {  	s5 =	sshll.u32 s26, $0x1;
	_ =	strace $0x80000046;
	[dreg:$0x1] =	wrdreg $0xFFFFFFFF  }
0xa7: {  	s28 =	simm.s32 $_size_execute0_lowered;
	s3 =	sadd.s32 s3, s5;
	[dreg:$0x0] =	wrdreg $0x0  }
0xa8: {  	s5 =	sshll.u32 s28, $0x1;
	[dreg:$0x2] =	wrdreg s3  }
0xa9: {  	[dreg:$0x3] =	wrdreg s5  }
0xaa: {  	[dreg:$0x4] =	wrdreg $0xC0  }
0xab: {  	_ =	task [dreg:s7], $0x5FFFF  }
0xac: {  	[dreg:$0x1] =	wrdreg $0xFFFFFFFF  }
0xad: {  	[dreg:$0x0] =	wrdreg $0x60  }
0xae: {  	[dreg:$0x2] =	wrdreg s24  }
0xaf: {  	[dreg:$0x3] =	wrdreg s2  }
0xb0: {  	[dreg:$0x4] =	wrdreg $0x9  }
0xb1: {  	_ =	task.clear_ibuf [dreg:s7], $0x5FFFF;
	_ =	strace $0x90000046  }
0xb2: {  	s29 =	simm.s32 $0x9;
	_ =	strace $0x80000048  }
0xb3: {  	_ =	swait.ge [sflag:s29], $0x1  }
0xb4: {  	[sflag:s29] =	ssyncadd.s32 $0xFFFFFFFF  }
0xb5: {  	_ =	strace $0x90000048  }
0xb6: {  	_ =	sfence  }
0xb7: {  	s30 =	sld [smem:$0x0];
	_ =	sdelay $0x2  }
0xb8: {  	s31 =	sshll.u32 s1, $0xD;
	s1 =	sshrl.u32 s1, $0x2  }
0xb9: {  	s3 =	sand.u32 $0x4000, s31;
	s1 =	sadd.s32 s1, s30  }
0xba: {  	s0 =	sor.u32 s3, s0;
	s1 =	sshll.u32 s1, $0x11  }
0xbb: {  	s0 =	sor.u32 s1, s0  }
0xbc: {  	s0 =	sadd.s32 $0x8F2B, s0  }
0xbd: {  	[sflag:s0] =	ssyncadd.remote.s32 $0x1  }
0xbe: {  	_ =	sfence.sel $0xFFFF  }
0xbf: {  	[dreg:$0x0] =	wrdreg $0xFFFFFFFF;
	(pc) =	sbr.abs _section_cstart, $3  }
0xc0: {  	[dreg:$0x1] =	wrdreg $0xFFFFFFFF  }
0xc1: {  	_ =	task.clear_ibuf [dreg:s7], $0x2FFFF;
	_ =	strace $0x9FFFFFFF  }
0xc2: {  	(tm) =	ssettm $0x7FFFFFFF  }
0xc3: {  	_ =	shalt  }
tec
execute0_lowered:
.L_overlay_start_1:
0x0: {  	(tag) =	ssettag $0x1  }
0x1: {  	v0 =	vlaneseq.u32  }
0x2: {  	v0 =	vmul.u32 $0x88, v0  }
0x3: {  	s0 =	rddreg [dreg:$0x0];
	v1 =	vimm.s32 $0x0;
	vm0 =	vcmask $0x300  }
0x4: {  	s1 =	srdreg.scid;
	s3 =	stileid.u32;
	v1 =	vsel vm0, $0x3, v1;
	v2 =	vadd.s32 $0x880, v0  }
0x5: {  	s2 =	rddreg [dreg:$0x1];
	s9 =	simm.s32 $0x80;
	s11 =	simm.s32 $0x5;
	v3 =	vadd.s32 $0x1100, v0;
	v4 =	vadd.s32 $0x1980, v0;
	v5 =	vor.u32 $0x1, v0  }
0x6: {  	s13 =	simm.s32 $0x2D00;
	s14 =	simm.s32 $0x1;
	s15 =	simm.s32 $0x4D00;
	v6 =	vadd.s32 $0x881, v0;
	v7 =	vadd.s32 $0x1101, v0;
	v8 =	vadd.s32 $0x1981, v0  }
0x7: {  	s16 =	simm.s32 $0x2;
	s17 =	simm.s32 $0x6F00;
	s18 =	simm.s32 $0x3;
	v9 =	vor.u32 $0x2, v0;
	v10 =	vadd.s32 $0x882, v0;
	v11 =	vadd.s32 $0x1102, v0  }
0x8: {  	s19 =	simm.s32 $0x4;
	s1 =	sand.u32 $0x1, s1;
	s4 =	sshll.u32 s3, $0x1;
	v12 =	vadd.s32 $0x1982, v0;
	v13 =	vor.u32 $0x3, v0;
	v14 =	vadd.s32 $0x883, v0  }
0x9: {  	s20 =	simm.s32 $0x0;
	s3 =	simm.s32 $0x0;
	s5 =	sor.u32 s1, s4;
	v15 =	vadd.s32 $0x1103, v0;
	v16 =	vadd.s32 $0x1983, v0;
	v17 =	vor.u32 $0x4, v0  }
.Ltmp0:
0xa: {  	s1 =	ssub.s32 $0x2, s1;
	s4 =	sshll.u32 s5, $0x4;
	v18 =	vadd.s32 $0x884, v0;
	v19 =	vadd.s32 $0x1104, v0;
	v20 =	vadd.s32 $0x1984, v0;
	(pc) =	sbr.rel .LBB2_1-.Ltmp0, $4  }
0xb: {  	[smem:$0x7FF] =	sst s3;
	s7 =	sshrl.u32 s1, $0x1;
	v21 =	vor.u32 $0x5, v0;
	v22 =	vadd.s32 $0x885, v0;
	v23 =	vadd.s32 $0x1105, v0;
	s6 =	sadd.s32 s4, s0  }
0xc: {  	_ =	strace $0x80000047;
	v24 =	vadd.s32 $0x1985, v0;
	v25 =	vor.u32 $0x6, v0;
	v26 =	vadd.s32 $0x886, v0;
	s30 =	ssub.s32 s1, s7;
	s31 =	sadd.s32 $0x600, s6  }
0xd: {  	v27 =	vadd.s32 $0x1106, v0;
	v28 =	vadd.s32 $0x1986, v0;
	v29 =	vor.u32 $0x7, v0;
	s4 =	sadd.s32 $0x187000, s0;
	s0 =	smax.u32 s30, $0x1;
	[dreg:$0x3] =	wrdreg s31  }
0xe: {  	v30 =	vadd.s32 $0x887, v0;
	v31 =	vadd.s32 $0x1107, v0;
	v32 =	vadd.s32 $0x1987, v0;
	s7 =	sadd.s32 $0x8000, s2;
	s6 =	sshll.u32 s5, $0x7;
	[dreg:$0x4] =	wrdreg s0  }
.LBB2_12:
0xf: {  	_ =	swait.ge [sflag:s18], $0x2000  }
0x10: {  	[sflag:s18] =	ssyncset.done $0x0  }
0x11: {  	[sflag:s18] =	ssyncadd.s32 $0xFFFFE000  }
0x12: {  	_ =	swait.ge [sflag:s19], $0x2000  }
0x13: {  	s20 =	sadd.s32 $0x1, s20;
	s0 =	rddreg [dreg:$0x4]  }
0x14: {  	p0 =	sne.s32 s20, s0  }
.Ltmp1:
0x15: {  	_ = 	snop;
	(pc) =	sbr.rel @!p0 .LBB2_13-.Ltmp1, $3  }
0x16: {  	_ =	sdelay $0x1  }
0x17: {  	[sflag:s19] =	ssyncset.done $0x0  }
0x18: {  	[sflag:s19] =	ssyncadd.s32 $0xFFFFE000  }
.LBB2_1:
0x19: {  	s0 =	rddreg [dreg:$0x3];
	s1 =	simm.s32 $0x1000  }
0x1a: {  	[tilespmem:s3], [sflag:$0x5] =	stream.strided.gather [hbm4b:s0+s9], $0xD00, s1, s9, $0x38;
	[tilespmem:$0x9100] =	vst v63  }
0x1b: {  	_ =	swait.ge [sflag:s11], $0xD00  }
0x1c: {  	[sflag:s11] =	ssyncset.done $0x0  }
0x1d: {  	s31 =	simm.s32 $0xD00;
	[sflag:s11] =	ssyncadd.s32 $0xFFFFF300  }
0x1e: {  	[tilespmem:s31], [sflag:$0x1] =	stream.indirect.gather [hbm4b:s4+s9], $0x40, s3, s9, $0xb8;
	[tilespmem:$0x9100] =	vst v63  }
0x1f: {  	s21 =	simm.s32 $0x0  }
0x20: {  	[tilespmem:s13], [sflag:$0x2] =	stream.indirect.gather [hbm4b:s4+s9], $0x40, s9, s9, $0xb8;
	[tilespmem:$0x9100] =	vst v63  }
.LBB2_2:
0x21: {  	p0 =	seq.s32 s21, $0x0  }
0x22: {  	s0 =	simm.s32 @!p0 $0x3  }
0x23: {  	s1 =	simm.s32 $0x0;
	_ =	swait.ge @!p0 [sflag:s0], $0x2000  }
0x24: {  	v33 =	vmov s1;
	[sflag:s0] =	ssyncset.done @!p0 $0x0  }
0x25: {  	v33 =	vshrl.u32 v33, $0x3;
	[sflag:s0] =	ssyncadd.s32 @!p0 $0xFFFFE000  }
0x26: {  	v33 =	vshll.u32 v33, v1;
	_ =	swait.ge [sflag:s14], $0x2000  }
0x27: {  	v33 =	vbroadcast v33, $0x0;
	[sflag:s14] =	ssyncset.done $0x0  }
0x28: {  	s10 =	simm.s32 $0xE00;
	[sflag:s14] =	ssyncadd.s32 $0xFFFFE000  }
0x29: {  	v35 =	vadd.s32 v0, v33;
	v34 =	vld [tilespmem:s10+$0xFFFFFF00];
	_ =	sdelay $0x4  }
0x2a: {  	[tilespmem:v35+s15+$0x0] =	vst.idx.msk $0xffff, v34  }
0x2b: {  	v51 =	vadd.s32 v2, v33;
	v34 =	vld [tilespmem:s10+$0xFFFFFF10];
	_ =	sdelay $0x4  }
0x2c: {  	[tilespmem:v51+s15+$0x0] =	vst.idx.msk $0xffff, v34  }
0x2d: {  	v52 =	vadd.s32 v3, v33;
	v34 =	vld [tilespmem:s10+$0xFFFFFF20];
	_ =	sdelay $0x4  }
0x2e: {  	[tilespmem:v52+s15+$0x0] =	vst.idx.msk $0xffff, v34  }
0x2f: {  	s24 =	simm.s32 $0x1;
	v33 =	vadd.s32 v4, v33;
	v34 =	vld [tilespmem:s10+$0xFFFFFF30]  }
0x30: {  	v53 =	vmov s24  }
0x31: {  	v35 =	vshrl.u32 v53, $0x3  }
0x32: {  	v35 =	vshll.u32 v35, v1  }
0x33: {  	v35 =	vbroadcast v35, $0x0  }
0x34: {  	[tilespmem:v33+s15+$0x0] =	vst.idx.msk $0xffff, v34  }
0x35: {  	v54 =	vadd.s32 v5, v35;
	v33 =	vld [tilespmem:s10+$0xFFFFFF40];
	_ =	sdelay $0x1  }
0x36: {  	s25 =	simm.s32 $0x8  }
0x37: {  	v36 =	vmov s25  }
0x38: {  	v36 =	vshrl.u32 v36, $0x3  }
0x39: {  	v36 =	vshll.u32 v36, v1;
	[tilespmem:v54+s15+$0x0] =	vst.idx.msk $0xffff, v33  }
0x3a: {  	v55 =	vbroadcast v36, $0x0;
	v56 =	vadd.s32 v6, v35;
	v34 =	vld [tilespmem:s10+$0xFFFFFF50]  }
0x3b: {  	s22 =	simm.s32 $0x1000  }
0x3c: {  	v38 =	vadd.s32 v0, v55;
	v37 =	vld [tilespmem:s22+$0xFFFFFF00];
	_ =	sdelay $0x2  }
0x3d: {  	[tilespmem:v56+s15+$0x0] =	vst.idx.msk $0xffff, v34  }
0x3e: {  	v57 =	vadd.s32 v7, v35;
	v34 =	vld [tilespmem:s10+$0xFFFFFF60]  }
0x3f: {  	[tilespmem:v38+s15+$0x0] =	vst.idx.msk $0xffff, v37  }
0x40: {  	v58 =	vadd.s32 v2, v55;
	v37 =	vld [tilespmem:s22+$0xFFFFFF10];
	_ =	sdelay $0x2  }
0x41: {  	[tilespmem:v57+s15+$0x0] =	vst.idx.msk $0xffff, v34  }
0x42: {  	s26 =	simm.s32 $0x2;
	v35 =	vadd.s32 v8, v35;
	v34 =	vld [tilespmem:s10+$0xFFFFFF70]  }
0x43: {  	v59 =	vmov s26;
	[tilespmem:v58+s15+$0x0] =	vst.idx.msk $0xffff, v37  }
0x44: {  	v36 =	vshrl.u32 v59, $0x3;
	v60 =	vadd.s32 v3, v55;
	v37 =	vld [tilespmem:s22+$0xFFFFFF20]  }
0x45: {  	v36 =	vshll.u32 v36, v1  }
0x46: {  	v36 =	vbroadcast v36, $0x0  }
0x47: {  	[tilespmem:v35+s15+$0x0] =	vst.idx.msk $0xffff, v34  }
0x48: {  	v61 =	vadd.s32 v9, v36;
	v34 =	vld [tilespmem:s10+$0xFFFFFF80]  }
0x49: {  	[tilespmem:v60+s15+$0x0] =	vst.idx.msk $0xffff, v37  }
0x4a: {  	s1 =	simm.s32 $0x9;
	v37 =	vld [tilespmem:s22+$0xFFFFFF30];
	v33 =	vadd.s32 v4, v55  }
0x4b: {  	v62 =	vmov s1  }
0x4c: {  	v38 =	vshrl.u32 v62, $0x3  }
0x4d: {  	v38 =	vshll.u32 v38, v1;
	[tilespmem:v61+s15+$0x0] =	vst.idx.msk $0xffff, v34  }
0x4e: {  	v42 =	vadd.s32 v10, v36;
	v63 =	vbroadcast v38, $0x0;
	v35 =	vld [tilespmem:s10+$0xFFFFFF90]  }
0x4f: {  	[tilespmem:v33+s15+$0x0] =	vst.idx.msk $0xffff, v37  }
0x50: {  	v43 =	vadd.s32 v5, v63;
	v33 =	vld [tilespmem:s22+$0xFFFFFF40]  }
0x51: {  	s5 =	simm.s32 $0x10  }
0x52: {  	v39 =	vmov s5  }
0x53: {  	v44 =	vshrl.u32 v39, $0x3;
	[tilespmem:v42+s15+$0x0] =	vst.idx.msk $0xffff, v35  }
0x54: {  	v45 =	vadd.s32 v11, v36;
	v35 =	vshll.u32 v44, v1;
	v38 =	vld [tilespmem:s10+$0xFFFFFFA0]  }
0x55: {  	[tilespmem:v43+s15+$0x0] =	vst.idx.msk $0xffff, v33;
	v46 =	vbroadcast v35, $0x0  }
0x56: {  	s23 =	simm.s32 $0x1200;
	v48 =	vadd.s32 v6, v63;
	v47 =	vld [tilespmem:s22+$0xFFFFFF50]  }
0x57: {  	v40 =	vld [tilespmem:s23+$0xFFFFFF00];
	v41 =	vadd.s32 v0, v46;
	_ =	sdelay $0x1  }
0x58: {  	[tilespmem:v45+s15+$0x0] =	vst.idx.msk $0xffff, v38  }
0x59: {  	s8 =	simm.s32 $0x3;
	v36 =	vadd.s32 v12, v36;
	v38 =	vld [tilespmem:s10+$0xFFFFFFB0]  }
0x5a: {  	v49 =	vmov s8;
	[tilespmem:v48+s15+$0x0] =	vst.idx.msk $0xffff, v47  }
0x5b: {  	v50 =	vadd.s32 v7, v63;
	v37 =	vld [tilespmem:s22+$0xFFFFFF60];
	v35 =	vshrl.u32 v49, $0x3;
	[tilespmem:v41+s15+$0x0] =	vst.idx.msk $0xffff, v40  }
0x5c: {  	v35 =	vshll.u32 v35, v1;
	v51 =	vadd.s32 v2, v46;
	v40 =	vld [tilespmem:s23+$0xFFFFFF10]  }
0x5d: {  	v35 =	vbroadcast v35, $0x0  }
0x5e: {  	[tilespmem:v36+s15+$0x0] =	vst.idx.msk $0xffff, v38  }
0x5f: {  	v52 =	vadd.s32 v13, v35;
	v36 =	vld [tilespmem:s10+$0xFFFFFFC0]  }
0x60: {  	[tilespmem:v50+s15+$0x0] =	vst.idx.msk $0xffff, v37  }
0x61: {  	s12 =	simm.s32 $0xA;
	v37 =	vld [tilespmem:s22+$0xFFFFFF70];
	v34 =	vadd.s32 v8, v63;
	[tilespmem:v51+s15+$0x0] =	vst.idx.msk $0xffff, v40  }
0x62: {  	v53 =	vmov s12;
	v54 =	vadd.s32 v3, v46;
	v40 =	vld [tilespmem:s23+$0xFFFFFF20]  }
0x63: {  	v39 =	vshrl.u32 v53, $0x3  }
0x64: {  	v39 =	vshll.u32 v39, v1;
	[tilespmem:v52+s15+$0x0] =	vst.idx.msk $0xffff, v36  }
0x65: {  	v55 =	vbroadcast v39, $0x0;
	v56 =	vadd.s32 v14, v35;
	v38 =	vld [tilespmem:s10+$0xFFFFFFD0]  }
0x66: {  	[tilespmem:v34+s15+$0x0] =	vst.idx.msk $0xffff, v37  }
0x67: {  	v57 =	vadd.s32 v9, v55;
	v34 =	vld [tilespmem:s22+$0xFFFFFF80];
	[tilespmem:v54+s15+$0x0] =	vst.idx.msk $0xffff, v40  }
0x68: {  	s24 =	simm.s32 $0x11;
	v33 =	vadd.s32 v4, v46;
	v40 =	vld [tilespmem:s23+$0xFFFFFF30]  }
0x69: {  	v58 =	vmov s24  }
0x6a: {  	v59 =	vshrl.u32 v58, $0x3;
	[tilespmem:v56+s15+$0x0] =	vst.idx.msk $0xffff, v38  }
0x6b: {  	v60 =	vadd.s32 v15, v35;
	v38 =	vshll.u32 v59, v1;
	v39 =	vld [tilespmem:s10+$0xFFFFFFE0]  }
0x6c: {  	[tilespmem:v57+s15+$0x0] =	vst.idx.msk $0xffff, v34;
	v61 =	vbroadcast v38, $0x0  }
0x6d: {  	v62 =	vadd.s32 v10, v55;
	v37 =	vld [tilespmem:s22+$0xFFFFFF90];
	[tilespmem:v33+s15+$0x0] =	vst.idx.msk $0xffff, v40  }
0x6e: {  	v33 =	vld [tilespmem:s23+$0xFFFFFF40];
	v63 =	vadd.s32 v5, v61  }
0x6f: {  	s25 =	simm.s32 $0x18  }
0x70: {  	v45 =	vmov s25;
	[tilespmem:v60+s15+$0x0] =	vst.idx.msk $0xffff, v39  }
0x71: {  	s26 =	simm.s32 $0x4;
	v35 =	vadd.s32 v16, v35;
	v46 =	vshrl.u32 v45, $0x3;
	v39 =	vld [tilespmem:s10+$0xFFFFFFF0]  }
0x72: {  	v47 =	vmov s26;
	[tilespmem:v62+s15+$0x0] =	vst.idx.msk $0xffff, v37;
	v37 =	vshll.u32 v46, v1  }
0x73: {  	v42 =	vadd.s32 v11, v55;
	v48 =	vld [tilespmem:s22+$0xFFFFFFA0];
	v38 =	vshrl.u32 v47, $0x3;
	[tilespmem:v63+s15+$0x0] =	vst.idx.msk $0xffff, v33;
	v33 =	vbroadcast v37, $0x0  }
0x74: {  	s24 =	simm.s32 $0x1400;
	v49 =	vshll.u32 v38, v1;
	v51 =	vadd.s32 v6, v61;
	v50 =	vld [tilespmem:s23+$0xFFFFFF50]  }
0x75: {  	v52 =	vld [tilespmem:s24+$0xFFFFFF00];
	v37 =	vbroadcast v49, $0x0;
	v53 =	vadd.s32 v0, v33  }
0x76: {  	[tilespmem:v35+s15+$0x0] =	vst.idx.msk $0xffff, v39  }
0x77: {  	v44 =	vadd.s32 v17, v37;
	v43 =	vld [tilespmem:s10+$0x0]  }
0x78: {  	[tilespmem:v42+s15+$0x0] =	vst.idx.msk $0xffff, v48  }
0x79: {  	s1 =	simm.s32 $0xB;
	v41 =	vld [tilespmem:s22+$0xFFFFFFB0];
	v36 =	vadd.s32 v12, v55;
	[tilespmem:v51+s15+$0x0] =	vst.idx.msk $0xffff, v50  }
0x7a: {  	v54 =	vmov s1;
	v55 =	vadd.s32 v7, v61;
	v40 =	vld [tilespmem:s23+$0xFFFFFF60];
	[tilespmem:v53+s15+$0x0] =	vst.idx.msk $0xffff, v52  }
0x7b: {  	v38 =	vshrl.u32 v54, $0x3;
	v58 =	vadd.s32 v2, v33;
	v57 =	vld [tilespmem:s24+$0xFFFFFF10]  }
0x7c: {  	v56 =	vshll.u32 v38, v1;
	[tilespmem:v44+s15+$0x0] =	vst.idx.msk $0xffff, v43  }
0x7d: {  	v59 =	vadd.s32 v18, v37;
	v35 =	vbroadcast v56, $0x0;
	v43 =	vld [tilespmem:s10+$0x10]  }
0x7e: {  	[tilespmem:v36+s15+$0x0] =	vst.idx.msk $0xffff, v41  }
0x7f: {  	v36 =	vld [tilespmem:s22+$0xFFFFFFC0];
	v60 =	vadd.s32 v13, v35;
	[tilespmem:v55+s15+$0x0] =	vst.idx.msk $0xffff, v40  }
0x80: {  	s5 =	simm.s32 $0x12;
	v34 =	vadd.s32 v8, v61;
	v40 =	vld [tilespmem:s23+$0xFFFFFF70];
	[tilespmem:v58+s15+$0x0] =	vst.idx.msk $0xffff, v57  }
0x81: {  	v61 =	vmov s5;
	v62 =	vadd.s32 v3, v33;
	v39 =	vld [tilespmem:s24+$0xFFFFFF20]  }
0x82: {  	v38 =	vshrl.u32 v61, $0x3;
	[tilespmem:v59+s15+$0x0] =	vst.idx.msk $0xffff, v43  }
0x83: {  	v38 =	vshll.u32 v38, v1;
	v63 =	vadd.s32 v19, v37;
	v43 =	vld [tilespmem:s10+$0x20]  }
0x84: {  	[tilespmem:v60+s15+$0x0] =	vst.idx.msk $0xffff, v36;
	v36 =	vbroadcast v38, $0x0  }
0x85: {  	v49 =	vadd.s32 v14, v35;
	v48 =	vld [tilespmem:s22+$0xFFFFFFD0];
	[tilespmem:v34+s15+$0x0] =	vst.idx.msk $0xffff, v40  }
0x86: {  	v50 =	vadd.s32 v9, v36;
	v34 =	vld [tilespmem:s23+$0xFFFFFF80];
	[tilespmem:v62+s15+$0x0] =	vst.idx.msk $0xffff, v39  }
0x87: {  	s8 =	simm.s32 $0x19;
	v33 =	vadd.s32 v4, v33;
	v39 =	vld [tilespmem:s24+$0xFFFFFF30]  }
0x88: {  	v51 =	vmov s8;
	[tilespmem:v63+s15+$0x0] =	vst.idx.msk $0xffff, v43  }
0x89: {  	s12 =	simm.s32 $0x5;
	v37 =	vadd.s32 v20, v37;
	v52 =	vshrl.u32 v51, $0x3;
	v43 =	vld [tilespmem:s10+$0x30]  }
0x8a: {  	v53 =	vmov s12;
	v38 =	vshll.u32 v52, v1;
	[tilespmem:v49+s15+$0x0] =	vst.idx.msk $0xffff, v48  }
0x8b: {  	v41 =	vshrl.u32 v53, $0x3;
	v55 =	vadd.s32 v15, v35;
	v54 =	vld [tilespmem:s22+$0xFFFFFFE0];
	[tilespmem:v50+s15+$0x0] =	vst.idx.msk $0xffff, v34;
	v34 =	vbroadcast v38, $0x0  }
0x8c: {  	v56 =	vshll.u32 v41, v1;
	v57 =	vadd.s32 v10, v36;
	v40 =	vld [tilespmem:s23+$0xFFFFFF90];
	[tilespmem:v33+s15+$0x0] =	vst.idx.msk $0xffff, v39  }
0x8d: {  	v33 =	vbroadcast v56, $0x0;
	v58 =	vld [tilespmem:s24+$0xFFFFFF40];
	v59 =	vadd.s32 v5, v34  }
0x8e: {  	s25 =	simm.s32 $0x20;
	[tilespmem:v37+s15+$0x0] =	vst.idx.msk $0xffff, v43  }
0x8f: {  	v61 =	vmov s25;
	v60 =	vadd.s32 v21, v33;
	v37 =	vld [tilespmem:s10+$0x40]  }
0x90: {  	v62 =	vshrl.u32 v61, $0x3;
	[tilespmem:v55+s15+$0x0] =	vst.idx.msk $0xffff, v54  }
0x91: {  	s26 =	simm.s32 $0xC;
	v35 =	vadd.s32 v16, v35;
	v42 =	vld [tilespmem:s22+$0xFFFFFFF0];
	[tilespmem:v57+s15+$0x0] =	vst.idx.msk $0xffff, v40;
	v40 =	vshll.u32 v62, v1  }
0x92: {  	v45 =	vadd.s32 v11, v36;
	v63 =	vmov s26;
	v48 =	vld [tilespmem:s23+$0xFFFFFFA0];
	[tilespmem:v59+s15+$0x0] =	vst.idx.msk $0xffff, v58;
	v39 =	vbroadcast v40, $0x0  }
0x93: {  	s25 =	simm.s32 $0x1600;
	v49 =	vshrl.u32 v63, $0x3;
	v51 =	vadd.s32 v6, v34;
	v50 =	vld [tilespmem:s24+$0xFFFFFF50]  }
0x94: {  	v54 =	vld [tilespmem:s25+$0xFFFFFF00];
	v38 =	vshll.u32 v49, v1;
	v55 =	vadd.s32 v0, v39;
	[tilespmem:v60+s15+$0x0] =	vst.idx.msk $0xffff, v37  }
0x95: {  	v53 =	vadd.s32 v22, v33;
	v37 =	vbroadcast v38, $0x0;
	v52 =	vld [tilespmem:s10+$0x50]  }
0x96: {  	[tilespmem:v35+s15+$0x0] =	vst.idx.msk $0xffff, v42  }
0x97: {  	v46 =	vld [tilespmem:s22+$0x0];
	v47 =	vadd.s32 v17, v37;
	[tilespmem:v45+s15+$0x0] =	vst.idx.msk $0xffff, v48  }
0x98: {  	s1 =	simm.s32 $0x13;
	v36 =	vadd.s32 v12, v36;
	v44 =	vld [tilespmem:s23+$0xFFFFFFB0];
	[tilespmem:v51+s15+$0x0] =	vst.idx.msk $0xffff, v50  }
0x99: {  	v56 =	vmov s1;
	v57 =	vadd.s32 v7, v34;
	v41 =	vld [tilespmem:s24+$0xFFFFFF60];
	[tilespmem:v55+s15+$0x0] =	vst.idx.msk $0xffff, v54  }
0x9a: {  	v58 =	vshrl.u32 v56, $0x3;
	v61 =	vadd.s32 v2, v39;
	v42 =	vld [tilespmem:s25+$0xFFFFFF10];
	[tilespmem:v53+s15+$0x0] =	vst.idx.msk $0xffff, v52  }
0x9b: {  	v60 =	vadd.s32 v23, v33;
	v38 =	vshll.u32 v58, v1;
	v59 =	vld [tilespmem:s10+$0x60]  }
0x9c: {  	v38 =	vbroadcast v38, $0x0;
	[tilespmem:v47+s15+$0x0] =	vst.idx.msk $0xffff, v46  }
0x9d: {  	v62 =	vadd.s32 v18, v37;
	v46 =	vld [tilespmem:s22+$0x10];
	[tilespmem:v36+s15+$0x0] =	vst.idx.msk $0xffff, v44  }
0x9e: {  	v63 =	vadd.s32 v13, v38;
	v36 =	vld [tilespmem:s23+$0xFFFFFFC0];
	[tilespmem:v57+s15+$0x0] =	vst.idx.msk $0xffff, v41  }
0x9f: {  	s5 =	simm.s32 $0x1A;
	v34 =	vadd.s32 v8, v34;
	v41 =	vld [tilespmem:s24+$0xFFFFFF70];
	[tilespmem:v61+s15+$0x0] =	vst.idx.msk $0xffff, v42  }
0xa0: {  	v49 =	vadd.s32 v3, v39;
	v48 =	vmov s5;
	v42 =	vld [tilespmem:s25+$0xFFFFFF20];
	[tilespmem:v60+s15+$0x0] =	vst.idx.msk $0xffff, v59  }
0xa1: {  	s8 =	simm.s32 $0x6;
	v33 =	vadd.s32 v24, v33;
	v35 =	vshrl.u32 v48, $0x3;
	v40 =	vld [tilespmem:s10+$0x70]  }
0xa2: {  	v50 =	vmov s8;
	v35 =	vshll.u32 v35, v1;
	[tilespmem:v62+s15+$0x0] =	vst.idx.msk $0xffff, v46  }
0xa3: {  	v51 =	vadd.s32 v19, v37;
	v45 =	vshrl.u32 v50, $0x3;
	v35 =	vbroadcast v35, $0x0;
	v46 =	vld [tilespmem:s22+$0x20];
	[tilespmem:v63+s15+$0x0] =	vst.idx.msk $0xffff, v36  }
0xa4: {  	v52 =	vshll.u32 v45, v1;
	v53 =	vadd.s32 v14, v38;
	v44 =	vld [tilespmem:s23+$0xFFFFFFD0];
	[tilespmem:v34+s15+$0x0] =	vst.idx.msk $0xffff, v41  }
0xa5: {  	v55 =	vadd.s32 v9, v35;
	v34 =	vbroadcast v52, $0x0;
	v54 =	vld [tilespmem:s24+$0xFFFFFF80];
	[tilespmem:v49+s15+$0x0] =	vst.idx.msk $0xffff, v42  }
0xa6: {  	s12 =	simm.s32 $0x21;
	v39 =	vadd.s32 v4, v39;
	v42 =	vld [tilespmem:s25+$0xFFFFFF30];
	[tilespmem:v33+s15+$0x0] =	vst.idx.msk $0xffff, v40  }
0xa7: {  	v57 =	vmov s12;
	v56 =	vadd.s32 v25, v34;
	v33 =	vld [tilespmem:s10+$0x80]  }
0xa8: {  	v43 =	vshrl.u32 v57, $0x3;
	[tilespmem:v51+s15+$0x0] =	vst.idx.msk $0xffff, v46  }
0xa9: {  	s26 =	simm.s32 $0xD;
	v37 =	vadd.s32 v20, v37;
	v43 =	vshll.u32 v43, v1;
	v46 =	vld [tilespmem:s22+$0x30];
	[tilespmem:v53+s15+$0x0] =	vst.idx.msk $0xffff, v44  }
0xaa: {  	v58 =	vmov s26;
	v59 =	vadd.s32 v15, v38;
	v41 =	vbroadcast v43, $0x0;
	v45 =	vld [tilespmem:s23+$0xFFFFFFE0];
	[tilespmem:v55+s15+$0x0] =	vst.idx.msk $0xffff, v54  }
0xab: {  	v60 =	vshrl.u32 v58, $0x3;
	v62 =	vadd.s32 v10, v35;
	v61 =	vld [tilespmem:s24+$0xFFFFFF90];
	[tilespmem:v39+s15+$0x0] =	vst.idx.msk $0xffff, v42  }
0xac: {  	v36 =	vshll.u32 v60, v1;
	v54 =	vadd.s32 v5, v41;
	v53 =	vld [tilespmem:s25+$0xFFFFFF40];
	[tilespmem:v56+s15+$0x0] =	vst.idx.msk $0xffff, v33  }
0xad: {  	v52 =	vadd.s32 v26, v34;
	v33 =	vbroadcast v36, $0x0;
	v63 =	vld [tilespmem:s10+$0x90]  }
0xae: {  	s1 =	simm.s32 $0x28;
	[tilespmem:v37+s15+$0x0] =	vst.idx.msk $0xffff, v46  }
0xaf: {  	v56 =	vmov s1;
	v37 =	vld [tilespmem:s22+$0x40];
	v55 =	vadd.s32 v21, v33;
	[tilespmem:v59+s15+$0x0] =	vst.idx.msk $0xffff, v45  }
0xb0: {  	s5 =	simm.s32 $0x14;
	v38 =	vadd.s32 v16, v38;
	v57 =	vshrl.u32 v56, $0x3;
	v45 =	vld [tilespmem:s23+$0xFFFFFFF0];
	[tilespmem:v62+s15+$0x0] =	vst.idx.msk $0xffff, v61  }
0xb1: {  	v48 =	vmov s5;
	v58 =	vadd.s32 v11, v35;
	v59 =	vshll.u32 v57, v1;
	v44 =	vld [tilespmem:s24+$0xFFFFFFA0];
	[tilespmem:v54+s15+$0x0] =	vst.idx.msk $0xffff, v53  }
0xb2: {  	v60 =	vshrl.u32 v48, $0x3;
	v36 =	vbroadcast v59, $0x0;
	[tilespmem:v52+s15+$0x0] =	vst.idx.msk $0xffff, v63;
	v63 =	vld [tilespmem:s25+$0xFFFFFF50];
	v52 =	vadd.s32 v6, v41  }
0xb3: {  	s26 =	simm.s32 $0x1800;
	v39 =	vshll.u32 v60, v1;
	v62 =	vadd.s32 v27, v34;
	v61 =	vld [tilespmem:s10+$0xA0]  }
0xb4: {  	v56 =	vadd.s32 v0, v36;
	[tilespmem:v55+s15+$0x0] =	vst.idx.msk $0xffff, v37;
	v37 =	vbroadcast v39, $0x0;
	v55 =	vld [tilespmem:s26+$0xFFFFFF00]  }
0xb5: {  	v54 =	vadd.s32 v22, v33;
	v53 =	vld [tilespmem:s22+$0x50];
	[tilespmem:v38+s15+$0x0] =	vst.idx.msk $0xffff, v45  }
0xb6: {  	[tilespmem:v58+s15+$0x0] =	vst.idx.msk $0xffff, v44;
	v57 =	vld [tilespmem:s23+$0x0];
	v58 =	vadd.s32 v17, v37  }
0xb7: {  	v35 =	vadd.s32 v12, v35;
	v49 =	vld [tilespmem:s24+$0xFFFFFFB0];
	[tilespmem:v52+s15+$0x0] =	vst.idx.msk $0xffff, v63  }
0xb8: {  	s8 =	simm.s32 $0x1B;
	v48 =	vadd.s32 v7, v41;
	[tilespmem:v62+s15+$0x0] =	vst.idx.msk $0xffff, v61;
	v43 =	vld [tilespmem:s25+$0xFFFFFF60]  }
0xb9: {  	v59 =	vmov s8;
	v34 =	vadd.s32 v28, v34;
	[tilespmem:v56+s15+$0x0] =	vst.idx.msk $0xffff, v55;
	v42 =	vld [tilespmem:s10+$0xB0]  }
0xba: {  	s12 =	simm.s32 $0x7;
	v40 =	vshrl.u32 v59, $0x3;
	v50 =	vadd.s32 v2, v36;
	[tilespmem:v54+s15+$0x0] =	vst.idx.msk $0xffff, v53;
	v54 =	vld [tilespmem:s26+$0xFFFFFF10]  }
0xbb: {  	v60 =	vmov s12;
	v63 =	vadd.s32 v23, v33;
	v61 =	vshll.u32 v40, v1;
	v62 =	vld [tilespmem:s22+$0x60];
	[tilespmem:v58+s15+$0x0] =	vst.idx.msk $0xffff, v57  }
0xbc: {  	v39 =	vshrl.u32 v60, $0x3;
	v51 =	vbroadcast v61, $0x0;
	[tilespmem:v35+s15+$0x0] =	vst.idx.msk $0xffff, v49  }
0xbd: {  	v55 =	vshll.u32 v39, v1;
	v57 =	vadd.s32 v18, v37;
	v56 =	vld [tilespmem:s23+$0x10];
	[tilespmem:v48+s15+$0x0] =	vst.idx.msk $0xffff, v43  }
0xbe: {  	v49 =	vbroadcast v55, $0x0;
	v59 =	vadd.s32 v13, v51;
	v58 =	vld [tilespmem:s24+$0xFFFFFFC0];
	[tilespmem:v34+s15+$0x0] =	vst.idx.msk $0xffff, v42  }
0xbf: {  	s1 =	simm.s32 $0x22;
	v61 =	vadd.s32 v8, v41;
	v43 =	vld [tilespmem:s25+$0xFFFFFF70];
	[tilespmem:v50+s15+$0x0] =	vst.idx.msk $0xffff, v54  }
0xc0: {  	v60 =	vadd.s32 v29, v49;
	v34 =	vld [tilespmem:s10+$0xC0];
	[tilespmem:v63+s15+$0x0] =	vst.idx.msk $0xffff, v62;
	v62 =	vmov s1  }
0xc1: {  	v52 =	vadd.s32 v3, v36;
	v63 =	vld [tilespmem:s26+$0xFFFFFF20];
	v53 =	vshrl.u32 v62, $0x3  }
0xc2: {  	s5 =	simm.s32 $0xE;
	v46 =	vadd.s32 v24, v33;
	v45 =	vld [tilespmem:s22+$0x70];
	[tilespmem:v57+s15+$0x0] =	vst.idx.msk $0xffff, v56;
	v33 =	vshll.u32 v53, v1  }
0xc3: {  	v54 =	vmov s5;
	v56 =	vadd.s32 v19, v37;
	[tilespmem:v59+s15+$0x0] =	vst.idx.msk $0xffff, v58;
	v55 =	vld [tilespmem:s23+$0x20];
	v41 =	vbroadcast v33, $0x0  }
0xc4: {  	v35 =	vshrl.u32 v54, $0x3;
	v58 =	vadd.s32 v14, v51;
	v57 =	vld [tilespmem:s24+$0xFFFFFFD0];
	[tilespmem:v61+s15+$0x0] =	vst.idx.msk $0xffff, v43  }
0xc5: {  	v59 =	vshll.u32 v35, v1;
	[tilespmem:v60+s15+$0x0] =	vst.idx.msk $0xffff, v34;
	v61 =	vld [tilespmem:s25+$0xFFFFFF80];
	v62 =	vadd.s32 v9, v41  }
0xc6: {  	v33 =	vbroadcast v59, $0x0;
	v60 =	vadd.s32 v30, v49;
	[tilespmem:v52+s15+$0x0] =	vst.idx.msk $0xffff, v63;
	v34 =	vld [tilespmem:s10+$0xD0]  }
0xc7: {  	v36 =	vadd.s32 v4, v36;
	[tilespmem:v46+s15+$0x0] =	vst.idx.msk $0xffff, v45;
	v47 =	vld [tilespmem:s26+$0xFFFFFF30]  }
0xc8: {  	v63 =	vadd.s32 v25, v33;
	v45 =	vld [tilespmem:s22+$0x80];
	[tilespmem:v56+s15+$0x0] =	vst.idx.msk $0xffff, v55  }
0xc9: {  	s8 =	simm.s32 $0x29;
	v37 =	vadd.s32 v20, v37;
	[tilespmem:v58+s15+$0x0] =	vst.idx.msk $0xffff, v57;
	v38 =	vld [tilespmem:s23+$0x30]  }
0xca: {  	s12 =	simm.s32 $0x15;
	v58 =	vmov s8;
	[tilespmem:v62+s15+$0x0] =	vst.idx.msk $0xffff, v61  }
0xcb: {  	v59 =	vmov s12;
	v57 =	vadd.s32 v15, v51;
	v56 =	vld [tilespmem:s24+$0xFFFFFFE0];
	[tilespmem:v60+s15+$0x0] =	vst.idx.msk $0xffff, v34;
	v34 =	vshrl.u32 v58, $0x3  }
0xcc: {  	v35 =	vshrl.u32 v59, $0x3;
	v61 =	vadd.s32 v31, v49;
	[tilespmem:v36+s15+$0x0] =	vst.idx.msk $0xffff, v47;
	v60 =	vld [tilespmem:s10+$0xE0];
	v34 =	vshll.u32 v34, v1  }
0xcd: {  	v52 =	vadd.s32 v10, v41;
	v62 =	vld [tilespmem:s25+$0xFFFFFF90];
	[tilespmem:v63+s15+$0x0] =	vst.idx.msk $0xffff, v45;
	v63 =	vshll.u32 v35, v1;
	v44 =	vbroadcast v34, $0x0  }
0xce: {  	v35 =	vld [tilespmem:s22+$0x90];
	v34 =	vbroadcast v63, $0x0;
	[tilespmem:v37+s15+$0x0] =	vst.idx.msk $0xffff, v38;
	v38 =	vadd.s32 v26, v33  }
0xcf: {  	v45 =	vld [tilespmem:s26+$0xFFFFFF40];
	v46 =	vadd.s32 v5, v44  }
0xd0: {  	s31 =	simm.s32 $0x1F;
	s30 =	simm.s32 $0x27;
	s29 =	simm.s32 $0x2F;
	[tilespmem:v57+s15+$0x0] =	vst.idx.msk $0xffff, v56;
	v39 =	vld [tilespmem:s23+$0x40];
	v40 =	vadd.s32 v21, v34  }
0xd1: {  	s28 =	simm.s32 $0x37;
	s0 =	simm.s32 $0xF;
	s5 =	simm.s32 $0x30;
	v43 =	vadd.s32 v16, v51;
	v42 =	vld [tilespmem:s24+$0xFFFFFFF0];
	[tilespmem:v61+s15+$0x0] =	vst.idx.msk $0xffff, v60  }
0xd2: {  	s1 =	simm.s32 $0x17;
	s12 =	simm.s32 $0x3F;
	s8 =	simm.s32 $0x1C;
	v47 =	vmov s5;
	v37 =	vadd.s32 v32, v49;
	[tilespmem:v52+s15+$0x0] =	vst.idx.msk $0xffff, v62;
	v36 =	vld [tilespmem:s10+$0xF0]  }
.LBB2_3:
0xd3: {  	p0 =	sne.s32 s12, $0x7F;
	v47 =	vshrl.u32 v47, $0x3;
	v48 =	vld [tilespmem:s25+$0xFFFFFFA0];
	v49 =	vadd.s32 v11, v41;
	v50 =	vmov s8;
	[tilespmem:v38+s15+$0x0] =	vst.idx.msk $0xffff, v35;
	s5 =	smov.u32 s23;
	s23 =	smov.u32 s24  }
0xd4: {  	s24 =	smov.u32 s25;
	s25 =	smov.u32 s26;
	v35 =	vshll.u32 v47, v1;
	[tilespmem:v46+s15+$0x0] =	vst.idx.msk $0xffff, v45;
	v38 =	vshrl.u32 v50, $0x3;
	v45 =	vld [tilespmem:s22+$0xA0];
	v46 =	vadd.s32 v27, v33  }
0xd5: {  	v50 =	vadd.s32 v6, v44;
	v35 =	vbroadcast v35, $0x0;
	v47 =	vld [tilespmem:s26+$0xFFFFFF50];
	v38 =	vshll.u32 v38, v1;
	[tilespmem:v40+s15+$0x0] =	vst.idx.msk $0xffff, v39  }
0xd6: {  	s26 =	sadd.s32 $0x200, s26;
	v40 =	vadd.s32 v22, v34;
	[tilespmem:v43+s15+$0x0] =	vst.idx.msk $0xffff, v42;
	v38 =	vbroadcast v38, $0x0;
	v39 =	vld [tilespmem:s5+$0x50]  }
0xd7: {  	v42 =	vld [tilespmem:s26+$0xFFFFFF00];
	v43 =	vadd.s32 v0, v35;
	[tilespmem:v37+s15+$0x0] =	vst.idx.msk $0xffff, v36  }
0xd8: {  	[tilespmem:v49+s15+$0x0] =	vst.idx.msk $0xffff, v48;
	v36 =	vld [tilespmem:s23+$0x0];
	v37 =	vadd.s32 v17, v38  }
0xd9: {  	v41 =	vadd.s32 v12, v41;
	s8 =	sadd.s32 $0xFFFFFFFC, s30;
	v48 =	vld [tilespmem:s24+$0xFFFFFFB0];
	[tilespmem:v46+s15+$0x0] =	vst.idx.msk $0xffff, v45  }
0xda: {  	v33 =	vadd.s32 v28, v33;
	v45 =	vmov s8;
	[tilespmem:v50+s15+$0x0] =	vst.idx.msk $0xffff, v47;
	v46 =	vld [tilespmem:s22+$0xB0]  }
0xdb: {  	v49 =	vadd.s32 v7, v44;
	v45 =	vshrl.u32 v45, $0x3;
	v47 =	vld [tilespmem:s25+$0xFFFFFF60];
	[tilespmem:v40+s15+$0x0] =	vst.idx.msk $0xffff, v39;
	v39 =	vmov s0;
	s0 =	smov.u32 s1;
	s1 =	smov.u32 s31;
	s31 =	smov.u32 s30  }
0xdc: {  	v40 =	vshll.u32 v45, v1;
	s30 =	smov.u32 s29;
	s29 =	smov.u32 s28;
	s28 =	smov.u32 s12;
	[tilespmem:v43+s15+$0x0] =	vst.idx.msk $0xffff, v42;
	v42 =	vld [tilespmem:s5+$0x60];
	v43 =	vadd.s32 v23, v34;
	v39 =	vshrl.u32 v39, $0x3  }
0xdd: {  	v50 =	vadd.s32 v2, v35;
	v51 =	vbroadcast v40, $0x0;
	v45 =	vld [tilespmem:s26+$0xFFFFFF10];
	[tilespmem:v37+s15+$0x0] =	vst.idx.msk $0xffff, v36;
	v36 =	vshll.u32 v39, v1  }
0xde: {  	v39 =	vadd.s32 v18, v38;
	[tilespmem:v41+s15+$0x0] =	vst.idx.msk $0xffff, v48;
	v37 =	vld [tilespmem:s23+$0x10];
	v48 =	vbroadcast v36, $0x0  }
0xdf: {  	v40 =	vadd.s32 v13, v51;
	v36 =	vld [tilespmem:s24+$0xFFFFFFC0];
	[tilespmem:v33+s15+$0x0] =	vst.idx.msk $0xffff, v46  }
0xe0: {  	[tilespmem:v49+s15+$0x0] =	vst.idx.msk $0xffff, v47;
	v33 =	vld [tilespmem:s22+$0xC0];
	v46 =	vadd.s32 v29, v48  }
0xe1: {  	v44 =	vadd.s32 v8, v44;
	s8 =	sadd.s32 $0xFFFFFFFB, s30;
	v47 =	vld [tilespmem:s25+$0xFFFFFF70];
	[tilespmem:v43+s15+$0x0] =	vst.idx.msk $0xffff, v42  }
0xe2: {  	v34 =	vadd.s32 v24, v34;
	v41 =	vmov s8;
	s8 =	sadd.s32 $0xFFFFFFFF, s0;
	[tilespmem:v50+s15+$0x0] =	vst.idx.msk $0xffff, v45;
	v42 =	vld [tilespmem:s5+$0x70]  }
0xe3: {  	v41 =	vshrl.u32 v41, $0x3;
	v45 =	vadd.s32 v3, v35;
	v43 =	vld [tilespmem:s26+$0xFFFFFF20];
	[tilespmem:v39+s15+$0x0] =	vst.idx.msk $0xffff, v37;
	v37 =	vmov s8  }
0xe4: {  	v39 =	vshll.u32 v41, v1;
	[tilespmem:v40+s15+$0x0] =	vst.idx.msk $0xffff, v36;
	v36 =	vld [tilespmem:s23+$0x20];
	v40 =	vadd.s32 v19, v38;
	v37 =	vshrl.u32 v37, $0x3  }
0xe5: {  	v49 =	vadd.s32 v14, v51;
	v41 =	vbroadcast v39, $0x0;
	v39 =	vld [tilespmem:s24+$0xFFFFFFD0];
	v37 =	vshll.u32 v37, v1;
	[tilespmem:v46+s15+$0x0] =	vst.idx.msk $0xffff, v33  }
0xe6: {  	[tilespmem:v44+s15+$0x0] =	vst.idx.msk $0xffff, v47;
	v33 =	vbroadcast v37, $0x0;
	v37 =	vld [tilespmem:s22+$0xD0];
	v44 =	vadd.s32 v30, v48  }
0xe7: {  	v47 =	vadd.s32 v9, v41;
	v46 =	vld [tilespmem:s25+$0xFFFFFF80];
	[tilespmem:v34+s15+$0x0] =	vst.idx.msk $0xffff, v42  }
0xe8: {  	[tilespmem:v45+s15+$0x0] =	vst.idx.msk $0xffff, v43;
	v34 =	vld [tilespmem:s5+$0x80];
	v42 =	vadd.s32 v25, v33  }
0xe9: {  	v35 =	vadd.s32 v4, v35;
	s8 =	sadd.s32 $0xFFFFFFFA, s29;
	v43 =	vld [tilespmem:s26+$0xFFFFFF30];
	[tilespmem:v40+s15+$0x0] =	vst.idx.msk $0xffff, v36  }
0xea: {  	v36 =	vmov s8;
	v40 =	vadd.s32 v20, v38;
	s8 =	sadd.s32 $0xFFFFFFFE, s1;
	[tilespmem:v49+s15+$0x0] =	vst.idx.msk $0xffff, v39;
	v39 =	vld [tilespmem:s23+$0x30]  }
0xeb: {  	v50 =	vadd.s32 v15, v51;
	v36 =	vshrl.u32 v36, $0x3;
	v38 =	vmov s8;
	v49 =	vld [tilespmem:s24+$0xFFFFFFE0];
	[tilespmem:v44+s15+$0x0] =	vst.idx.msk $0xffff, v37  }
0xec: {  	v52 =	vadd.s32 v31, v48;
	v36 =	vshll.u32 v36, v1;
	v37 =	vshrl.u32 v38, $0x3;
	[tilespmem:v47+s15+$0x0] =	vst.idx.msk $0xffff, v46;
	v47 =	vld [tilespmem:s22+$0xE0]  }
0xed: {  	v53 =	vadd.s32 v10, v41;
	v44 =	vbroadcast v36, $0x0;
	v37 =	vshll.u32 v37, v1;
	v36 =	vld [tilespmem:s25+$0xFFFFFF90];
	[tilespmem:v42+s15+$0x0] =	vst.idx.msk $0xffff, v34  }
.Ltmp2:
0xee: {  	v38 =	vadd.s32 v26, v33;
	v34 =	vbroadcast v37, $0x0;
	[tilespmem:v35+s15+$0x0] =	vst.idx.msk $0xffff, v43;
	v35 =	vld [tilespmem:s5+$0x90];
	(pc) =	sbr.rel @p0 .LBB2_3-.Ltmp2, $4  }
0xef: {  	v46 =	vadd.s32 v5, v44;
	v45 =	vld [tilespmem:s26+$0xFFFFFF40];
	[tilespmem:v40+s15+$0x0] =	vst.idx.msk $0xffff, v39  }
0xf0: {  	v40 =	vadd.s32 v21, v34;
	[tilespmem:v50+s15+$0x0] =	vst.idx.msk $0xffff, v49;
	v39 =	vld [tilespmem:s23+$0x40]  }
0xf1: {  	s8 =	sadd.s32 $0xFFFFFFF9, s12;
	v43 =	vadd.s32 v16, v51;
	v42 =	vld [tilespmem:s24+$0xFFFFFFF0];
	[tilespmem:v52+s15+$0x0] =	vst.idx.msk $0xffff, v47  }
0xf2: {  	s12 =	sadd.s32 $0x8, s12;
	v37 =	vadd.s32 v32, v48;
	v47 =	vmov s8;
	s8 =	sadd.s32 $0xFFFFFFFD, s31;
	[tilespmem:v53+s15+$0x0] =	vst.idx.msk $0xffff, v36;
	v36 =	vld [tilespmem:s22+$0xF0];
	s22 =	smov.u32 s5  }
0xf3: {  	v47 =	vshrl.u32 v47, $0x3  }
0xf4: {  	v47 =	vshll.u32 v47, v1  }
0xf5: {  	v47 =	vbroadcast v47, $0x0  }
0xf6: {  	s10 =	sadd.s32 $0x200, s26  }
0xf7: {  	v48 =	vld [tilespmem:s10+$0xFFFFFF00];
	v49 =	vadd.s32 v0, v47;
	_ =	sdelay $0x4  }
0xf8: {  	[tilespmem:v49+s15+$0x0] =	vst.idx.msk $0xffff, v48  }
0xf9: {  	v63 =	vadd.s32 v2, v47;
	v48 =	vld [tilespmem:s10+$0xFFFFFF10];
	_ =	sdelay $0x4  }
0xfa: {  	[tilespmem:v63+s15+$0x0] =	vst.idx.msk $0xffff, v48  }
0xfb: {  	v52 =	vadd.s32 v3, v47;
	v48 =	vld [tilespmem:s10+$0xFFFFFF20];
	_ =	sdelay $0x4  }
0xfc: {  	[tilespmem:v52+s15+$0x0] =	vst.idx.msk $0xffff, v48  }
0xfd: {  	s5 =	sadd.s32 $0xFFFFFFFA, s28;
	v47 =	vadd.s32 v4, v47;
	v48 =	vld [tilespmem:s10+$0xFFFFFF30]  }
0xfe: {  	v53 =	vmov s5  }
0xff: {  	v49 =	vshrl.u32 v53, $0x3  }
0x100: {  	v49 =	vshll.u32 v49, v1  }
0x101: {  	v49 =	vbroadcast v49, $0x0  }
0x102: {  	[tilespmem:v47+s15+$0x0] =	vst.idx.msk $0xffff, v48  }
0x103: {  	v54 =	vadd.s32 v5, v49;
	v47 =	vld [tilespmem:s10+$0xFFFFFF40];
	_ =	sdelay $0x3  }
0x104: {  	[tilespmem:v46+s15+$0x0] =	vst.idx.msk $0xffff, v45  }
0x105: {  	v55 =	vadd.s32 v6, v44;
	v45 =	vld [tilespmem:s26+$0xFFFFFF50];
	[tilespmem:v54+s15+$0x0] =	vst.idx.msk $0xffff, v47  }
0x106: {  	v56 =	vadd.s32 v6, v49;
	v47 =	vld [tilespmem:s10+$0xFFFFFF50];
	_ =	sdelay $0x3  }
0x107: {  	[tilespmem:v55+s15+$0x0] =	vst.idx.msk $0xffff, v45  }
0x108: {  	v57 =	vadd.s32 v7, v44;
	v45 =	vld [tilespmem:s26+$0xFFFFFF60];
	[tilespmem:v56+s15+$0x0] =	vst.idx.msk $0xffff, v47  }
0x109: {  	v58 =	vadd.s32 v7, v49;
	v47 =	vld [tilespmem:s10+$0xFFFFFF60];
	_ =	sdelay $0x3  }
0x10a: {  	[tilespmem:v57+s15+$0x0] =	vst.idx.msk $0xffff, v45  }
0x10b: {  	v59 =	vadd.s32 v8, v44;
	s12 =	sadd.s32 $0xFFFFFFFB, s29;
	v45 =	vld [tilespmem:s26+$0xFFFFFF70];
	[tilespmem:v58+s15+$0x0] =	vst.idx.msk $0xffff, v47  }
0x10c: {  	v60 =	vmov s12;
	s12 =	sadd.s32 $0xFFFFFFFB, s28;
	v61 =	vadd.s32 v8, v49;
	v47 =	vld [tilespmem:s10+$0xFFFFFF70]  }
0x10d: {  	v46 =	vshrl.u32 v60, $0x3;
	v62 =	vmov s12  }
0x10e: {  	v46 =	vshll.u32 v46, v1;
	v49 =	vshrl.u32 v62, $0x3  }
0x10f: {  	v46 =	vbroadcast v46, $0x0;
	v49 =	vshll.u32 v49, v1  }
0x110: {  	v63 =	vbroadcast v49, $0x0;
	[tilespmem:v59+s15+$0x0] =	vst.idx.msk $0xffff, v45  }
0x111: {  	v53 =	vadd.s32 v9, v46;
	v45 =	vld [tilespmem:s26+$0xFFFFFF80];
	[tilespmem:v61+s15+$0x0] =	vst.idx.msk $0xffff, v47  }
0x112: {  	v54 =	vadd.s32 v9, v63;
	v47 =	vld [tilespmem:s10+$0xFFFFFF80];
	_ =	sdelay $0x3  }
0x113: {  	[tilespmem:v53+s15+$0x0] =	vst.idx.msk $0xffff, v45  }
0x114: {  	v55 =	vadd.s32 v10, v46;
	v45 =	vld [tilespmem:s26+$0xFFFFFF90];
	[tilespmem:v54+s15+$0x0] =	vst.idx.msk $0xffff, v47  }
0x115: {  	v56 =	vadd.s32 v10, v63;
	v47 =	vld [tilespmem:s10+$0xFFFFFF90];
	_ =	sdelay $0x3  }
0x116: {  	v50 =	vld [tilespmem:s25+$0xFFFFFFA0];
	v51 =	vadd.s32 v11, v41;
	[tilespmem:v55+s15+$0x0] =	vst.idx.msk $0xffff, v45  }
0x117: {  	v57 =	vadd.s32 v11, v46;
	v45 =	vld [tilespmem:s26+$0xFFFFFFA0];
	[tilespmem:v56+s15+$0x0] =	vst.idx.msk $0xffff, v47  }
0x118: {  	v58 =	vadd.s32 v11, v63;
	v47 =	vld [tilespmem:s10+$0xFFFFFFA0];
	_ =	sdelay $0x2  }
0x119: {  	[tilespmem:v51+s15+$0x0] =	vst.idx.msk $0xffff, v50  }
0x11a: {  	s12 =	sadd.s32 $0xFFFFFFFC, s30;
	v50 =	vld [tilespmem:s25+$0xFFFFFFB0];
	v59 =	vadd.s32 v12, v41;
	[tilespmem:v57+s15+$0x0] =	vst.idx.msk $0xffff, v45  }
0x11b: {  	v60 =	vmov s12;
	s12 =	sadd.s32 $0xFFFFFFFC, s29;
	v46 =	vadd.s32 v12, v46;
	v49 =	vld [tilespmem:s26+$0xFFFFFFB0];
	[tilespmem:v58+s15+$0x0] =	vst.idx.msk $0xffff, v47  }
0x11c: {  	v44 =	vadd.s32 v12, v63;
	v45 =	vshrl.u32 v60, $0x3;
	v61 =	vmov s12;
	s12 =	sadd.s32 $0xFFFFFFFC, s28;
	v48 =	vld [tilespmem:s10+$0xFFFFFFB0]  }
0x11d: {  	v45 =	vshll.u32 v45, v1;
	v62 =	vmov s12;
	v47 =	vshrl.u32 v61, $0x3  }
0x11e: {  	v45 =	vbroadcast v45, $0x0;
	v51 =	vshrl.u32 v62, $0x3;
	v47 =	vshll.u32 v47, v1  }
0x11f: {  	[tilespmem:v59+s15+$0x0] =	vst.idx.msk $0xffff, v50;
	v63 =	vshll.u32 v51, v1;
	v41 =	vbroadcast v47, $0x0  }
0x120: {  	v50 =	vld [tilespmem:s25+$0xFFFFFFC0];
	[tilespmem:v46+s15+$0x0] =	vst.idx.msk $0xffff, v49;
	v46 =	vbroadcast v63, $0x0;
	v54 =	vadd.s32 v13, v45  }
0x121: {  	v55 =	vld [tilespmem:s26+$0xFFFFFFC0];
	v56 =	vadd.s32 v13, v41;
	[tilespmem:v44+s15+$0x0] =	vst.idx.msk $0xffff, v48  }
0x122: {  	v57 =	vadd.s32 v13, v46;
	v44 =	vld [tilespmem:s10+$0xFFFFFFC0];
	_ =	sdelay $0x2  }
0x123: {  	[tilespmem:v54+s15+$0x0] =	vst.idx.msk $0xffff, v50  }
0x124: {  	v50 =	vld [tilespmem:s25+$0xFFFFFFD0];
	v58 =	vadd.s32 v14, v45;
	[tilespmem:v56+s15+$0x0] =	vst.idx.msk $0xffff, v55  }
0x125: {  	v59 =	vadd.s32 v14, v41;
	v47 =	vld [tilespmem:s26+$0xFFFFFFD0];
	[tilespmem:v57+s15+$0x0] =	vst.idx.msk $0xffff, v44  }
0x126: {  	v60 =	vadd.s32 v14, v46;
	v44 =	vld [tilespmem:s10+$0xFFFFFFD0];
	_ =	sdelay $0x2  }
0x127: {  	[tilespmem:v58+s15+$0x0] =	vst.idx.msk $0xffff, v50  }
0x128: {  	v61 =	vadd.s32 v15, v45;
	v50 =	vld [tilespmem:s25+$0xFFFFFFE0];
	[tilespmem:v59+s15+$0x0] =	vst.idx.msk $0xffff, v47  }
0x129: {  	v62 =	vadd.s32 v15, v41;
	v47 =	vld [tilespmem:s26+$0xFFFFFFE0];
	[tilespmem:v60+s15+$0x0] =	vst.idx.msk $0xffff, v44  }
0x12a: {  	v63 =	vadd.s32 v15, v46;
	v44 =	vld [tilespmem:s10+$0xFFFFFFE0];
	_ =	sdelay $0x2  }
0x12b: {  	v52 =	vmov s8;
	[tilespmem:v61+s15+$0x0] =	vst.idx.msk $0xffff, v50  }
0x12c: {  	s8 =	sadd.s32 $0xFFFFFFFD, s30;
	v52 =	vshrl.u32 v52, $0x3;
	s12 =	sadd.s32 $0xFFFFFFFD, s29;
	v46 =	vadd.s32 v16, v46;
	v45 =	vadd.s32 v16, v45;
	v51 =	vld [tilespmem:s25+$0xFFFFFFF0];
	[tilespmem:v62+s15+$0x0] =	vst.idx.msk $0xffff, v47  }
0x12d: {  	v41 =	vadd.s32 v16, v41;
	v57 =	vmov s8;
	v59 =	vmov s12;
	v50 =	vld [tilespmem:s26+$0xFFFFFFF0];
	[tilespmem:v63+s15+$0x0] =	vst.idx.msk $0xffff, v44  }
0x12e: {  	v56 =	vshll.u32 v52, v1;
	s8 =	sadd.s32 $0xFFFFFFFD, s28;
	v58 =	vshrl.u32 v57, $0x3;
	v48 =	vshrl.u32 v59, $0x3;
	v49 =	vld [tilespmem:s10+$0xFFFFFFF0]  }
0x12f: {  	v60 =	vmov s8;
	v47 =	vbroadcast v56, $0x0;
	v44 =	vshll.u32 v58, v1  }
0x130: {  	[tilespmem:v43+s15+$0x0] =	vst.idx.msk $0xffff, v42;
	v61 =	vshll.u32 v48, v1;
	v62 =	vshrl.u32 v60, $0x3;
	v42 =	vbroadcast v44, $0x0  }
0x131: {  	[tilespmem:v45+s15+$0x0] =	vst.idx.msk $0xffff, v51;
	v43 =	vbroadcast v61, $0x0;
	v56 =	vadd.s32 v17, v47;
	v63 =	vld [tilespmem:s24+$0x0];
	v44 =	vshll.u32 v62, v1  }
0x132: {  	v45 =	vld [tilespmem:s25+$0x0];
	v57 =	vadd.s32 v17, v42;
	[tilespmem:v41+s15+$0x0] =	vst.idx.msk $0xffff, v50;
	v41 =	vbroadcast v44, $0x0  }
0x133: {  	v59 =	vadd.s32 v17, v43;
	v58 =	vld [tilespmem:s26+$0x0];
	[tilespmem:v46+s15+$0x0] =	vst.idx.msk $0xffff, v49  }
0x134: {  	v60 =	vadd.s32 v17, v41;
	v46 =	vld [tilespmem:s10+$0x0];
	_ =	sdelay $0x1  }
0x135: {  	[tilespmem:v56+s15+$0x0] =	vst.idx.msk $0xffff, v63  }
0x136: {  	v61 =	vadd.s32 v18, v47;
	v48 =	vld [tilespmem:s24+$0x10];
	[tilespmem:v57+s15+$0x0] =	vst.idx.msk $0xffff, v45  }
0x137: {  	v62 =	vadd.s32 v18, v42;
	v45 =	vld [tilespmem:s25+$0x10];
	[tilespmem:v59+s15+$0x0] =	vst.idx.msk $0xffff, v58  }
0x138: {  	v63 =	vadd.s32 v18, v43;
	v44 =	vld [tilespmem:s26+$0x10];
	[tilespmem:v60+s15+$0x0] =	vst.idx.msk $0xffff, v46  }
0x139: {  	v56 =	vadd.s32 v18, v41;
	v46 =	vld [tilespmem:s10+$0x10];
	_ =	sdelay $0x1  }
0x13a: {  	[tilespmem:v61+s15+$0x0] =	vst.idx.msk $0xffff, v48  }
0x13b: {  	v57 =	vadd.s32 v19, v47;
	v48 =	vld [tilespmem:s24+$0x20];
	[tilespmem:v62+s15+$0x0] =	vst.idx.msk $0xffff, v45  }
0x13c: {  	v58 =	vadd.s32 v19, v42;
	v45 =	vld [tilespmem:s25+$0x20];
	[tilespmem:v63+s15+$0x0] =	vst.idx.msk $0xffff, v44  }
0x13d: {  	v59 =	vadd.s32 v19, v43;
	v44 =	vld [tilespmem:s26+$0x20];
	[tilespmem:v56+s15+$0x0] =	vst.idx.msk $0xffff, v46  }
0x13e: {  	v60 =	vadd.s32 v19, v41;
	v46 =	vld [tilespmem:s10+$0x20];
	_ =	sdelay $0x1  }
0x13f: {  	s8 =	sadd.s32 $0xFFFFFFFE, s30;
	[tilespmem:v57+s15+$0x0] =	vst.idx.msk $0xffff, v48  }
0x140: {  	s12 =	sadd.s32 $0xFFFFFFFE, s31;
	v53 =	vmov s8;
	s8 =	sadd.s32 $0xFFFFFFFE, s28;
	v47 =	vadd.s32 v20, v47;
	v52 =	vld [tilespmem:s24+$0x30];
	[tilespmem:v58+s15+$0x0] =	vst.idx.msk $0xffff, v45  }
0x141: {  	v55 =	vmov s8;
	v42 =	vadd.s32 v20, v42;
	v61 =	vmov s12;
	s12 =	sadd.s32 $0xFFFFFFFE, s29;
	v63 =	vld [tilespmem:s25+$0x30];
	[tilespmem:v59+s15+$0x0] =	vst.idx.msk $0xffff, v44  }
0x142: {  	v43 =	vadd.s32 v20, v43;
	v54 =	vmov s12;
	v48 =	vshrl.u32 v61, $0x3;
	v50 =	vld [tilespmem:s26+$0x30];
	[tilespmem:v60+s15+$0x0] =	vst.idx.msk $0xffff, v46  }
0x143: {  	v41 =	vadd.s32 v20, v41;
	v62 =	vshll.u32 v48, v1;
	v45 =	vshrl.u32 v53, $0x3;
	v49 =	vld [tilespmem:s10+$0x30]  }
0x144: {  	v44 =	vbroadcast v62, $0x0;
	v45 =	vshll.u32 v45, v1;
	v46 =	vshrl.u32 v54, $0x3  }
0x145: {  	v56 =	vshrl.u32 v55, $0x3;
	v45 =	vbroadcast v45, $0x0;
	[tilespmem:v47+s15+$0x0] =	vst.idx.msk $0xffff, v52;
	v46 =	vshll.u32 v46, v1  }
0x146: {  	v58 =	vshll.u32 v56, v1;
	v57 =	vadd.s32 v21, v44;
	v51 =	vld [tilespmem:s24+$0x40];
	[tilespmem:v42+s15+$0x0] =	vst.idx.msk $0xffff, v63;
	v42 =	vbroadcast v46, $0x0  }
0x147: {  	v60 =	vadd.s32 v21, v45;
	v59 =	vld [tilespmem:s25+$0x40];
	[tilespmem:v43+s15+$0x0] =	vst.idx.msk $0xffff, v50;
	v43 =	vbroadcast v58, $0x0  }
0x148: {  	v61 =	vld [tilespmem:s26+$0x40];
	v62 =	vadd.s32 v21, v42;
	[tilespmem:v41+s15+$0x0] =	vst.idx.msk $0xffff, v49  }
0x149: {  	v63 =	vadd.s32 v21, v43;
	v41 =	vld [tilespmem:s10+$0x40]  }
0x14a: {  	[tilespmem:v40+s15+$0x0] =	vst.idx.msk $0xffff, v39  }
0x14b: {  	v39 =	vld [tilespmem:s23+$0x50];
	v56 =	vadd.s32 v22, v34;
	[tilespmem:v57+s15+$0x0] =	vst.idx.msk $0xffff, v51  }
0x14c: {  	v57 =	vadd.s32 v22, v44;
	v51 =	vld [tilespmem:s24+$0x50];
	[tilespmem:v60+s15+$0x0] =	vst.idx.msk $0xffff, v59  }
0x14d: {  	v58 =	vadd.s32 v22, v45;
	v47 =	vld [tilespmem:s25+$0x50];
	[tilespmem:v62+s15+$0x0] =	vst.idx.msk $0xffff, v61  }
0x14e: {  	v59 =	vadd.s32 v22, v42;
	v46 =	vld [tilespmem:s26+$0x50];
	[tilespmem:v63+s15+$0x0] =	vst.idx.msk $0xffff, v41  }
0x14f: {  	v60 =	vadd.s32 v22, v43;
	v41 =	vld [tilespmem:s10+$0x50]  }
0x150: {  	[tilespmem:v56+s15+$0x0] =	vst.idx.msk $0xffff, v39  }
0x151: {  	v39 =	vld [tilespmem:s23+$0x60];
	v61 =	vadd.s32 v23, v34;
	[tilespmem:v57+s15+$0x0] =	vst.idx.msk $0xffff, v51  }
0x152: {  	v62 =	vadd.s32 v23, v44;
	v51 =	vld [tilespmem:s24+$0x60];
	[tilespmem:v58+s15+$0x0] =	vst.idx.msk $0xffff, v47  }
0x153: {  	v53 =	vadd.s32 v23, v45;
	v48 =	vld [tilespmem:s25+$0x60];
	[tilespmem:v59+s15+$0x0] =	vst.idx.msk $0xffff, v46  }
0x154: {  	s12 =	sadd.s32 $0xFFFFFFFF, s1;
	v56 =	vadd.s32 v23, v42;
	v47 =	vld [tilespmem:s26+$0x60];
	[tilespmem:v60+s15+$0x0] =	vst.idx.msk $0xffff, v41  }
0x155: {  	v63 =	vmov s12;
	v59 =	vadd.s32 v23, v43;
	v58 =	vld [tilespmem:s10+$0x60]  }
0x156: {  	v45 =	vadd.s32 v24, v45;
	v55 =	vshrl.u32 v63, $0x3;
	[tilespmem:v61+s15+$0x0] =	vst.idx.msk $0xffff, v39  }
0x157: {  	s8 =	sadd.s32 $0xFFFFFFFF, s31;
	v57 =	vshll.u32 v55, v1;
	v40 =	vld [tilespmem:s23+$0x70];
	[tilespmem:v62+s15+$0x0] =	vst.idx.msk $0xffff, v51;
	v60 =	vadd.s32 v24, v34  }
0x158: {  	v44 =	vadd.s32 v24, v44;
	v61 =	vmov s8;
	v39 =	vbroadcast v57, $0x0;
	v62 =	vld [tilespmem:s24+$0x70];
	[tilespmem:v53+s15+$0x0] =	vst.idx.msk $0xffff, v48  }
0x159: {  	v42 =	vadd.s32 v24, v42;
	s12 =	sadd.s32 $0xFFFFFFFF, s30;
	v43 =	vadd.s32 v24, v43;
	v41 =	vshrl.u32 v61, $0x3;
	v63 =	vld [tilespmem:s25+$0x70];
	[tilespmem:v56+s15+$0x0] =	vst.idx.msk $0xffff, v47  }
0x15a: {  	s8 =	sadd.s32 $0xFFFFFFFF, s29;
	v51 =	vadd.s32 v25, v39;
	v41 =	vshll.u32 v41, v1;
	v56 =	vmov s12;
	v50 =	vld [tilespmem:s26+$0x70];
	[tilespmem:v59+s15+$0x0] =	vst.idx.msk $0xffff, v58  }
0x15b: {  	v41 =	vbroadcast v41, $0x0;
	s12 =	sadd.s32 $0xFFFFFFFF, s28;
	v57 =	vshrl.u32 v56, $0x3;
	v58 =	vmov s8;
	v49 =	vld [tilespmem:s10+$0x70]  }
0x15c: {  	v61 =	vmov s12;
	[tilespmem:v60+s15+$0x0] =	vst.idx.msk $0xffff, v40;
	v59 =	vshll.u32 v57, v1;
	v60 =	vshrl.u32 v58, $0x3  }
0x15d: {  	[tilespmem:v44+s15+$0x0] =	vst.idx.msk $0xffff, v62;
	v46 =	vshrl.u32 v61, $0x3;
	v62 =	vld [tilespmem:s23+$0x80];
	v34 =	vbroadcast v59, $0x0;
	v40 =	vshll.u32 v60, v1  }
0x15e: {  	v52 =	vadd.s32 v25, v41;
	v46 =	vshll.u32 v46, v1;
	[tilespmem:v45+s15+$0x0] =	vst.idx.msk $0xffff, v63;
	v63 =	vld [tilespmem:s24+$0x80];
	v40 =	vbroadcast v40, $0x0  }
0x15f: {  	v46 =	vbroadcast v46, $0x0;
	[tilespmem:v42+s15+$0x0] =	vst.idx.msk $0xffff, v50;
	v53 =	vld [tilespmem:s25+$0x80];
	v54 =	vadd.s32 v25, v34  }
0x160: {  	v55 =	vld [tilespmem:s26+$0x80];
	v56 =	vadd.s32 v25, v40;
	[tilespmem:v43+s15+$0x0] =	vst.idx.msk $0xffff, v49  }
0x161: {  	[tilespmem:v38+s15+$0x0] =	vst.idx.msk $0xffff, v35;
	v58 =	vadd.s32 v25, v46;
	v57 =	vld [tilespmem:s10+$0x80]  }
0x162: {  	[tilespmem:v51+s15+$0x0] =	vst.idx.msk $0xffff, v62  }
0x163: {  	v59 =	vadd.s32 v26, v39;
	v44 =	vld [tilespmem:s23+$0x90];
	[tilespmem:v52+s15+$0x0] =	vst.idx.msk $0xffff, v63  }
0x164: {  	v60 =	vadd.s32 v26, v41;
	v45 =	vld [tilespmem:s24+$0x90];
	[tilespmem:v54+s15+$0x0] =	vst.idx.msk $0xffff, v53  }
0x165: {  	v61 =	vadd.s32 v26, v34;
	v42 =	vld [tilespmem:s25+$0x90];
	[tilespmem:v56+s15+$0x0] =	vst.idx.msk $0xffff, v55  }
0x166: {  	v62 =	vadd.s32 v26, v40;
	v43 =	vld [tilespmem:s26+$0x90];
	[tilespmem:v58+s15+$0x0] =	vst.idx.msk $0xffff, v57  }
0x167: {  	[tilespmem:v37+s15+$0x0] =	vst.idx.msk $0xffff, v36;
	v63 =	vadd.s32 v26, v46;
	v35 =	vld [tilespmem:s10+$0x90]  }
0x168: {  	v52 =	vld [tilespmem:s22+$0xA0];
	v53 =	vadd.s32 v27, v33;
	[tilespmem:v59+s15+$0x0] =	vst.idx.msk $0xffff, v44  }
0x169: {  	v54 =	vadd.s32 v27, v39;
	v44 =	vld [tilespmem:s23+$0xA0];
	[tilespmem:v60+s15+$0x0] =	vst.idx.msk $0xffff, v45  }
0x16a: {  	v56 =	vadd.s32 v27, v41;
	v47 =	vld [tilespmem:s24+$0xA0];
	[tilespmem:v61+s15+$0x0] =	vst.idx.msk $0xffff, v42  }
0x16b: {  	v39 =	vadd.s32 v28, v39;
	v59 =	vadd.s32 v27, v34;
	v58 =	vld [tilespmem:s25+$0xA0];
	[tilespmem:v62+s15+$0x0] =	vst.idx.msk $0xffff, v43  }
0x16c: {  	v55 =	vmov s0;
	v41 =	vadd.s32 v28, v41;
	v61 =	vadd.s32 v27, v40;
	v60 =	vld [tilespmem:s26+$0xA0];
	[tilespmem:v63+s15+$0x0] =	vst.idx.msk $0xffff, v35  }
0x16d: {  	v57 =	vmov s1;
	v45 =	vshrl.u32 v55, $0x3;
	[tilespmem:v53+s15+$0x0] =	vst.idx.msk $0xffff, v52;
	v52 =	vadd.s32 v27, v46;
	v63 =	vld [tilespmem:s10+$0xA0]  }
0x16e: {  	v48 =	vshrl.u32 v57, $0x3;
	v45 =	vshll.u32 v45, v1;
	v53 =	vld [tilespmem:s22+$0xB0];
	[tilespmem:v54+s15+$0x0] =	vst.idx.msk $0xffff, v44;
	v54 =	vadd.s32 v28, v33  }
0x16f: {  	v34 =	vadd.s32 v28, v34;
	v37 =	vbroadcast v45, $0x0;
	v62 =	vshll.u32 v48, v1;
	v55 =	vld [tilespmem:s23+$0xB0];
	[tilespmem:v56+s15+$0x0] =	vst.idx.msk $0xffff, v47  }
0x170: {  	v46 =	vadd.s32 v28, v46;
	v38 =	vbroadcast v62, $0x0;
	v56 =	vmov s31;
	[tilespmem:v59+s15+$0x0] =	vst.idx.msk $0xffff, v58;
	v57 =	vld [tilespmem:s24+$0xB0]  }
0x171: {  	v40 =	vadd.s32 v28, v40;
	v50 =	vadd.s32 v29, v37;
	v47 =	vshrl.u32 v56, $0x3;
	v58 =	vld [tilespmem:s25+$0xB0];
	[tilespmem:v61+s15+$0x0] =	vst.idx.msk $0xffff, v60  }
0x172: {  	v43 =	vadd.s32 v29, v38;
	v59 =	vmov s30;
	v47 =	vshll.u32 v47, v1;
	v45 =	vld [tilespmem:s26+$0xB0];
	[tilespmem:v52+s15+$0x0] =	vst.idx.msk $0xffff, v63  }
0x173: {  	v36 =	vbroadcast v47, $0x0;
	[tilespmem:v54+s15+$0x0] =	vst.idx.msk $0xffff, v53;
	v60 =	vshrl.u32 v59, $0x3;
	v61 =	vmov s29;
	v62 =	vld [tilespmem:s10+$0xB0]  }
0x174: {  	v53 =	vmov s28;
	[tilespmem:v39+s15+$0x0] =	vst.idx.msk $0xffff, v55;
	v33 =	vshll.u32 v60, v1;
	v63 =	vld [tilespmem:s22+$0xC0];
	v52 =	vshrl.u32 v61, $0x3  }
0x175: {  	v55 =	vshrl.u32 v53, $0x3;
	v54 =	vld [tilespmem:s23+$0xC0];
	v33 =	vbroadcast v33, $0x0;
	[tilespmem:v41+s15+$0x0] =	vst.idx.msk $0xffff, v57;
	v39 =	vshll.u32 v52, v1  }
0x176: {  	v57 =	vadd.s32 v29, v36;
	v56 =	vld [tilespmem:s24+$0xC0];
	[tilespmem:v34+s15+$0x0] =	vst.idx.msk $0xffff, v58;
	v34 =	vbroadcast v39, $0x0;
	v58 =	vshll.u32 v55, v1  }
0x177: {  	v60 =	vadd.s32 v29, v33;
	v59 =	vld [tilespmem:s25+$0xC0];
	v35 =	vbroadcast v58, $0x0;
	[tilespmem:v40+s15+$0x0] =	vst.idx.msk $0xffff, v45  }
0x178: {  	v61 =	vadd.s32 v29, v34;
	v40 =	vld [tilespmem:s26+$0xC0];
	[tilespmem:v46+s15+$0x0] =	vst.idx.msk $0xffff, v62  }
0x179: {  	[tilespmem:v50+s15+$0x0] =	vst.idx.msk $0xffff, v63;
	v62 =	vadd.s32 v29, v35;
	v46 =	vld [tilespmem:s10+$0xC0]  }
0x17a: {  	v63 =	vadd.s32 v30, v37;
	[tilespmem:v43+s15+$0x0] =	vst.idx.msk $0xffff, v54;
	v48 =	vld [tilespmem:s22+$0xD0]  }
0x17b: {  	v52 =	vadd.s32 v30, v38;
	v43 =	vld [tilespmem:s23+$0xD0];
	[tilespmem:v57+s15+$0x0] =	vst.idx.msk $0xffff, v56  }
0x17c: {  	v53 =	vadd.s32 v30, v36;
	v42 =	vld [tilespmem:s24+$0xD0];
	[tilespmem:v60+s15+$0x0] =	vst.idx.msk $0xffff, v59  }
0x17d: {  	v54 =	vadd.s32 v30, v33;
	v39 =	vld [tilespmem:s25+$0xD0];
	[tilespmem:v61+s15+$0x0] =	vst.idx.msk $0xffff, v40  }
0x17e: {  	v55 =	vadd.s32 v30, v34;
	v40 =	vld [tilespmem:s26+$0xD0];
	[tilespmem:v62+s15+$0x0] =	vst.idx.msk $0xffff, v46  }
0x17f: {  	v56 =	vadd.s32 v30, v35;
	[tilespmem:v63+s15+$0x0] =	vst.idx.msk $0xffff, v48;
	v46 =	vld [tilespmem:s10+$0xD0]  }
0x180: {  	v57 =	vadd.s32 v31, v37;
	[tilespmem:v52+s15+$0x0] =	vst.idx.msk $0xffff, v43;
	v48 =	vld [tilespmem:s22+$0xE0]  }
0x181: {  	v58 =	vadd.s32 v31, v38;
	v43 =	vld [tilespmem:s23+$0xE0];
	[tilespmem:v53+s15+$0x0] =	vst.idx.msk $0xffff, v42  }
0x182: {  	v59 =	vadd.s32 v31, v36;
	v42 =	vld [tilespmem:s24+$0xE0];
	[tilespmem:v54+s15+$0x0] =	vst.idx.msk $0xffff, v39  }
0x183: {  	v60 =	vadd.s32 v31, v33;
	v39 =	vld [tilespmem:s25+$0xE0];
	[tilespmem:v55+s15+$0x0] =	vst.idx.msk $0xffff, v40  }
0x184: {  	v61 =	vadd.s32 v31, v34;
	v40 =	vld [tilespmem:s26+$0xE0];
	[tilespmem:v56+s15+$0x0] =	vst.idx.msk $0xffff, v46  }
0x185: {  	v62 =	vadd.s32 v31, v35;
	[tilespmem:v57+s15+$0x0] =	vst.idx.msk $0xffff, v48;
	v46 =	vld [tilespmem:s10+$0xE0]  }
0x186: {  	v37 =	vadd.s32 v32, v37;
	[tilespmem:v58+s15+$0x0] =	vst.idx.msk $0xffff, v43;
	v48 =	vld [tilespmem:s22+$0xF0]  }
0x187: {  	v38 =	vadd.s32 v32, v38;
	v43 =	vld [tilespmem:s23+$0xF0];
	[tilespmem:v59+s15+$0x0] =	vst.idx.msk $0xffff, v42  }
0x188: {  	v36 =	vadd.s32 v32, v36;
	v42 =	vld [tilespmem:s24+$0xF0];
	[tilespmem:v60+s15+$0x0] =	vst.idx.msk $0xffff, v39  }
0x189: {  	v33 =	vadd.s32 v32, v33;
	v39 =	vld [tilespmem:s25+$0xF0];
	[tilespmem:v61+s15+$0x0] =	vst.idx.msk $0xffff, v40  }
0x18a: {  	v34 =	vadd.s32 v32, v34;
	v40 =	vld [tilespmem:s26+$0xF0];
	[tilespmem:v62+s15+$0x0] =	vst.idx.msk $0xffff, v46  }
0x18b: {  	v35 =	vadd.s32 v32, v35;
	[tilespmem:v37+s15+$0x0] =	vst.idx.msk $0xffff, v48;
	v63 =	vld [tilespmem:s10+$0xF0]  }
0x18c: {  	[tilespmem:v38+s15+$0x0] =	vst.idx.msk $0xffff, v43  }
0x18d: {  	[tilespmem:v36+s15+$0x0] =	vst.idx.msk $0xffff, v42  }
0x18e: {  	s30 =	sshll.u32 s21, $0x10;
	[tilespmem:v33+s15+$0x0] =	vst.idx.msk $0xffff, v39  }
0x18f: {  	s22 =	sor.u32 s6, s30;
	[tilespmem:v34+s15+$0x0] =	vst.idx.msk $0xffff, v40  }
0x190: {  	s31 =	simm.s32 $0x4D00;
	s1 =	sadd.s32 s2, s22;
	[tilespmem:v35+s15+$0x0] =	vst.idx.msk $0xffff, v63  }
0x191: {  	[hbm4b:s1+s3] =	stream.linear.scatter [tilespmem:s31], [sflag:$0x3], $0x80, $0x38;
	[tilespmem:$0x9100] =	vst v63  }
0x192: {  	s5 =	simm.s32 $0x4D88;
	s8 =	sadd.s32 $0x10, s1  }
0x193: {  	[hbm4b:s8+s3] =	stream.linear.scatter [tilespmem:s5], [sflag:$0x3], $0x80, $0x38;
	[tilespmem:$0x9100] =	vst v63  }
0x194: {  	s0 =	simm.s32 $0x440;
	s12 =	sadd.s32 $0x20, s1;
	s10 =	simm.s32 $0x4E10  }
0x195: {  	[hbm4b:s12+s3] =	stream.linear.scatter [tilespmem:s10], [sflag:$0x3], $0x80, $0x38;
	[tilespmem:$0x9100] =	vst v63  }
0x196: {  	s28 =	simm.s32 $0x4FA8;
	s23 =	simm.s32 $0x4E98;
	s24 =	sadd.s32 $0x30, s1  }
0x197: {  	[hbm4b:s24+s3] =	stream.linear.scatter [tilespmem:s23], [sflag:$0x3], $0x80, $0x38;
	[tilespmem:$0x9100] =	vst v63  }
0x198: {  	s30 =	simm.s32 $0x5030;
	s25 =	simm.s32 $0x4F20;
	s26 =	sadd.s32 $0x40, s1  }
0x199: {  	[hbm4b:s26+s3] =	stream.linear.scatter [tilespmem:s25], [sflag:$0x3], $0x80, $0x38;
	[tilespmem:$0x9100] =	vst v63  }
0x19a: {  	s29 =	sadd.s32 $0x50, s1;
	s31 =	sadd.s32 $0x60, s1;
	s5 =	simm.s32 $0x2200  }
0x19b: {  	[hbm4b:s29+s3] =	stream.linear.scatter [tilespmem:s28], [sflag:$0x3], $0x80, $0x38;
	[tilespmem:$0x9100] =	vst v63  }
0x19c: {  	s8 =	simm.s32 $0x50B8;
	s10 =	sadd.s32 $0x70, s1;
	s1 =	sadd.s32 $0x1000, s1  }
0x19d: {  	[hbm4b:s31+s3] =	stream.linear.scatter [tilespmem:s30], [sflag:$0x3], $0x80, $0x38;
	[tilespmem:$0x9100] =	vst v63  }
.LBB2_5:
0x19e: {  	[hbm4b:s10+s3] =	stream.linear.scatter [tilespmem:s8], [sflag:$0x3], $0x80, $0x38;
	[tilespmem:$0x9100] =	vst v63  }
0x19f: {  	s8 =	smov.u32 s0;
	s0 =	smov.u32 s5  }
0x1a0: {  	s12 =	sadd.s32 $0x1100, s5;
	s0 =	sshra.s32 s0, $0x2;
	s10 =	sadd.s32 $0x4D00, s8  }
0x1a1: {  	[hbm4b:s1+s3] =	stream.linear.scatter [tilespmem:s10], [sflag:$0x3], $0x80, $0x38;
	[tilespmem:$0x9100] =	vst v63  }
0x1a2: {  	p0 =	sne.s32 s5, $0x7700;
	s5 =	sadd.s32 $0x4D88, s8;
	s10 =	sadd.s32 $0x10, s1  }
0x1a3: {  	[hbm4b:s10+s3] =	stream.linear.scatter [tilespmem:s5], [sflag:$0x3], $0x80, $0x38;
	[tilespmem:$0x9100] =	vst v63  }
0x1a4: {  	s5 =	sadd.s32 $0x4E10, s8;
	s10 =	sadd.s32 $0x20, s1  }
0x1a5: {  	[hbm4b:s10+s3] =	stream.linear.scatter [tilespmem:s5], [sflag:$0x3], $0x80, $0x38;
	[tilespmem:$0x9100] =	vst v63  }
0x1a6: {  	s5 =	sadd.s32 $0x4E98, s8;
	s10 =	sadd.s32 $0x30, s1  }
0x1a7: {  	[hbm4b:s10+s3] =	stream.linear.scatter [tilespmem:s5], [sflag:$0x3], $0x80, $0x38;
	[tilespmem:$0x9100] =	vst v63  }
0x1a8: {  	s5 =	sadd.s32 $0x4F20, s8;
	s10 =	sadd.s32 $0x40, s1  }
0x1a9: {  	[hbm4b:s10+s3] =	stream.linear.scatter [tilespmem:s5], [sflag:$0x3], $0x80, $0x38;
	[tilespmem:$0x9100] =	vst v63  }
.Ltmp3:
0x1aa: {  	s5 =	sadd.s32 $0x4FA8, s8;
	s10 =	sadd.s32 $0x50, s1;
	(pc) =	sbr.rel @p0 .LBB2_5-.Ltmp3, $4  }
0x1ab: {  	[hbm4b:s10+s3] =	stream.linear.scatter [tilespmem:s5], [sflag:$0x3], $0x80, $0x38;
	[tilespmem:$0x9100] =	vst v63  }
0x1ac: {  	s5 =	sadd.s32 $0x5030, s8;
	s10 =	sadd.s32 $0x60, s1;
	s8 =	sadd.s32 $0x50B8, s8  }
0x1ad: {  	[hbm4b:s10+s3] =	stream.linear.scatter [tilespmem:s5], [sflag:$0x3], $0x80, $0x38;
	[tilespmem:$0x9100] =	vst v63  }
0x1ae: {  	s10 =	sadd.s32 $0x70, s1;
	s1 =	sadd.s32 $0x1000, s1;
	s5 =	smov.u32 s12  }
0x1af: {  	[hbm4b:s10+s3] =	stream.linear.scatter [tilespmem:s8], [sflag:$0x3], $0x80, $0x38;
	[tilespmem:$0x9100] =	vst v63  }
0x1b0: {  	s5 =	sadd.s32 $0x4D00, s0  }
0x1b1: {  	[hbm4b:s1+s3] =	stream.linear.scatter [tilespmem:s5], [sflag:$0x3], $0x80, $0x38;
	[tilespmem:$0x9100] =	vst v63  }
0x1b2: {  	s10 =	sadd.s32 $0x4D88, s0;
	s12 =	sadd.s32 $0x10, s1  }
0x1b3: {  	[hbm4b:s12+s3] =	stream.linear.scatter [tilespmem:s10], [sflag:$0x3], $0x80, $0x38;
	[tilespmem:$0x9100] =	vst v63  }
0x1b4: {  	s23 =	sadd.s32 $0x4E10, s0;
	s24 =	sadd.s32 $0x20, s1  }
0x1b5: {  	[hbm4b:s24+s3] =	stream.linear.scatter [tilespmem:s23], [sflag:$0x3], $0x80, $0x38;
	[tilespmem:$0x9100] =	vst v63  }
0x1b6: {  	s25 =	sadd.s32 $0x4E98, s0;
	s26 =	sadd.s32 $0x30, s1;
	s8 =	sadd.s32 $0x50B8, s0  }
0x1b7: {  	[hbm4b:s26+s3] =	stream.linear.scatter [tilespmem:s25], [sflag:$0x3], $0x80, $0x38;
	[tilespmem:$0x9100] =	vst v63  }
0x1b8: {  	p0 =	seq.s32 s21, $0xC;
	s10 =	sadd.s32 $0x4F20, s0;
	s12 =	sadd.s32 $0x40, s1  }
0x1b9: {  	[hbm4b:s12+s3] =	stream.linear.scatter [tilespmem:s10], [sflag:$0x3], $0x80, $0x38;
	[tilespmem:$0x9100] =	vst v63  }
0x1ba: {  	p1 =	seq.s32 @!p0 s21, $0x0;
	s23 =	sadd.s32 $0x4FA8, s0;
	s24 =	sadd.s32 $0x50, s1  }
0x1bb: {  	[hbm4b:s24+s3] =	stream.linear.scatter [tilespmem:s23], [sflag:$0x3], $0x80, $0x38;
	[tilespmem:$0x9100] =	vst v63  }
0x1bc: {  	s25 =	sadd.s32 $0x5030, s0;
	s26 =	sadd.s32 $0x60, s1;
	s0 =	sshll.u32 @!p0 s21, $0x8  }
0x1bd: {  	[hbm4b:s26+s3] =	stream.linear.scatter [tilespmem:s25], [sflag:$0x3], $0x80, $0x38;
	[tilespmem:$0x9100] =	vst v63  }
0x1be: {  	s5 =	simm.s32 @!p0 $0xD00;
	s0 =	sand.u32 @!p0 $0x3FFFFF00, s0;
	s10 =	sadd.s32 $0x70, s1  }
0x1bf: {  	[hbm4b:s10+s3] =	stream.linear.scatter [tilespmem:s8], [sflag:$0x3], $0x80, $0x38;
	[tilespmem:$0x9100] =	vst v63  }
0x1c0: {  	p1 =	por p0, !p1;
	s0 =	sadd.s32 @!p0 $0x100, s0;
	s1 =	simm.s32 @!p0 $0x80  }
0x1c1: {  	[tilespmem:s5], [sflag:$0x1] =	stream.indirect.gather @!p0 [hbm4b:s4+s1], $0x40, s0, s1, $0xb8;
	[tilespmem:$0x9100] =	vst v63  }
0x1c2: {  	s12 =	simm.s32 $0x0;
	_ =	swait.ge @p1 [sflag:s19], $0x2000  }
0x1c3: {  	v33 =	vmov s12;
	[sflag:s19] =	ssyncset.done @p1 $0x0  }
0x1c4: {  	v33 =	vshrl.u32 v33, $0x3;
	[sflag:s19] =	ssyncadd.s32 @p1 $0xFFFFE000  }
0x1c5: {  	v33 =	vshll.u32 v33, v1;
	_ =	swait.ge [sflag:s16], $0x2000  }
0x1c6: {  	v33 =	vbroadcast v33, $0x0;
	[sflag:s16] =	ssyncset.done $0x0  }
0x1c7: {  	s12 =	simm.s32 $0x2EF0;
	[sflag:s16] =	ssyncadd.s32 $0xFFFFE000  }
0x1c8: {  	v35 =	vadd.s32 v0, v33;
	v34 =	vld [tilespmem:s12+$0xFFFFFE10];
	_ =	sdelay $0x4  }
0x1c9: {  	[tilespmem:v35+s17+$0x0] =	vst.idx.msk $0xffff, v34  }
0x1ca: {  	v51 =	vadd.s32 v2, v33;
	v34 =	vld [tilespmem:s12+$0xFFFFFE20];
	_ =	sdelay $0x4  }
0x1cb: {  	[tilespmem:v51+s17+$0x0] =	vst.idx.msk $0xffff, v34  }
0x1cc: {  	v52 =	vadd.s32 v3, v33;
	v34 =	vld [tilespmem:s12+$0xFFFFFE30];
	_ =	sdelay $0x4  }
0x1cd: {  	[tilespmem:v52+s17+$0x0] =	vst.idx.msk $0xffff, v34  }
0x1ce: {  	s23 =	simm.s32 $0x1;
	v33 =	vadd.s32 v4, v33;
	v34 =	vld [tilespmem:s12+$0xFFFFFE40]  }
0x1cf: {  	v53 =	vmov s23  }
0x1d0: {  	v35 =	vshrl.u32 v53, $0x3  }
0x1d1: {  	v35 =	vshll.u32 v35, v1  }
0x1d2: {  	v35 =	vbroadcast v35, $0x0  }
0x1d3: {  	[tilespmem:v33+s17+$0x0] =	vst.idx.msk $0xffff, v34  }
0x1d4: {  	v54 =	vadd.s32 v5, v35;
	v33 =	vld [tilespmem:s12+$0xFFFFFE50];
	_ =	sdelay $0x1  }
0x1d5: {  	s24 =	simm.s32 $0x8  }
0x1d6: {  	v36 =	vmov s24  }
0x1d7: {  	v36 =	vshrl.u32 v36, $0x3  }
0x1d8: {  	v36 =	vshll.u32 v36, v1;
	[tilespmem:v54+s17+$0x0] =	vst.idx.msk $0xffff, v33  }
0x1d9: {  	v55 =	vbroadcast v36, $0x0;
	v56 =	vadd.s32 v6, v35;
	v34 =	vld [tilespmem:s12+$0xFFFFFE60]  }
0x1da: {  	s23 =	simm.s32 $0x30F0  }
0x1db: {  	v38 =	vadd.s32 v0, v55;
	v37 =	vld [tilespmem:s23+$0xFFFFFE10];
	_ =	sdelay $0x2  }
0x1dc: {  	[tilespmem:v56+s17+$0x0] =	vst.idx.msk $0xffff, v34  }
0x1dd: {  	v57 =	vadd.s32 v7, v35;
	v34 =	vld [tilespmem:s12+$0xFFFFFE70]  }
0x1de: {  	[tilespmem:v38+s17+$0x0] =	vst.idx.msk $0xffff, v37  }
0x1df: {  	v58 =	vadd.s32 v2, v55;
	v37 =	vld [tilespmem:s23+$0xFFFFFE20];
	_ =	sdelay $0x2  }
0x1e0: {  	[tilespmem:v57+s17+$0x0] =	vst.idx.msk $0xffff, v34  }
0x1e1: {  	s25 =	simm.s32 $0x2;
	v35 =	vadd.s32 v8, v35;
	v34 =	vld [tilespmem:s12+$0xFFFFFE80]  }
0x1e2: {  	v59 =	vmov s25;
	[tilespmem:v58+s17+$0x0] =	vst.idx.msk $0xffff, v37  }
0x1e3: {  	v36 =	vshrl.u32 v59, $0x3;
	v60 =	vadd.s32 v3, v55;
	v37 =	vld [tilespmem:s23+$0xFFFFFE30]  }
0x1e4: {  	v36 =	vshll.u32 v36, v1  }
0x1e5: {  	v36 =	vbroadcast v36, $0x0  }
0x1e6: {  	[tilespmem:v35+s17+$0x0] =	vst.idx.msk $0xffff, v34  }
0x1e7: {  	v61 =	vadd.s32 v9, v36;
	v34 =	vld [tilespmem:s12+$0xFFFFFE90]  }
0x1e8: {  	[tilespmem:v60+s17+$0x0] =	vst.idx.msk $0xffff, v37  }
0x1e9: {  	s26 =	simm.s32 $0x9;
	v37 =	vld [tilespmem:s23+$0xFFFFFE40];
	v33 =	vadd.s32 v4, v55  }
0x1ea: {  	v62 =	vmov s26  }
0x1eb: {  	v38 =	vshrl.u32 v62, $0x3  }
0x1ec: {  	v38 =	vshll.u32 v38, v1;
	[tilespmem:v61+s17+$0x0] =	vst.idx.msk $0xffff, v34  }
0x1ed: {  	v42 =	vadd.s32 v10, v36;
	v63 =	vbroadcast v38, $0x0;
	v35 =	vld [tilespmem:s12+$0xFFFFFEA0]  }
0x1ee: {  	[tilespmem:v33+s17+$0x0] =	vst.idx.msk $0xffff, v37  }
0x1ef: {  	v43 =	vadd.s32 v5, v63;
	v33 =	vld [tilespmem:s23+$0xFFFFFE50]  }
0x1f0: {  	s1 =	simm.s32 $0x10  }
0x1f1: {  	v39 =	vmov s1  }
0x1f2: {  	v44 =	vshrl.u32 v39, $0x3;
	[tilespmem:v42+s17+$0x0] =	vst.idx.msk $0xffff, v35  }
0x1f3: {  	v45 =	vadd.s32 v11, v36;
	v35 =	vshll.u32 v44, v1;
	v38 =	vld [tilespmem:s12+$0xFFFFFEB0]  }
0x1f4: {  	[tilespmem:v43+s17+$0x0] =	vst.idx.msk $0xffff, v33;
	v46 =	vbroadcast v35, $0x0  }
0x1f5: {  	s24 =	simm.s32 $0x32F0;
	v48 =	vadd.s32 v6, v63;
	v47 =	vld [tilespmem:s23+$0xFFFFFE60]  }
0x1f6: {  	v40 =	vld [tilespmem:s24+$0xFFFFFE10];
	v41 =	vadd.s32 v0, v46;
	_ =	sdelay $0x1  }
0x1f7: {  	[tilespmem:v45+s17+$0x0] =	vst.idx.msk $0xffff, v38  }
0x1f8: {  	s5 =	simm.s32 $0x3;
	v36 =	vadd.s32 v12, v36;
	v38 =	vld [tilespmem:s12+$0xFFFFFEC0]  }
0x1f9: {  	v49 =	vmov s5;
	[tilespmem:v48+s17+$0x0] =	vst.idx.msk $0xffff, v47  }
0x1fa: {  	v50 =	vadd.s32 v7, v63;
	v37 =	vld [tilespmem:s23+$0xFFFFFE70];
	v35 =	vshrl.u32 v49, $0x3;
	[tilespmem:v41+s17+$0x0] =	vst.idx.msk $0xffff, v40  }
0x1fb: {  	v35 =	vshll.u32 v35, v1;
	v51 =	vadd.s32 v2, v46;
	v40 =	vld [tilespmem:s24+$0xFFFFFE20]  }
0x1fc: {  	v35 =	vbroadcast v35, $0x0  }
0x1fd: {  	[tilespmem:v36+s17+$0x0] =	vst.idx.msk $0xffff, v38  }
0x1fe: {  	v52 =	vadd.s32 v13, v35;
	v36 =	vld [tilespmem:s12+$0xFFFFFED0]  }
0x1ff: {  	[tilespmem:v50+s17+$0x0] =	vst.idx.msk $0xffff, v37  }
0x200: {  	s8 =	simm.s32 $0xA;
	v37 =	vld [tilespmem:s23+$0xFFFFFE80];
	v34 =	vadd.s32 v8, v63;
	[tilespmem:v51+s17+$0x0] =	vst.idx.msk $0xffff, v40  }
0x201: {  	v53 =	vmov s8;
	v54 =	vadd.s32 v3, v46;
	v40 =	vld [tilespmem:s24+$0xFFFFFE30]  }
0x202: {  	v39 =	vshrl.u32 v53, $0x3  }
0x203: {  	v39 =	vshll.u32 v39, v1;
	[tilespmem:v52+s17+$0x0] =	vst.idx.msk $0xffff, v36  }
0x204: {  	v55 =	vbroadcast v39, $0x0;
	v56 =	vadd.s32 v14, v35;
	v38 =	vld [tilespmem:s12+$0xFFFFFEE0]  }
0x205: {  	[tilespmem:v34+s17+$0x0] =	vst.idx.msk $0xffff, v37  }
0x206: {  	v57 =	vadd.s32 v9, v55;
	v34 =	vld [tilespmem:s23+$0xFFFFFE90];
	[tilespmem:v54+s17+$0x0] =	vst.idx.msk $0xffff, v40  }
0x207: {  	s10 =	simm.s32 $0x11;
	v33 =	vadd.s32 v4, v46;
	v40 =	vld [tilespmem:s24+$0xFFFFFE40]  }
0x208: {  	v58 =	vmov s10  }
0x209: {  	v59 =	vshrl.u32 v58, $0x3;
	[tilespmem:v56+s17+$0x0] =	vst.idx.msk $0xffff, v38  }
0x20a: {  	v60 =	vadd.s32 v15, v35;
	v38 =	vshll.u32 v59, v1;
	v39 =	vld [tilespmem:s12+$0xFFFFFEF0]  }
0x20b: {  	[tilespmem:v57+s17+$0x0] =	vst.idx.msk $0xffff, v34;
	v61 =	vbroadcast v38, $0x0  }
0x20c: {  	v62 =	vadd.s32 v10, v55;
	v37 =	vld [tilespmem:s23+$0xFFFFFEA0];
	[tilespmem:v33+s17+$0x0] =	vst.idx.msk $0xffff, v40  }
0x20d: {  	v33 =	vld [tilespmem:s24+$0xFFFFFE50];
	v63 =	vadd.s32 v5, v61  }
0x20e: {  	s25 =	simm.s32 $0x18  }
0x20f: {  	v45 =	vmov s25;
	[tilespmem:v60+s17+$0x0] =	vst.idx.msk $0xffff, v39  }
0x210: {  	s26 =	simm.s32 $0x4;
	v35 =	vadd.s32 v16, v35;
	v46 =	vshrl.u32 v45, $0x3;
	v39 =	vld [tilespmem:s12+$0xFFFFFF00]  }
0x211: {  	v47 =	vmov s26;
	[tilespmem:v62+s17+$0x0] =	vst.idx.msk $0xffff, v37;
	v37 =	vshll.u32 v46, v1  }
0x212: {  	v42 =	vadd.s32 v11, v55;
	v48 =	vld [tilespmem:s23+$0xFFFFFEB0];
	v38 =	vshrl.u32 v47, $0x3;
	[tilespmem:v63+s17+$0x0] =	vst.idx.msk $0xffff, v33;
	v33 =	vbroadcast v37, $0x0  }
0x213: {  	s25 =	simm.s32 $0x34F0;
	v49 =	vshll.u32 v38, v1;
	v51 =	vadd.s32 v6, v61;
	v50 =	vld [tilespmem:s24+$0xFFFFFE60]  }
0x214: {  	v52 =	vld [tilespmem:s25+$0xFFFFFE10];
	v37 =	vbroadcast v49, $0x0;
	v53 =	vadd.s32 v0, v33  }
0x215: {  	[tilespmem:v35+s17+$0x0] =	vst.idx.msk $0xffff, v39  }
0x216: {  	v44 =	vadd.s32 v17, v37;
	v43 =	vld [tilespmem:s12+$0xFFFFFF10]  }
0x217: {  	[tilespmem:v42+s17+$0x0] =	vst.idx.msk $0xffff, v48  }
0x218: {  	s1 =	simm.s32 $0xB;
	v41 =	vld [tilespmem:s23+$0xFFFFFEC0];
	v36 =	vadd.s32 v12, v55;
	[tilespmem:v51+s17+$0x0] =	vst.idx.msk $0xffff, v50  }
0x219: {  	v54 =	vmov s1;
	v55 =	vadd.s32 v7, v61;
	v40 =	vld [tilespmem:s24+$0xFFFFFE70];
	[tilespmem:v53+s17+$0x0] =	vst.idx.msk $0xffff, v52  }
0x21a: {  	v38 =	vshrl.u32 v54, $0x3;
	v58 =	vadd.s32 v2, v33;
	v57 =	vld [tilespmem:s25+$0xFFFFFE20]  }
0x21b: {  	v56 =	vshll.u32 v38, v1;
	[tilespmem:v44+s17+$0x0] =	vst.idx.msk $0xffff, v43  }
0x21c: {  	v59 =	vadd.s32 v18, v37;
	v35 =	vbroadcast v56, $0x0;
	v43 =	vld [tilespmem:s12+$0xFFFFFF20]  }
0x21d: {  	[tilespmem:v36+s17+$0x0] =	vst.idx.msk $0xffff, v41  }
0x21e: {  	v36 =	vld [tilespmem:s23+$0xFFFFFED0];
	v60 =	vadd.s32 v13, v35;
	[tilespmem:v55+s17+$0x0] =	vst.idx.msk $0xffff, v40  }
0x21f: {  	s5 =	simm.s32 $0x12;
	v34 =	vadd.s32 v8, v61;
	v40 =	vld [tilespmem:s24+$0xFFFFFE80];
	[tilespmem:v58+s17+$0x0] =	vst.idx.msk $0xffff, v57  }
0x220: {  	v61 =	vmov s5;
	v62 =	vadd.s32 v3, v33;
	v39 =	vld [tilespmem:s25+$0xFFFFFE30]  }
0x221: {  	v38 =	vshrl.u32 v61, $0x3;
	[tilespmem:v59+s17+$0x0] =	vst.idx.msk $0xffff, v43  }
0x222: {  	v38 =	vshll.u32 v38, v1;
	v63 =	vadd.s32 v19, v37;
	v43 =	vld [tilespmem:s12+$0xFFFFFF30]  }
0x223: {  	[tilespmem:v60+s17+$0x0] =	vst.idx.msk $0xffff, v36;
	v36 =	vbroadcast v38, $0x0  }
0x224: {  	v49 =	vadd.s32 v14, v35;
	v48 =	vld [tilespmem:s23+$0xFFFFFEE0];
	[tilespmem:v34+s17+$0x0] =	vst.idx.msk $0xffff, v40  }
0x225: {  	v50 =	vadd.s32 v9, v36;
	v34 =	vld [tilespmem:s24+$0xFFFFFE90];
	[tilespmem:v62+s17+$0x0] =	vst.idx.msk $0xffff, v39  }
0x226: {  	s8 =	simm.s32 $0x19;
	v33 =	vadd.s32 v4, v33;
	v39 =	vld [tilespmem:s25+$0xFFFFFE40]  }
0x227: {  	v51 =	vmov s8;
	[tilespmem:v63+s17+$0x0] =	vst.idx.msk $0xffff, v43  }
0x228: {  	s10 =	simm.s32 $0x5;
	v37 =	vadd.s32 v20, v37;
	v52 =	vshrl.u32 v51, $0x3;
	v43 =	vld [tilespmem:s12+$0xFFFFFF40]  }
0x229: {  	v53 =	vmov s10;
	v38 =	vshll.u32 v52, v1;
	[tilespmem:v49+s17+$0x0] =	vst.idx.msk $0xffff, v48  }
0x22a: {  	v41 =	vshrl.u32 v53, $0x3;
	v55 =	vadd.s32 v15, v35;
	v54 =	vld [tilespmem:s23+$0xFFFFFEF0];
	[tilespmem:v50+s17+$0x0] =	vst.idx.msk $0xffff, v34;
	v34 =	vbroadcast v38, $0x0  }
0x22b: {  	v56 =	vshll.u32 v41, v1;
	v57 =	vadd.s32 v10, v36;
	v40 =	vld [tilespmem:s24+$0xFFFFFEA0];
	[tilespmem:v33+s17+$0x0] =	vst.idx.msk $0xffff, v39  }
0x22c: {  	v33 =	vbroadcast v56, $0x0;
	v58 =	vld [tilespmem:s25+$0xFFFFFE50];
	v59 =	vadd.s32 v5, v34  }
0x22d: {  	s26 =	simm.s32 $0x20;
	[tilespmem:v37+s17+$0x0] =	vst.idx.msk $0xffff, v43  }
0x22e: {  	v61 =	vmov s26;
	v60 =	vadd.s32 v21, v33;
	v37 =	vld [tilespmem:s12+$0xFFFFFF50]  }
0x22f: {  	v62 =	vshrl.u32 v61, $0x3;
	[tilespmem:v55+s17+$0x0] =	vst.idx.msk $0xffff, v54  }
0x230: {  	s1 =	simm.s32 $0xC;
	v35 =	vadd.s32 v16, v35;
	v42 =	vld [tilespmem:s23+$0xFFFFFF00];
	[tilespmem:v57+s17+$0x0] =	vst.idx.msk $0xffff, v40;
	v40 =	vshll.u32 v62, v1  }
0x231: {  	v45 =	vadd.s32 v11, v36;
	v63 =	vmov s1;
	v48 =	vld [tilespmem:s24+$0xFFFFFEB0];
	[tilespmem:v59+s17+$0x0] =	vst.idx.msk $0xffff, v58;
	v39 =	vbroadcast v40, $0x0  }
0x232: {  	s26 =	simm.s32 $0x36F0;
	v49 =	vshrl.u32 v63, $0x3;
	v51 =	vadd.s32 v6, v34;
	v50 =	vld [tilespmem:s25+$0xFFFFFE60]  }
0x233: {  	v54 =	vld [tilespmem:s26+$0xFFFFFE10];
	v38 =	vshll.u32 v49, v1;
	v55 =	vadd.s32 v0, v39;
	[tilespmem:v60+s17+$0x0] =	vst.idx.msk $0xffff, v37  }
0x234: {  	v53 =	vadd.s32 v22, v33;
	v37 =	vbroadcast v38, $0x0;
	v52 =	vld [tilespmem:s12+$0xFFFFFF60]  }
0x235: {  	[tilespmem:v35+s17+$0x0] =	vst.idx.msk $0xffff, v42  }
0x236: {  	v46 =	vld [tilespmem:s23+$0xFFFFFF10];
	v47 =	vadd.s32 v17, v37;
	[tilespmem:v45+s17+$0x0] =	vst.idx.msk $0xffff, v48  }
0x237: {  	s5 =	simm.s32 $0x13;
	v36 =	vadd.s32 v12, v36;
	v44 =	vld [tilespmem:s24+$0xFFFFFEC0];
	[tilespmem:v51+s17+$0x0] =	vst.idx.msk $0xffff, v50  }
0x238: {  	v56 =	vmov s5;
	v57 =	vadd.s32 v7, v34;
	v41 =	vld [tilespmem:s25+$0xFFFFFE70];
	[tilespmem:v55+s17+$0x0] =	vst.idx.msk $0xffff, v54  }
0x239: {  	v58 =	vshrl.u32 v56, $0x3;
	v61 =	vadd.s32 v2, v39;
	v42 =	vld [tilespmem:s26+$0xFFFFFE20];
	[tilespmem:v53+s17+$0x0] =	vst.idx.msk $0xffff, v52  }
0x23a: {  	v60 =	vadd.s32 v23, v33;
	v38 =	vshll.u32 v58, v1;
	v59 =	vld [tilespmem:s12+$0xFFFFFF70]  }
0x23b: {  	v38 =	vbroadcast v38, $0x0;
	[tilespmem:v47+s17+$0x0] =	vst.idx.msk $0xffff, v46  }
0x23c: {  	v62 =	vadd.s32 v18, v37;
	v46 =	vld [tilespmem:s23+$0xFFFFFF20];
	[tilespmem:v36+s17+$0x0] =	vst.idx.msk $0xffff, v44  }
0x23d: {  	v63 =	vadd.s32 v13, v38;
	v36 =	vld [tilespmem:s24+$0xFFFFFED0];
	[tilespmem:v57+s17+$0x0] =	vst.idx.msk $0xffff, v41  }
0x23e: {  	s8 =	simm.s32 $0x1A;
	v34 =	vadd.s32 v8, v34;
	v41 =	vld [tilespmem:s25+$0xFFFFFE80];
	[tilespmem:v61+s17+$0x0] =	vst.idx.msk $0xffff, v42  }
0x23f: {  	v49 =	vadd.s32 v3, v39;
	v48 =	vmov s8;
	v42 =	vld [tilespmem:s26+$0xFFFFFE30];
	[tilespmem:v60+s17+$0x0] =	vst.idx.msk $0xffff, v59  }
0x240: {  	s10 =	simm.s32 $0x6;
	v33 =	vadd.s32 v24, v33;
	v35 =	vshrl.u32 v48, $0x3;
	v40 =	vld [tilespmem:s12+$0xFFFFFF80]  }
0x241: {  	v50 =	vmov s10;
	v35 =	vshll.u32 v35, v1;
	[tilespmem:v62+s17+$0x0] =	vst.idx.msk $0xffff, v46  }
0x242: {  	v51 =	vadd.s32 v19, v37;
	v45 =	vshrl.u32 v50, $0x3;
	v35 =	vbroadcast v35, $0x0;
	v46 =	vld [tilespmem:s23+$0xFFFFFF30];
	[tilespmem:v63+s17+$0x0] =	vst.idx.msk $0xffff, v36  }
0x243: {  	v52 =	vshll.u32 v45, v1;
	v53 =	vadd.s32 v14, v38;
	v44 =	vld [tilespmem:s24+$0xFFFFFEE0];
	[tilespmem:v34+s17+$0x0] =	vst.idx.msk $0xffff, v41  }
0x244: {  	v55 =	vadd.s32 v9, v35;
	v34 =	vbroadcast v52, $0x0;
	v54 =	vld [tilespmem:s25+$0xFFFFFE90];
	[tilespmem:v49+s17+$0x0] =	vst.idx.msk $0xffff, v42  }
0x245: {  	s1 =	simm.s32 $0x21;
	v39 =	vadd.s32 v4, v39;
	v42 =	vld [tilespmem:s26+$0xFFFFFE40];
	[tilespmem:v33+s17+$0x0] =	vst.idx.msk $0xffff, v40  }
0x246: {  	v57 =	vmov s1;
	v56 =	vadd.s32 v25, v34;
	v33 =	vld [tilespmem:s12+$0xFFFFFF90]  }
0x247: {  	v43 =	vshrl.u32 v57, $0x3;
	[tilespmem:v51+s17+$0x0] =	vst.idx.msk $0xffff, v46  }
0x248: {  	s5 =	simm.s32 $0xD;
	v37 =	vadd.s32 v20, v37;
	v43 =	vshll.u32 v43, v1;
	v46 =	vld [tilespmem:s23+$0xFFFFFF40];
	[tilespmem:v53+s17+$0x0] =	vst.idx.msk $0xffff, v44  }
0x249: {  	v58 =	vmov s5;
	v59 =	vadd.s32 v15, v38;
	v41 =	vbroadcast v43, $0x0;
	v45 =	vld [tilespmem:s24+$0xFFFFFEF0];
	[tilespmem:v55+s17+$0x0] =	vst.idx.msk $0xffff, v54  }
0x24a: {  	v60 =	vshrl.u32 v58, $0x3;
	v62 =	vadd.s32 v10, v35;
	v61 =	vld [tilespmem:s25+$0xFFFFFEA0];
	[tilespmem:v39+s17+$0x0] =	vst.idx.msk $0xffff, v42  }
0x24b: {  	v36 =	vshll.u32 v60, v1;
	v54 =	vadd.s32 v5, v41;
	v53 =	vld [tilespmem:s26+$0xFFFFFE50];
	[tilespmem:v56+s17+$0x0] =	vst.idx.msk $0xffff, v33  }
0x24c: {  	v52 =	vadd.s32 v26, v34;
	v33 =	vbroadcast v36, $0x0;
	v63 =	vld [tilespmem:s12+$0xFFFFFFA0]  }
0x24d: {  	s8 =	simm.s32 $0x28;
	[tilespmem:v37+s17+$0x0] =	vst.idx.msk $0xffff, v46  }
0x24e: {  	v56 =	vmov s8;
	v37 =	vld [tilespmem:s23+$0xFFFFFF50];
	v55 =	vadd.s32 v21, v33;
	[tilespmem:v59+s17+$0x0] =	vst.idx.msk $0xffff, v45  }
0x24f: {  	s10 =	simm.s32 $0x14;
	v38 =	vadd.s32 v16, v38;
	v57 =	vshrl.u32 v56, $0x3;
	v45 =	vld [tilespmem:s24+$0xFFFFFF00];
	[tilespmem:v62+s17+$0x0] =	vst.idx.msk $0xffff, v61  }
0x250: {  	v48 =	vmov s10;
	v58 =	vadd.s32 v11, v35;
	v59 =	vshll.u32 v57, v1;
	v44 =	vld [tilespmem:s25+$0xFFFFFEB0];
	[tilespmem:v54+s17+$0x0] =	vst.idx.msk $0xffff, v53  }
0x251: {  	v60 =	vshrl.u32 v48, $0x3;
	v36 =	vbroadcast v59, $0x0;
	[tilespmem:v52+s17+$0x0] =	vst.idx.msk $0xffff, v63;
	v63 =	vld [tilespmem:s26+$0xFFFFFE60];
	v52 =	vadd.s32 v6, v41  }
0x252: {  	s28 =	simm.s32 $0x38F0;
	v39 =	vshll.u32 v60, v1;
	v62 =	vadd.s32 v27, v34;
	v61 =	vld [tilespmem:s12+$0xFFFFFFB0]  }
0x253: {  	v56 =	vadd.s32 v0, v36;
	[tilespmem:v55+s17+$0x0] =	vst.idx.msk $0xffff, v37;
	v37 =	vbroadcast v39, $0x0;
	v55 =	vld [tilespmem:s28+$0xFFFFFE10]  }
0x254: {  	v54 =	vadd.s32 v22, v33;
	v53 =	vld [tilespmem:s23+$0xFFFFFF60];
	[tilespmem:v38+s17+$0x0] =	vst.idx.msk $0xffff, v45  }
0x255: {  	[tilespmem:v58+s17+$0x0] =	vst.idx.msk $0xffff, v44;
	v57 =	vld [tilespmem:s24+$0xFFFFFF10];
	v58 =	vadd.s32 v17, v37  }
0x256: {  	v35 =	vadd.s32 v12, v35;
	v49 =	vld [tilespmem:s25+$0xFFFFFEC0];
	[tilespmem:v52+s17+$0x0] =	vst.idx.msk $0xffff, v63  }
0x257: {  	s1 =	simm.s32 $0x1B;
	v48 =	vadd.s32 v7, v41;
	[tilespmem:v62+s17+$0x0] =	vst.idx.msk $0xffff, v61;
	v43 =	vld [tilespmem:s26+$0xFFFFFE70]  }
0x258: {  	v59 =	vmov s1;
	v34 =	vadd.s32 v28, v34;
	[tilespmem:v56+s17+$0x0] =	vst.idx.msk $0xffff, v55;
	v42 =	vld [tilespmem:s12+$0xFFFFFFC0]  }
0x259: {  	s5 =	simm.s32 $0x7;
	v40 =	vshrl.u32 v59, $0x3;
	v50 =	vadd.s32 v2, v36;
	[tilespmem:v54+s17+$0x0] =	vst.idx.msk $0xffff, v53;
	v54 =	vld [tilespmem:s28+$0xFFFFFE20]  }
0x25a: {  	v60 =	vmov s5;
	v63 =	vadd.s32 v23, v33;
	v61 =	vshll.u32 v40, v1;
	v62 =	vld [tilespmem:s23+$0xFFFFFF70];
	[tilespmem:v58+s17+$0x0] =	vst.idx.msk $0xffff, v57  }
0x25b: {  	v39 =	vshrl.u32 v60, $0x3;
	v51 =	vbroadcast v61, $0x0;
	[tilespmem:v35+s17+$0x0] =	vst.idx.msk $0xffff, v49  }
0x25c: {  	v55 =	vshll.u32 v39, v1;
	v57 =	vadd.s32 v18, v37;
	v56 =	vld [tilespmem:s24+$0xFFFFFF20];
	[tilespmem:v48+s17+$0x0] =	vst.idx.msk $0xffff, v43  }
0x25d: {  	v49 =	vbroadcast v55, $0x0;
	v59 =	vadd.s32 v13, v51;
	v58 =	vld [tilespmem:s25+$0xFFFFFED0];
	[tilespmem:v34+s17+$0x0] =	vst.idx.msk $0xffff, v42  }
0x25e: {  	s8 =	simm.s32 $0x22;
	v61 =	vadd.s32 v8, v41;
	v43 =	vld [tilespmem:s26+$0xFFFFFE80];
	[tilespmem:v50+s17+$0x0] =	vst.idx.msk $0xffff, v54  }
0x25f: {  	v60 =	vadd.s32 v29, v49;
	v34 =	vld [tilespmem:s12+$0xFFFFFFD0];
	[tilespmem:v63+s17+$0x0] =	vst.idx.msk $0xffff, v62;
	v62 =	vmov s8  }
0x260: {  	v52 =	vadd.s32 v3, v36;
	v63 =	vld [tilespmem:s28+$0xFFFFFE30];
	v53 =	vshrl.u32 v62, $0x3  }
0x261: {  	s10 =	simm.s32 $0xE;
	v46 =	vadd.s32 v24, v33;
	v45 =	vld [tilespmem:s23+$0xFFFFFF80];
	[tilespmem:v57+s17+$0x0] =	vst.idx.msk $0xffff, v56;
	v33 =	vshll.u32 v53, v1  }
0x262: {  	v54 =	vmov s10;
	v56 =	vadd.s32 v19, v37;
	[tilespmem:v59+s17+$0x0] =	vst.idx.msk $0xffff, v58;
	v55 =	vld [tilespmem:s24+$0xFFFFFF30];
	v41 =	vbroadcast v33, $0x0  }
0x263: {  	v35 =	vshrl.u32 v54, $0x3;
	v58 =	vadd.s32 v14, v51;
	v57 =	vld [tilespmem:s25+$0xFFFFFEE0];
	[tilespmem:v61+s17+$0x0] =	vst.idx.msk $0xffff, v43  }
0x264: {  	v59 =	vshll.u32 v35, v1;
	[tilespmem:v60+s17+$0x0] =	vst.idx.msk $0xffff, v34;
	v61 =	vld [tilespmem:s26+$0xFFFFFE90];
	v62 =	vadd.s32 v9, v41  }
0x265: {  	v33 =	vbroadcast v59, $0x0;
	v60 =	vadd.s32 v30, v49;
	[tilespmem:v52+s17+$0x0] =	vst.idx.msk $0xffff, v63;
	v34 =	vld [tilespmem:s12+$0xFFFFFFE0]  }
0x266: {  	v36 =	vadd.s32 v4, v36;
	[tilespmem:v46+s17+$0x0] =	vst.idx.msk $0xffff, v45;
	v47 =	vld [tilespmem:s28+$0xFFFFFE40]  }
0x267: {  	v63 =	vadd.s32 v25, v33;
	v45 =	vld [tilespmem:s23+$0xFFFFFF90];
	[tilespmem:v56+s17+$0x0] =	vst.idx.msk $0xffff, v55  }
0x268: {  	s1 =	simm.s32 $0x29;
	v37 =	vadd.s32 v20, v37;
	[tilespmem:v58+s17+$0x0] =	vst.idx.msk $0xffff, v57;
	v38 =	vld [tilespmem:s24+$0xFFFFFF40]  }
0x269: {  	s5 =	simm.s32 $0x15;
	v58 =	vmov s1;
	[tilespmem:v62+s17+$0x0] =	vst.idx.msk $0xffff, v61  }
0x26a: {  	v59 =	vmov s5;
	v57 =	vadd.s32 v15, v51;
	v56 =	vld [tilespmem:s25+$0xFFFFFEF0];
	[tilespmem:v60+s17+$0x0] =	vst.idx.msk $0xffff, v34;
	v34 =	vshrl.u32 v58, $0x3  }
0x26b: {  	v35 =	vshrl.u32 v59, $0x3;
	v61 =	vadd.s32 v31, v49;
	[tilespmem:v36+s17+$0x0] =	vst.idx.msk $0xffff, v47;
	v60 =	vld [tilespmem:s12+$0xFFFFFFF0];
	v34 =	vshll.u32 v34, v1  }
0x26c: {  	v52 =	vadd.s32 v10, v41;
	v62 =	vld [tilespmem:s26+$0xFFFFFEA0];
	[tilespmem:v63+s17+$0x0] =	vst.idx.msk $0xffff, v45;
	v63 =	vshll.u32 v35, v1;
	v44 =	vbroadcast v34, $0x0  }
0x26d: {  	v35 =	vld [tilespmem:s23+$0xFFFFFFA0];
	v34 =	vbroadcast v63, $0x0;
	[tilespmem:v37+s17+$0x0] =	vst.idx.msk $0xffff, v38;
	v38 =	vadd.s32 v26, v33  }
0x26e: {  	v45 =	vld [tilespmem:s28+$0xFFFFFE50];
	v46 =	vadd.s32 v5, v44  }
0x26f: {  	s31 =	simm.s32 $0x27;
	s30 =	simm.s32 $0x2F;
	s29 =	simm.s32 $0x37;
	[tilespmem:v57+s17+$0x0] =	vst.idx.msk $0xffff, v56;
	v39 =	vld [tilespmem:s24+$0xFFFFFF50];
	v40 =	vadd.s32 v21, v34  }
0x270: {  	s0 =	simm.s32 $0x17;
	s10 =	simm.s32 $0xF;
	s8 =	simm.s32 $0x30;
	v43 =	vadd.s32 v16, v51;
	v42 =	vld [tilespmem:s25+$0xFFFFFF00];
	[tilespmem:v61+s17+$0x0] =	vst.idx.msk $0xffff, v60  }
0x271: {  	s5 =	simm.s32 $0x3F;
	s1 =	simm.s32 $0x1F;
	v47 =	vmov s8;
	s8 =	simm.s32 $0x1C;
	v37 =	vadd.s32 v32, v49;
	[tilespmem:v52+s17+$0x0] =	vst.idx.msk $0xffff, v62;
	v36 =	vld [tilespmem:s12+$0x0]  }
.LBB2_7:
0x272: {  	p1 =	sne.s32 s5, $0x7F;
	v47 =	vshrl.u32 v47, $0x3;
	v48 =	vld [tilespmem:s26+$0xFFFFFEB0];
	v49 =	vadd.s32 v11, v41;
	v50 =	vmov s8;
	[tilespmem:v38+s17+$0x0] =	vst.idx.msk $0xffff, v35;
	s12 =	smov.u32 s24;
	s24 =	smov.u32 s25  }
0x273: {  	s25 =	smov.u32 s26;
	s26 =	smov.u32 s28;
	v35 =	vshll.u32 v47, v1;
	[tilespmem:v46+s17+$0x0] =	vst.idx.msk $0xffff, v45;
	v38 =	vshrl.u32 v50, $0x3;
	v45 =	vld [tilespmem:s23+$0xFFFFFFB0];
	v46 =	vadd.s32 v27, v33  }
0x274: {  	v50 =	vadd.s32 v6, v44;
	v35 =	vbroadcast v35, $0x0;
	v47 =	vld [tilespmem:s28+$0xFFFFFE60];
	v38 =	vshll.u32 v38, v1;
	[tilespmem:v40+s17+$0x0] =	vst.idx.msk $0xffff, v39  }
0x275: {  	s28 =	sadd.s32 $0x200, s28;
	v40 =	vadd.s32 v22, v34;
	[tilespmem:v43+s17+$0x0] =	vst.idx.msk $0xffff, v42;
	v38 =	vbroadcast v38, $0x0;
	v39 =	vld [tilespmem:s12+$0xFFFFFF60]  }
0x276: {  	v42 =	vld [tilespmem:s28+$0xFFFFFE10];
	v43 =	vadd.s32 v0, v35;
	[tilespmem:v37+s17+$0x0] =	vst.idx.msk $0xffff, v36  }
0x277: {  	[tilespmem:v49+s17+$0x0] =	vst.idx.msk $0xffff, v48;
	v36 =	vld [tilespmem:s24+$0xFFFFFF10];
	v37 =	vadd.s32 v17, v38  }
0x278: {  	v41 =	vadd.s32 v12, v41;
	s8 =	sadd.s32 $0xFFFFFFFC, s31;
	v48 =	vld [tilespmem:s25+$0xFFFFFEC0];
	[tilespmem:v46+s17+$0x0] =	vst.idx.msk $0xffff, v45  }
0x279: {  	v33 =	vadd.s32 v28, v33;
	v45 =	vmov s8;
	[tilespmem:v50+s17+$0x0] =	vst.idx.msk $0xffff, v47;
	v46 =	vld [tilespmem:s23+$0xFFFFFFC0]  }
0x27a: {  	v49 =	vadd.s32 v7, v44;
	v45 =	vshrl.u32 v45, $0x3;
	v47 =	vld [tilespmem:s26+$0xFFFFFE70];
	[tilespmem:v40+s17+$0x0] =	vst.idx.msk $0xffff, v39;
	v39 =	vmov s10;
	s10 =	smov.u32 s0;
	s0 =	smov.u32 s1;
	s1 =	smov.u32 s31  }
0x27b: {  	v40 =	vshll.u32 v45, v1;
	s31 =	smov.u32 s30;
	s30 =	smov.u32 s29;
	s29 =	smov.u32 s5;
	[tilespmem:v43+s17+$0x0] =	vst.idx.msk $0xffff, v42;
	v42 =	vld [tilespmem:s12+$0xFFFFFF70];
	v43 =	vadd.s32 v23, v34;
	v39 =	vshrl.u32 v39, $0x3  }
0x27c: {  	v50 =	vadd.s32 v2, v35;
	v51 =	vbroadcast v40, $0x0;
	v45 =	vld [tilespmem:s28+$0xFFFFFE20];
	[tilespmem:v37+s17+$0x0] =	vst.idx.msk $0xffff, v36;
	v36 =	vshll.u32 v39, v1  }
0x27d: {  	v39 =	vadd.s32 v18, v38;
	[tilespmem:v41+s17+$0x0] =	vst.idx.msk $0xffff, v48;
	v37 =	vld [tilespmem:s24+$0xFFFFFF20];
	v48 =	vbroadcast v36, $0x0  }
0x27e: {  	v40 =	vadd.s32 v13, v51;
	v36 =	vld [tilespmem:s25+$0xFFFFFED0];
	[tilespmem:v33+s17+$0x0] =	vst.idx.msk $0xffff, v46  }
0x27f: {  	[tilespmem:v49+s17+$0x0] =	vst.idx.msk $0xffff, v47;
	v33 =	vld [tilespmem:s23+$0xFFFFFFD0];
	v46 =	vadd.s32 v29, v48  }
0x280: {  	v44 =	vadd.s32 v8, v44;
	s8 =	sadd.s32 $0xFFFFFFFB, s31;
	v47 =	vld [tilespmem:s26+$0xFFFFFE80];
	[tilespmem:v43+s17+$0x0] =	vst.idx.msk $0xffff, v42  }
0x281: {  	v34 =	vadd.s32 v24, v34;
	v41 =	vmov s8;
	s8 =	sadd.s32 $0xFFFFFFFF, s10;
	[tilespmem:v50+s17+$0x0] =	vst.idx.msk $0xffff, v45;
	v42 =	vld [tilespmem:s12+$0xFFFFFF80]  }
0x282: {  	v41 =	vshrl.u32 v41, $0x3;
	v45 =	vadd.s32 v3, v35;
	v43 =	vld [tilespmem:s28+$0xFFFFFE30];
	[tilespmem:v39+s17+$0x0] =	vst.idx.msk $0xffff, v37;
	v37 =	vmov s8  }
0x283: {  	v39 =	vshll.u32 v41, v1;
	[tilespmem:v40+s17+$0x0] =	vst.idx.msk $0xffff, v36;
	v36 =	vld [tilespmem:s24+$0xFFFFFF30];
	v40 =	vadd.s32 v19, v38;
	v37 =	vshrl.u32 v37, $0x3  }
0x284: {  	v49 =	vadd.s32 v14, v51;
	v41 =	vbroadcast v39, $0x0;
	v39 =	vld [tilespmem:s25+$0xFFFFFEE0];
	v37 =	vshll.u32 v37, v1;
	[tilespmem:v46+s17+$0x0] =	vst.idx.msk $0xffff, v33  }
0x285: {  	[tilespmem:v44+s17+$0x0] =	vst.idx.msk $0xffff, v47;
	v33 =	vbroadcast v37, $0x0;
	v37 =	vld [tilespmem:s23+$0xFFFFFFE0];
	v44 =	vadd.s32 v30, v48  }
0x286: {  	v47 =	vadd.s32 v9, v41;
	v46 =	vld [tilespmem:s26+$0xFFFFFE90];
	[tilespmem:v34+s17+$0x0] =	vst.idx.msk $0xffff, v42  }
0x287: {  	[tilespmem:v45+s17+$0x0] =	vst.idx.msk $0xffff, v43;
	v34 =	vld [tilespmem:s12+$0xFFFFFF90];
	v42 =	vadd.s32 v25, v33  }
0x288: {  	v35 =	vadd.s32 v4, v35;
	s8 =	sadd.s32 $0xFFFFFFFA, s30;
	v43 =	vld [tilespmem:s28+$0xFFFFFE40];
	[tilespmem:v40+s17+$0x0] =	vst.idx.msk $0xffff, v36  }
0x289: {  	v36 =	vmov s8;
	v40 =	vadd.s32 v20, v38;
	s8 =	sadd.s32 $0xFFFFFFFE, s0;
	[tilespmem:v49+s17+$0x0] =	vst.idx.msk $0xffff, v39;
	v39 =	vld [tilespmem:s24+$0xFFFFFF40]  }
0x28a: {  	v50 =	vadd.s32 v15, v51;
	v36 =	vshrl.u32 v36, $0x3;
	v38 =	vmov s8;
	v49 =	vld [tilespmem:s25+$0xFFFFFEF0];
	[tilespmem:v44+s17+$0x0] =	vst.idx.msk $0xffff, v37  }
0x28b: {  	v52 =	vadd.s32 v31, v48;
	v36 =	vshll.u32 v36, v1;
	v37 =	vshrl.u32 v38, $0x3;
	[tilespmem:v47+s17+$0x0] =	vst.idx.msk $0xffff, v46;
	v47 =	vld [tilespmem:s23+$0xFFFFFFF0]  }
0x28c: {  	v53 =	vadd.s32 v10, v41;
	v44 =	vbroadcast v36, $0x0;
	v37 =	vshll.u32 v37, v1;
	v36 =	vld [tilespmem:s26+$0xFFFFFEA0];
	[tilespmem:v42+s17+$0x0] =	vst.idx.msk $0xffff, v34  }
.Ltmp4:
0x28d: {  	v38 =	vadd.s32 v26, v33;
	v34 =	vbroadcast v37, $0x0;
	[tilespmem:v35+s17+$0x0] =	vst.idx.msk $0xffff, v43;
	v35 =	vld [tilespmem:s12+$0xFFFFFFA0];
	(pc) =	sbr.rel @p1 .LBB2_7-.Ltmp4, $4  }
0x28e: {  	v46 =	vadd.s32 v5, v44;
	v45 =	vld [tilespmem:s28+$0xFFFFFE50];
	[tilespmem:v40+s17+$0x0] =	vst.idx.msk $0xffff, v39  }
0x28f: {  	v40 =	vadd.s32 v21, v34;
	[tilespmem:v50+s17+$0x0] =	vst.idx.msk $0xffff, v49;
	v39 =	vld [tilespmem:s24+$0xFFFFFF50]  }
0x290: {  	s8 =	sadd.s32 $0xFFFFFFF9, s5;
	v43 =	vadd.s32 v16, v51;
	v42 =	vld [tilespmem:s25+$0xFFFFFF00];
	[tilespmem:v52+s17+$0x0] =	vst.idx.msk $0xffff, v47  }
0x291: {  	s5 =	sadd.s32 $0x8, s5;
	v37 =	vadd.s32 v32, v48;
	v47 =	vmov s8;
	s8 =	sadd.s32 $0xFFFFFFFD, s1;
	[tilespmem:v53+s17+$0x0] =	vst.idx.msk $0xffff, v36;
	v36 =	vld [tilespmem:s23+$0x0];
	s23 =	smov.u32 s12  }
0x292: {  	v47 =	vshrl.u32 v47, $0x3  }
0x293: {  	v47 =	vshll.u32 v47, v1  }
0x294: {  	v47 =	vbroadcast v47, $0x0  }
0x295: {  	s12 =	sadd.s32 $0x200, s28  }
0x296: {  	v48 =	vld [tilespmem:s12+$0xFFFFFE10];
	v49 =	vadd.s32 v0, v47;
	_ =	sdelay $0x4  }
0x297: {  	[tilespmem:v49+s17+$0x0] =	vst.idx.msk $0xffff, v48  }
0x298: {  	v63 =	vadd.s32 v2, v47;
	v48 =	vld [tilespmem:s12+$0xFFFFFE20];
	_ =	sdelay $0x4  }
0x299: {  	[tilespmem:v63+s17+$0x0] =	vst.idx.msk $0xffff, v48  }
0x29a: {  	v52 =	vadd.s32 v3, v47;
	v48 =	vld [tilespmem:s12+$0xFFFFFE30];
	_ =	sdelay $0x4  }
0x29b: {  	[tilespmem:v52+s17+$0x0] =	vst.idx.msk $0xffff, v48  }
0x29c: {  	s5 =	sadd.s32 $0xFFFFFFFA, s29;
	v47 =	vadd.s32 v4, v47;
	v48 =	vld [tilespmem:s12+$0xFFFFFE40]  }
0x29d: {  	v53 =	vmov s5  }
0x29e: {  	v49 =	vshrl.u32 v53, $0x3  }
0x29f: {  	v49 =	vshll.u32 v49, v1  }
0x2a0: {  	v49 =	vbroadcast v49, $0x0  }
0x2a1: {  	[tilespmem:v47+s17+$0x0] =	vst.idx.msk $0xffff, v48  }
0x2a2: {  	v54 =	vadd.s32 v5, v49;
	v47 =	vld [tilespmem:s12+$0xFFFFFE50];
	_ =	sdelay $0x3  }
0x2a3: {  	[tilespmem:v46+s17+$0x0] =	vst.idx.msk $0xffff, v45  }
0x2a4: {  	v55 =	vadd.s32 v6, v44;
	v45 =	vld [tilespmem:s28+$0xFFFFFE60];
	[tilespmem:v54+s17+$0x0] =	vst.idx.msk $0xffff, v47  }
0x2a5: {  	v56 =	vadd.s32 v6, v49;
	v47 =	vld [tilespmem:s12+$0xFFFFFE60];
	_ =	sdelay $0x3  }
0x2a6: {  	[tilespmem:v55+s17+$0x0] =	vst.idx.msk $0xffff, v45  }
0x2a7: {  	v57 =	vadd.s32 v7, v44;
	v45 =	vld [tilespmem:s28+$0xFFFFFE70];
	[tilespmem:v56+s17+$0x0] =	vst.idx.msk $0xffff, v47  }
0x2a8: {  	v58 =	vadd.s32 v7, v49;
	v47 =	vld [tilespmem:s12+$0xFFFFFE70];
	_ =	sdelay $0x3  }
0x2a9: {  	[tilespmem:v57+s17+$0x0] =	vst.idx.msk $0xffff, v45  }
0x2aa: {  	v59 =	vadd.s32 v8, v44;
	s5 =	sadd.s32 $0xFFFFFFFB, s30;
	v45 =	vld [tilespmem:s28+$0xFFFFFE80];
	[tilespmem:v58+s17+$0x0] =	vst.idx.msk $0xffff, v47  }
0x2ab: {  	v60 =	vmov s5;
	s5 =	sadd.s32 $0xFFFFFFFB, s29;
	v61 =	vadd.s32 v8, v49;
	v47 =	vld [tilespmem:s12+$0xFFFFFE80]  }
0x2ac: {  	v46 =	vshrl.u32 v60, $0x3;
	v62 =	vmov s5  }
0x2ad: {  	v46 =	vshll.u32 v46, v1;
	v49 =	vshrl.u32 v62, $0x3  }
0x2ae: {  	v46 =	vbroadcast v46, $0x0;
	v49 =	vshll.u32 v49, v1  }
0x2af: {  	v63 =	vbroadcast v49, $0x0;
	[tilespmem:v59+s17+$0x0] =	vst.idx.msk $0xffff, v45  }
0x2b0: {  	v53 =	vadd.s32 v9, v46;
	v45 =	vld [tilespmem:s28+$0xFFFFFE90];
	[tilespmem:v61+s17+$0x0] =	vst.idx.msk $0xffff, v47  }
0x2b1: {  	v54 =	vadd.s32 v9, v63;
	v47 =	vld [tilespmem:s12+$0xFFFFFE90];
	_ =	sdelay $0x3  }
0x2b2: {  	[tilespmem:v53+s17+$0x0] =	vst.idx.msk $0xffff, v45  }
0x2b3: {  	v55 =	vadd.s32 v10, v46;
	v45 =	vld [tilespmem:s28+$0xFFFFFEA0];
	[tilespmem:v54+s17+$0x0] =	vst.idx.msk $0xffff, v47  }
0x2b4: {  	v56 =	vadd.s32 v10, v63;
	v47 =	vld [tilespmem:s12+$0xFFFFFEA0];
	_ =	sdelay $0x3  }
0x2b5: {  	v50 =	vld [tilespmem:s26+$0xFFFFFEB0];
	v51 =	vadd.s32 v11, v41;
	[tilespmem:v55+s17+$0x0] =	vst.idx.msk $0xffff, v45  }
0x2b6: {  	v57 =	vadd.s32 v11, v46;
	v45 =	vld [tilespmem:s28+$0xFFFFFEB0];
	[tilespmem:v56+s17+$0x0] =	vst.idx.msk $0xffff, v47  }
0x2b7: {  	v58 =	vadd.s32 v11, v63;
	v47 =	vld [tilespmem:s12+$0xFFFFFEB0];
	_ =	sdelay $0x2  }
0x2b8: {  	[tilespmem:v51+s17+$0x0] =	vst.idx.msk $0xffff, v50  }
0x2b9: {  	s5 =	sadd.s32 $0xFFFFFFFC, s31;
	v50 =	vld [tilespmem:s26+$0xFFFFFEC0];
	v59 =	vadd.s32 v12, v41;
	[tilespmem:v57+s17+$0x0] =	vst.idx.msk $0xffff, v45  }
0x2ba: {  	v60 =	vmov s5;
	s5 =	sadd.s32 $0xFFFFFFFC, s30;
	v46 =	vadd.s32 v12, v46;
	v49 =	vld [tilespmem:s28+$0xFFFFFEC0];
	[tilespmem:v58+s17+$0x0] =	vst.idx.msk $0xffff, v47  }
0x2bb: {  	v44 =	vadd.s32 v12, v63;
	v45 =	vshrl.u32 v60, $0x3;
	v61 =	vmov s5;
	s5 =	sadd.s32 $0xFFFFFFFC, s29;
	v48 =	vld [tilespmem:s12+$0xFFFFFEC0]  }
0x2bc: {  	v45 =	vshll.u32 v45, v1;
	v62 =	vmov s5;
	v47 =	vshrl.u32 v61, $0x3  }
0x2bd: {  	v45 =	vbroadcast v45, $0x0;
	v51 =	vshrl.u32 v62, $0x3;
	v47 =	vshll.u32 v47, v1  }
0x2be: {  	[tilespmem:v59+s17+$0x0] =	vst.idx.msk $0xffff, v50;
	v63 =	vshll.u32 v51, v1;
	v41 =	vbroadcast v47, $0x0  }
0x2bf: {  	v50 =	vld [tilespmem:s26+$0xFFFFFED0];
	[tilespmem:v46+s17+$0x0] =	vst.idx.msk $0xffff, v49;
	v46 =	vbroadcast v63, $0x0;
	v54 =	vadd.s32 v13, v45  }
0x2c0: {  	v55 =	vld [tilespmem:s28+$0xFFFFFED0];
	v56 =	vadd.s32 v13, v41;
	[tilespmem:v44+s17+$0x0] =	vst.idx.msk $0xffff, v48  }
0x2c1: {  	v57 =	vadd.s32 v13, v46;
	v44 =	vld [tilespmem:s12+$0xFFFFFED0];
	_ =	sdelay $0x2  }
0x2c2: {  	[tilespmem:v54+s17+$0x0] =	vst.idx.msk $0xffff, v50  }
0x2c3: {  	v50 =	vld [tilespmem:s26+$0xFFFFFEE0];
	v58 =	vadd.s32 v14, v45;
	[tilespmem:v56+s17+$0x0] =	vst.idx.msk $0xffff, v55  }
0x2c4: {  	v59 =	vadd.s32 v14, v41;
	v47 =	vld [tilespmem:s28+$0xFFFFFEE0];
	[tilespmem:v57+s17+$0x0] =	vst.idx.msk $0xffff, v44  }
0x2c5: {  	v60 =	vadd.s32 v14, v46;
	v44 =	vld [tilespmem:s12+$0xFFFFFEE0];
	_ =	sdelay $0x2  }
0x2c6: {  	[tilespmem:v58+s17+$0x0] =	vst.idx.msk $0xffff, v50  }
0x2c7: {  	v61 =	vadd.s32 v15, v45;
	v50 =	vld [tilespmem:s26+$0xFFFFFEF0];
	[tilespmem:v59+s17+$0x0] =	vst.idx.msk $0xffff, v47  }
0x2c8: {  	v62 =	vadd.s32 v15, v41;
	v47 =	vld [tilespmem:s28+$0xFFFFFEF0];
	[tilespmem:v60+s17+$0x0] =	vst.idx.msk $0xffff, v44  }
0x2c9: {  	v63 =	vadd.s32 v15, v46;
	v44 =	vld [tilespmem:s12+$0xFFFFFEF0];
	_ =	sdelay $0x2  }
0x2ca: {  	v52 =	vmov s8;
	s8 =	sadd.s32 $0xFFFFFFFD, s31;
	[tilespmem:v61+s17+$0x0] =	vst.idx.msk $0xffff, v50  }
0x2cb: {  	v52 =	vshrl.u32 v52, $0x3;
	v45 =	vadd.s32 v16, v45;
	v51 =	vld [tilespmem:s26+$0xFFFFFF00];
	v57 =	vmov s8;
	s8 =	sadd.s32 $0xFFFFFFFD, s30;
	[tilespmem:v62+s17+$0x0] =	vst.idx.msk $0xffff, v47  }
0x2cc: {  	v46 =	vadd.s32 v16, v46;
	v41 =	vadd.s32 v16, v41;
	v59 =	vmov s8;
	v50 =	vld [tilespmem:s28+$0xFFFFFF00];
	[tilespmem:v63+s17+$0x0] =	vst.idx.msk $0xffff, v44  }
0x2cd: {  	v56 =	vshll.u32 v52, v1;
	v58 =	vshrl.u32 v57, $0x3;
	s8 =	sadd.s32 $0xFFFFFFFD, s29;
	v48 =	vshrl.u32 v59, $0x3;
	v49 =	vld [tilespmem:s12+$0xFFFFFF00]  }
0x2ce: {  	v60 =	vmov s8;
	v47 =	vbroadcast v56, $0x0;
	v44 =	vshll.u32 v58, v1  }
0x2cf: {  	[tilespmem:v43+s17+$0x0] =	vst.idx.msk $0xffff, v42;
	v61 =	vshll.u32 v48, v1;
	v62 =	vshrl.u32 v60, $0x3;
	v42 =	vbroadcast v44, $0x0  }
0x2d0: {  	[tilespmem:v45+s17+$0x0] =	vst.idx.msk $0xffff, v51;
	v43 =	vbroadcast v61, $0x0;
	v56 =	vadd.s32 v17, v47;
	v63 =	vld [tilespmem:s25+$0xFFFFFF10];
	v44 =	vshll.u32 v62, v1  }
0x2d1: {  	v45 =	vld [tilespmem:s26+$0xFFFFFF10];
	v57 =	vadd.s32 v17, v42;
	[tilespmem:v41+s17+$0x0] =	vst.idx.msk $0xffff, v50;
	v41 =	vbroadcast v44, $0x0  }
0x2d2: {  	v59 =	vadd.s32 v17, v43;
	v58 =	vld [tilespmem:s28+$0xFFFFFF10];
	[tilespmem:v46+s17+$0x0] =	vst.idx.msk $0xffff, v49  }
0x2d3: {  	v60 =	vadd.s32 v17, v41;
	v46 =	vld [tilespmem:s12+$0xFFFFFF10];
	_ =	sdelay $0x1  }
0x2d4: {  	[tilespmem:v56+s17+$0x0] =	vst.idx.msk $0xffff, v63  }
0x2d5: {  	v61 =	vadd.s32 v18, v47;
	v48 =	vld [tilespmem:s25+$0xFFFFFF20];
	[tilespmem:v57+s17+$0x0] =	vst.idx.msk $0xffff, v45  }
0x2d6: {  	v62 =	vadd.s32 v18, v42;
	v45 =	vld [tilespmem:s26+$0xFFFFFF20];
	[tilespmem:v59+s17+$0x0] =	vst.idx.msk $0xffff, v58  }
0x2d7: {  	v63 =	vadd.s32 v18, v43;
	v44 =	vld [tilespmem:s28+$0xFFFFFF20];
	[tilespmem:v60+s17+$0x0] =	vst.idx.msk $0xffff, v46  }
0x2d8: {  	v56 =	vadd.s32 v18, v41;
	v46 =	vld [tilespmem:s12+$0xFFFFFF20];
	_ =	sdelay $0x1  }
0x2d9: {  	[tilespmem:v61+s17+$0x0] =	vst.idx.msk $0xffff, v48  }
0x2da: {  	v57 =	vadd.s32 v19, v47;
	v48 =	vld [tilespmem:s25+$0xFFFFFF30];
	[tilespmem:v62+s17+$0x0] =	vst.idx.msk $0xffff, v45  }
0x2db: {  	v58 =	vadd.s32 v19, v42;
	v45 =	vld [tilespmem:s26+$0xFFFFFF30];
	[tilespmem:v63+s17+$0x0] =	vst.idx.msk $0xffff, v44  }
0x2dc: {  	v59 =	vadd.s32 v19, v43;
	v44 =	vld [tilespmem:s28+$0xFFFFFF30];
	[tilespmem:v56+s17+$0x0] =	vst.idx.msk $0xffff, v46  }
0x2dd: {  	v60 =	vadd.s32 v19, v41;
	v46 =	vld [tilespmem:s12+$0xFFFFFF30];
	_ =	sdelay $0x1  }
0x2de: {  	s8 =	sadd.s32 $0xFFFFFFFE, s1;
	[tilespmem:v57+s17+$0x0] =	vst.idx.msk $0xffff, v48  }
0x2df: {  	v47 =	vadd.s32 v20, v47;
	v61 =	vmov s8;
	s8 =	sadd.s32 $0xFFFFFFFE, s31;
	v52 =	vld [tilespmem:s25+$0xFFFFFF40];
	[tilespmem:v58+s17+$0x0] =	vst.idx.msk $0xffff, v45  }
0x2e0: {  	v42 =	vadd.s32 v20, v42;
	v43 =	vadd.s32 v20, v43;
	v53 =	vmov s8;
	s8 =	sadd.s32 $0xFFFFFFFE, s30;
	v63 =	vld [tilespmem:s26+$0xFFFFFF40];
	[tilespmem:v59+s17+$0x0] =	vst.idx.msk $0xffff, v44  }
0x2e1: {  	v41 =	vadd.s32 v20, v41;
	v54 =	vmov s8;
	s8 =	sadd.s32 $0xFFFFFFFE, s29;
	v48 =	vshrl.u32 v61, $0x3;
	v50 =	vld [tilespmem:s28+$0xFFFFFF40];
	[tilespmem:v60+s17+$0x0] =	vst.idx.msk $0xffff, v46  }
0x2e2: {  	v55 =	vmov s8;
	v62 =	vshll.u32 v48, v1;
	v45 =	vshrl.u32 v53, $0x3;
	v49 =	vld [tilespmem:s12+$0xFFFFFF40]  }
0x2e3: {  	v44 =	vbroadcast v62, $0x0;
	v45 =	vshll.u32 v45, v1;
	v46 =	vshrl.u32 v54, $0x3  }
0x2e4: {  	v56 =	vshrl.u32 v55, $0x3;
	v45 =	vbroadcast v45, $0x0;
	[tilespmem:v47+s17+$0x0] =	vst.idx.msk $0xffff, v52;
	v46 =	vshll.u32 v46, v1  }
0x2e5: {  	v58 =	vshll.u32 v56, v1;
	v57 =	vadd.s32 v21, v44;
	v51 =	vld [tilespmem:s25+$0xFFFFFF50];
	[tilespmem:v42+s17+$0x0] =	vst.idx.msk $0xffff, v63;
	v42 =	vbroadcast v46, $0x0  }
0x2e6: {  	v60 =	vadd.s32 v21, v45;
	v59 =	vld [tilespmem:s26+$0xFFFFFF50];
	[tilespmem:v43+s17+$0x0] =	vst.idx.msk $0xffff, v50;
	v43 =	vbroadcast v58, $0x0  }
0x2e7: {  	v61 =	vld [tilespmem:s28+$0xFFFFFF50];
	v62 =	vadd.s32 v21, v42;
	[tilespmem:v41+s17+$0x0] =	vst.idx.msk $0xffff, v49  }
0x2e8: {  	v63 =	vadd.s32 v21, v43;
	v41 =	vld [tilespmem:s12+$0xFFFFFF50]  }
0x2e9: {  	[tilespmem:v40+s17+$0x0] =	vst.idx.msk $0xffff, v39  }
0x2ea: {  	v39 =	vld [tilespmem:s24+$0xFFFFFF60];
	v56 =	vadd.s32 v22, v34;
	[tilespmem:v57+s17+$0x0] =	vst.idx.msk $0xffff, v51  }
0x2eb: {  	v57 =	vadd.s32 v22, v44;
	v51 =	vld [tilespmem:s25+$0xFFFFFF60];
	[tilespmem:v60+s17+$0x0] =	vst.idx.msk $0xffff, v59  }
0x2ec: {  	v58 =	vadd.s32 v22, v45;
	v47 =	vld [tilespmem:s26+$0xFFFFFF60];
	[tilespmem:v62+s17+$0x0] =	vst.idx.msk $0xffff, v61  }
0x2ed: {  	v59 =	vadd.s32 v22, v42;
	v46 =	vld [tilespmem:s28+$0xFFFFFF60];
	[tilespmem:v63+s17+$0x0] =	vst.idx.msk $0xffff, v41  }
0x2ee: {  	v60 =	vadd.s32 v22, v43;
	v41 =	vld [tilespmem:s12+$0xFFFFFF60]  }
0x2ef: {  	[tilespmem:v56+s17+$0x0] =	vst.idx.msk $0xffff, v39  }
0x2f0: {  	v39 =	vld [tilespmem:s24+$0xFFFFFF70];
	v61 =	vadd.s32 v23, v34;
	[tilespmem:v57+s17+$0x0] =	vst.idx.msk $0xffff, v51  }
0x2f1: {  	v62 =	vadd.s32 v23, v44;
	v51 =	vld [tilespmem:s25+$0xFFFFFF70];
	[tilespmem:v58+s17+$0x0] =	vst.idx.msk $0xffff, v47  }
0x2f2: {  	v53 =	vadd.s32 v23, v45;
	v48 =	vld [tilespmem:s26+$0xFFFFFF70];
	[tilespmem:v59+s17+$0x0] =	vst.idx.msk $0xffff, v46  }
0x2f3: {  	s8 =	sadd.s32 $0xFFFFFFFF, s0;
	v56 =	vadd.s32 v23, v42;
	v47 =	vld [tilespmem:s28+$0xFFFFFF70];
	[tilespmem:v60+s17+$0x0] =	vst.idx.msk $0xffff, v41  }
0x2f4: {  	v63 =	vmov s8;
	v59 =	vadd.s32 v23, v43;
	v58 =	vld [tilespmem:s12+$0xFFFFFF70]  }
0x2f5: {  	v45 =	vadd.s32 v24, v45;
	v55 =	vshrl.u32 v63, $0x3;
	[tilespmem:v61+s17+$0x0] =	vst.idx.msk $0xffff, v39  }
0x2f6: {  	s8 =	sadd.s32 $0xFFFFFFFF, s1;
	v57 =	vshll.u32 v55, v1;
	v40 =	vld [tilespmem:s24+$0xFFFFFF80];
	[tilespmem:v62+s17+$0x0] =	vst.idx.msk $0xffff, v51;
	v60 =	vadd.s32 v24, v34  }
0x2f7: {  	v44 =	vadd.s32 v24, v44;
	v61 =	vmov s8;
	v39 =	vbroadcast v57, $0x0;
	v62 =	vld [tilespmem:s25+$0xFFFFFF80];
	[tilespmem:v53+s17+$0x0] =	vst.idx.msk $0xffff, v48  }
0x2f8: {  	v42 =	vadd.s32 v24, v42;
	s8 =	sadd.s32 $0xFFFFFFFF, s31;
	v43 =	vadd.s32 v24, v43;
	v41 =	vshrl.u32 v61, $0x3;
	v63 =	vld [tilespmem:s26+$0xFFFFFF80];
	[tilespmem:v56+s17+$0x0] =	vst.idx.msk $0xffff, v47  }
0x2f9: {  	v51 =	vadd.s32 v25, v39;
	v41 =	vshll.u32 v41, v1;
	v56 =	vmov s8;
	s8 =	sadd.s32 $0xFFFFFFFF, s30;
	v50 =	vld [tilespmem:s28+$0xFFFFFF80];
	[tilespmem:v59+s17+$0x0] =	vst.idx.msk $0xffff, v58  }
0x2fa: {  	v41 =	vbroadcast v41, $0x0;
	v57 =	vshrl.u32 v56, $0x3;
	v58 =	vmov s8;
	s8 =	sadd.s32 $0xFFFFFFFF, s29;
	v49 =	vld [tilespmem:s12+$0xFFFFFF80]  }
0x2fb: {  	[tilespmem:v60+s17+$0x0] =	vst.idx.msk $0xffff, v40;
	v59 =	vshll.u32 v57, v1;
	v60 =	vshrl.u32 v58, $0x3;
	v61 =	vmov s8  }
0x2fc: {  	[tilespmem:v44+s17+$0x0] =	vst.idx.msk $0xffff, v62;
	v62 =	vld [tilespmem:s24+$0xFFFFFF90];
	v34 =	vbroadcast v59, $0x0;
	v40 =	vshll.u32 v60, v1;
	v46 =	vshrl.u32 v61, $0x3  }
0x2fd: {  	v52 =	vadd.s32 v25, v41;
	[tilespmem:v45+s17+$0x0] =	vst.idx.msk $0xffff, v63;
	v63 =	vld [tilespmem:s25+$0xFFFFFF90];
	v40 =	vbroadcast v40, $0x0;
	v46 =	vshll.u32 v46, v1  }
0x2fe: {  	[tilespmem:v42+s17+$0x0] =	vst.idx.msk $0xffff, v50;
	v53 =	vld [tilespmem:s26+$0xFFFFFF90];
	v54 =	vadd.s32 v25, v34;
	v46 =	vbroadcast v46, $0x0  }
0x2ff: {  	v55 =	vld [tilespmem:s28+$0xFFFFFF90];
	v56 =	vadd.s32 v25, v40;
	[tilespmem:v43+s17+$0x0] =	vst.idx.msk $0xffff, v49  }
0x300: {  	[tilespmem:v38+s17+$0x0] =	vst.idx.msk $0xffff, v35;
	v58 =	vadd.s32 v25, v46;
	v57 =	vld [tilespmem:s12+$0xFFFFFF90]  }
0x301: {  	[tilespmem:v51+s17+$0x0] =	vst.idx.msk $0xffff, v62  }
0x302: {  	v59 =	vadd.s32 v26, v39;
	v44 =	vld [tilespmem:s24+$0xFFFFFFA0];
	[tilespmem:v52+s17+$0x0] =	vst.idx.msk $0xffff, v63  }
0x303: {  	v60 =	vadd.s32 v26, v41;
	v45 =	vld [tilespmem:s25+$0xFFFFFFA0];
	[tilespmem:v54+s17+$0x0] =	vst.idx.msk $0xffff, v53  }
0x304: {  	v61 =	vadd.s32 v26, v34;
	v42 =	vld [tilespmem:s26+$0xFFFFFFA0];
	[tilespmem:v56+s17+$0x0] =	vst.idx.msk $0xffff, v55  }
0x305: {  	v62 =	vadd.s32 v26, v40;
	v43 =	vld [tilespmem:s28+$0xFFFFFFA0];
	[tilespmem:v58+s17+$0x0] =	vst.idx.msk $0xffff, v57  }
0x306: {  	[tilespmem:v37+s17+$0x0] =	vst.idx.msk $0xffff, v36;
	v63 =	vadd.s32 v26, v46;
	v35 =	vld [tilespmem:s12+$0xFFFFFFA0]  }
0x307: {  	v52 =	vld [tilespmem:s23+$0xFFFFFFB0];
	v53 =	vadd.s32 v27, v33;
	[tilespmem:v59+s17+$0x0] =	vst.idx.msk $0xffff, v44  }
0x308: {  	v54 =	vadd.s32 v27, v39;
	v44 =	vld [tilespmem:s24+$0xFFFFFFB0];
	[tilespmem:v60+s17+$0x0] =	vst.idx.msk $0xffff, v45  }
0x309: {  	v56 =	vadd.s32 v27, v41;
	v47 =	vld [tilespmem:s25+$0xFFFFFFB0];
	[tilespmem:v61+s17+$0x0] =	vst.idx.msk $0xffff, v42  }
0x30a: {  	v39 =	vadd.s32 v28, v39;
	v59 =	vadd.s32 v27, v34;
	v58 =	vld [tilespmem:s26+$0xFFFFFFB0];
	[tilespmem:v62+s17+$0x0] =	vst.idx.msk $0xffff, v43  }
0x30b: {  	v55 =	vmov s10;
	v41 =	vadd.s32 v28, v41;
	v61 =	vadd.s32 v27, v40;
	v60 =	vld [tilespmem:s28+$0xFFFFFFB0];
	[tilespmem:v63+s17+$0x0] =	vst.idx.msk $0xffff, v35  }
0x30c: {  	v57 =	vmov s0;
	v45 =	vshrl.u32 v55, $0x3;
	[tilespmem:v53+s17+$0x0] =	vst.idx.msk $0xffff, v52;
	v52 =	vadd.s32 v27, v46;
	v63 =	vld [tilespmem:s12+$0xFFFFFFB0]  }
0x30d: {  	v48 =	vshrl.u32 v57, $0x3;
	v45 =	vshll.u32 v45, v1;
	v53 =	vld [tilespmem:s23+$0xFFFFFFC0];
	[tilespmem:v54+s17+$0x0] =	vst.idx.msk $0xffff, v44;
	v54 =	vadd.s32 v28, v33  }
0x30e: {  	v34 =	vadd.s32 v28, v34;
	v37 =	vbroadcast v45, $0x0;
	v62 =	vshll.u32 v48, v1;
	v55 =	vld [tilespmem:s24+$0xFFFFFFC0];
	[tilespmem:v56+s17+$0x0] =	vst.idx.msk $0xffff, v47  }
0x30f: {  	v46 =	vadd.s32 v28, v46;
	v38 =	vbroadcast v62, $0x0;
	v56 =	vmov s1;
	[tilespmem:v59+s17+$0x0] =	vst.idx.msk $0xffff, v58;
	v57 =	vld [tilespmem:s25+$0xFFFFFFC0]  }
0x310: {  	v40 =	vadd.s32 v28, v40;
	v50 =	vadd.s32 v29, v37;
	v47 =	vshrl.u32 v56, $0x3;
	v58 =	vld [tilespmem:s26+$0xFFFFFFC0];
	[tilespmem:v61+s17+$0x0] =	vst.idx.msk $0xffff, v60  }
0x311: {  	v43 =	vadd.s32 v29, v38;
	v59 =	vmov s31;
	v47 =	vshll.u32 v47, v1;
	v45 =	vld [tilespmem:s28+$0xFFFFFFC0];
	[tilespmem:v52+s17+$0x0] =	vst.idx.msk $0xffff, v63  }
0x312: {  	v36 =	vbroadcast v47, $0x0;
	[tilespmem:v54+s17+$0x0] =	vst.idx.msk $0xffff, v53;
	v60 =	vshrl.u32 v59, $0x3;
	v61 =	vmov s30;
	v62 =	vld [tilespmem:s12+$0xFFFFFFC0]  }
0x313: {  	v53 =	vmov s29;
	[tilespmem:v39+s17+$0x0] =	vst.idx.msk $0xffff, v55;
	v33 =	vshll.u32 v60, v1;
	v63 =	vld [tilespmem:s23+$0xFFFFFFD0];
	v52 =	vshrl.u32 v61, $0x3  }
0x314: {  	v55 =	vshrl.u32 v53, $0x3;
	v54 =	vld [tilespmem:s24+$0xFFFFFFD0];
	v33 =	vbroadcast v33, $0x0;
	[tilespmem:v41+s17+$0x0] =	vst.idx.msk $0xffff, v57;
	v39 =	vshll.u32 v52, v1  }
0x315: {  	v57 =	vadd.s32 v29, v36;
	v56 =	vld [tilespmem:s25+$0xFFFFFFD0];
	[tilespmem:v34+s17+$0x0] =	vst.idx.msk $0xffff, v58;
	v34 =	vbroadcast v39, $0x0;
	v58 =	vshll.u32 v55, v1  }
0x316: {  	v60 =	vadd.s32 v29, v33;
	v59 =	vld [tilespmem:s26+$0xFFFFFFD0];
	v35 =	vbroadcast v58, $0x0;
	[tilespmem:v40+s17+$0x0] =	vst.idx.msk $0xffff, v45  }
0x317: {  	v61 =	vadd.s32 v29, v34;
	v40 =	vld [tilespmem:s28+$0xFFFFFFD0];
	[tilespmem:v46+s17+$0x0] =	vst.idx.msk $0xffff, v62  }
0x318: {  	[tilespmem:v50+s17+$0x0] =	vst.idx.msk $0xffff, v63;
	v62 =	vadd.s32 v29, v35;
	v46 =	vld [tilespmem:s12+$0xFFFFFFD0]  }
0x319: {  	v63 =	vadd.s32 v30, v37;
	[tilespmem:v43+s17+$0x0] =	vst.idx.msk $0xffff, v54;
	v48 =	vld [tilespmem:s23+$0xFFFFFFE0]  }
0x31a: {  	v52 =	vadd.s32 v30, v38;
	v43 =	vld [tilespmem:s24+$0xFFFFFFE0];
	[tilespmem:v57+s17+$0x0] =	vst.idx.msk $0xffff, v56  }
0x31b: {  	v53 =	vadd.s32 v30, v36;
	v42 =	vld [tilespmem:s25+$0xFFFFFFE0];
	[tilespmem:v60+s17+$0x0] =	vst.idx.msk $0xffff, v59  }
0x31c: {  	v54 =	vadd.s32 v30, v33;
	v39 =	vld [tilespmem:s26+$0xFFFFFFE0];
	[tilespmem:v61+s17+$0x0] =	vst.idx.msk $0xffff, v40  }
0x31d: {  	v55 =	vadd.s32 v30, v34;
	v40 =	vld [tilespmem:s28+$0xFFFFFFE0];
	[tilespmem:v62+s17+$0x0] =	vst.idx.msk $0xffff, v46  }
0x31e: {  	v56 =	vadd.s32 v30, v35;
	[tilespmem:v63+s17+$0x0] =	vst.idx.msk $0xffff, v48;
	v46 =	vld [tilespmem:s12+$0xFFFFFFE0]  }
0x31f: {  	v57 =	vadd.s32 v31, v37;
	[tilespmem:v52+s17+$0x0] =	vst.idx.msk $0xffff, v43;
	v48 =	vld [tilespmem:s23+$0xFFFFFFF0]  }
0x320: {  	v58 =	vadd.s32 v31, v38;
	v43 =	vld [tilespmem:s24+$0xFFFFFFF0];
	[tilespmem:v53+s17+$0x0] =	vst.idx.msk $0xffff, v42  }
0x321: {  	v59 =	vadd.s32 v31, v36;
	v42 =	vld [tilespmem:s25+$0xFFFFFFF0];
	[tilespmem:v54+s17+$0x0] =	vst.idx.msk $0xffff, v39  }
0x322: {  	v60 =	vadd.s32 v31, v33;
	v39 =	vld [tilespmem:s26+$0xFFFFFFF0];
	[tilespmem:v55+s17+$0x0] =	vst.idx.msk $0xffff, v40  }
0x323: {  	v61 =	vadd.s32 v31, v34;
	v40 =	vld [tilespmem:s28+$0xFFFFFFF0];
	[tilespmem:v56+s17+$0x0] =	vst.idx.msk $0xffff, v46  }
0x324: {  	v62 =	vadd.s32 v31, v35;
	[tilespmem:v57+s17+$0x0] =	vst.idx.msk $0xffff, v48;
	v46 =	vld [tilespmem:s12+$0xFFFFFFF0]  }
0x325: {  	v37 =	vadd.s32 v32, v37;
	[tilespmem:v58+s17+$0x0] =	vst.idx.msk $0xffff, v43;
	v48 =	vld [tilespmem:s23+$0x0]  }
0x326: {  	v38 =	vadd.s32 v32, v38;
	v43 =	vld [tilespmem:s24+$0x0];
	[tilespmem:v59+s17+$0x0] =	vst.idx.msk $0xffff, v42  }
0x327: {  	v36 =	vadd.s32 v32, v36;
	v42 =	vld [tilespmem:s25+$0x0];
	[tilespmem:v60+s17+$0x0] =	vst.idx.msk $0xffff, v39  }
0x328: {  	v33 =	vadd.s32 v32, v33;
	v39 =	vld [tilespmem:s26+$0x0];
	[tilespmem:v61+s17+$0x0] =	vst.idx.msk $0xffff, v40  }
0x329: {  	v34 =	vadd.s32 v32, v34;
	v40 =	vld [tilespmem:s28+$0x0];
	[tilespmem:v62+s17+$0x0] =	vst.idx.msk $0xffff, v46  }
0x32a: {  	v35 =	vadd.s32 v32, v35;
	[tilespmem:v37+s17+$0x0] =	vst.idx.msk $0xffff, v48;
	v63 =	vld [tilespmem:s12+$0x0]  }
0x32b: {  	[tilespmem:v38+s17+$0x0] =	vst.idx.msk $0xffff, v43  }
0x32c: {  	[tilespmem:v36+s17+$0x0] =	vst.idx.msk $0xffff, v42  }
0x32d: {  	[tilespmem:v33+s17+$0x0] =	vst.idx.msk $0xffff, v39  }
0x32e: {  	[tilespmem:v34+s17+$0x0] =	vst.idx.msk $0xffff, v40  }
0x32f: {  	s5 =	simm.s32 $0x6F00;
	s1 =	sadd.s32 s22, s7;
	[tilespmem:v35+s17+$0x0] =	vst.idx.msk $0xffff, v63  }
0x330: {  	[hbm4b:s1+s3] =	stream.linear.scatter [tilespmem:s5], [sflag:$0x4], $0x80, $0x38;
	[tilespmem:$0x9100] =	vst v63  }
0x331: {  	s8 =	simm.s32 $0x6F88;
	s10 =	sadd.s32 $0x10, s1  }
0x332: {  	[hbm4b:s10+s3] =	stream.linear.scatter [tilespmem:s8], [sflag:$0x4], $0x80, $0x38;
	[tilespmem:$0x9100] =	vst v63  }
0x333: {  	s0 =	simm.s32 $0x440;
	s22 =	sadd.s32 $0x20, s1;
	s12 =	simm.s32 $0x7010  }
0x334: {  	[hbm4b:s22+s3] =	stream.linear.scatter [tilespmem:s12], [sflag:$0x4], $0x80, $0x38;
	[tilespmem:$0x9100] =	vst v63  }
0x335: {  	s31 =	sadd.s32 $0x60, s1;
	s23 =	simm.s32 $0x7098;
	s24 =	sadd.s32 $0x30, s1  }
0x336: {  	[hbm4b:s24+s3] =	stream.linear.scatter [tilespmem:s23], [sflag:$0x4], $0x80, $0x38;
	[tilespmem:$0x9100] =	vst v63  }
0x337: {  	s29 =	sadd.s32 $0x50, s1;
	s25 =	simm.s32 $0x7120;
	s26 =	sadd.s32 $0x40, s1  }
0x338: {  	[hbm4b:s26+s3] =	stream.linear.scatter [tilespmem:s25], [sflag:$0x4], $0x80, $0x38;
	[tilespmem:$0x9100] =	vst v63  }
0x339: {  	s30 =	simm.s32 $0x7230;
	s28 =	simm.s32 $0x71A8;
	s5 =	simm.s32 $0x2200  }
0x33a: {  	[hbm4b:s29+s3] =	stream.linear.scatter [tilespmem:s28], [sflag:$0x4], $0x80, $0x38;
	[tilespmem:$0x9100] =	vst v63  }
0x33b: {  	s8 =	simm.s32 $0x72B8;
	s10 =	sadd.s32 $0x70, s1;
	s1 =	sadd.s32 $0x1000, s1  }
0x33c: {  	[hbm4b:s31+s3] =	stream.linear.scatter [tilespmem:s30], [sflag:$0x4], $0x80, $0x38;
	[tilespmem:$0x9100] =	vst v63  }
.LBB2_9:
0x33d: {  	[hbm4b:s10+s3] =	stream.linear.scatter [tilespmem:s8], [sflag:$0x4], $0x80, $0x38;
	[tilespmem:$0x9100] =	vst v63  }
0x33e: {  	s8 =	smov.u32 s0;
	s0 =	smov.u32 s5  }
0x33f: {  	s12 =	sadd.s32 $0x1100, s5;
	s0 =	sshra.s32 s0, $0x2;
	s10 =	sadd.s32 $0x6F00, s8  }
0x340: {  	[hbm4b:s1+s3] =	stream.linear.scatter [tilespmem:s10], [sflag:$0x4], $0x80, $0x38;
	[tilespmem:$0x9100] =	vst v63  }
0x341: {  	p1 =	sne.s32 s5, $0x7700;
	s5 =	sadd.s32 $0x6F88, s8;
	s10 =	sadd.s32 $0x10, s1  }
0x342: {  	[hbm4b:s10+s3] =	stream.linear.scatter [tilespmem:s5], [sflag:$0x4], $0x80, $0x38;
	[tilespmem:$0x9100] =	vst v63  }
0x343: {  	s5 =	sadd.s32 $0x7010, s8;
	s10 =	sadd.s32 $0x20, s1  }
0x344: {  	[hbm4b:s10+s3] =	stream.linear.scatter [tilespmem:s5], [sflag:$0x4], $0x80, $0x38;
	[tilespmem:$0x9100] =	vst v63  }
0x345: {  	s5 =	sadd.s32 $0x7098, s8;
	s10 =	sadd.s32 $0x30, s1  }
0x346: {  	[hbm4b:s10+s3] =	stream.linear.scatter [tilespmem:s5], [sflag:$0x4], $0x80, $0x38;
	[tilespmem:$0x9100] =	vst v63  }
0x347: {  	s5 =	sadd.s32 $0x7120, s8;
	s10 =	sadd.s32 $0x40, s1  }
0x348: {  	[hbm4b:s10+s3] =	stream.linear.scatter [tilespmem:s5], [sflag:$0x4], $0x80, $0x38;
	[tilespmem:$0x9100] =	vst v63  }
.Ltmp5:
0x349: {  	s5 =	sadd.s32 $0x71A8, s8;
	s10 =	sadd.s32 $0x50, s1;
	(pc) =	sbr.rel @p1 .LBB2_9-.Ltmp5, $4  }
0x34a: {  	[hbm4b:s10+s3] =	stream.linear.scatter [tilespmem:s5], [sflag:$0x4], $0x80, $0x38;
	[tilespmem:$0x9100] =	vst v63  }
0x34b: {  	s5 =	sadd.s32 $0x7230, s8;
	s10 =	sadd.s32 $0x60, s1;
	s8 =	sadd.s32 $0x72B8, s8  }
0x34c: {  	[hbm4b:s10+s3] =	stream.linear.scatter [tilespmem:s5], [sflag:$0x4], $0x80, $0x38;
	[tilespmem:$0x9100] =	vst v63  }
0x34d: {  	s10 =	sadd.s32 $0x70, s1;
	s1 =	sadd.s32 $0x1000, s1;
	s5 =	smov.u32 s12  }
0x34e: {  	[hbm4b:s10+s3] =	stream.linear.scatter [tilespmem:s8], [sflag:$0x4], $0x80, $0x38;
	[tilespmem:$0x9100] =	vst v63  }
0x34f: {  	s5 =	sadd.s32 $0x6F00, s0  }
0x350: {  	[hbm4b:s1+s3] =	stream.linear.scatter [tilespmem:s5], [sflag:$0x4], $0x80, $0x38;
	[tilespmem:$0x9100] =	vst v63  }
0x351: {  	s30 =	sadd.s32 $0x6F88, s0;
	s31 =	sadd.s32 $0x10, s1  }
0x352: {  	[hbm4b:s31+s3] =	stream.linear.scatter [tilespmem:s30], [sflag:$0x4], $0x80, $0x38;
	[tilespmem:$0x9100] =	vst v63  }
0x353: {  	s8 =	sadd.s32 $0x7010, s0;
	s10 =	sadd.s32 $0x20, s1  }
0x354: {  	[hbm4b:s10+s3] =	stream.linear.scatter [tilespmem:s8], [sflag:$0x4], $0x80, $0x38;
	[tilespmem:$0x9100] =	vst v63  }
0x355: {  	s12 =	sadd.s32 $0x7098, s0;
	s22 =	sadd.s32 $0x30, s1  }
0x356: {  	[hbm4b:s22+s3] =	stream.linear.scatter [tilespmem:s12], [sflag:$0x4], $0x80, $0x38;
	[tilespmem:$0x9100] =	vst v63  }
0x357: {  	s23 =	sadd.s32 $0x7120, s0;
	s24 =	sadd.s32 $0x40, s1  }
0x358: {  	[hbm4b:s24+s3] =	stream.linear.scatter [tilespmem:s23], [sflag:$0x4], $0x80, $0x38;
	[tilespmem:$0x9100] =	vst v63  }
0x359: {  	s25 =	sadd.s32 $0x71A8, s0;
	s26 =	sadd.s32 $0x50, s1  }
0x35a: {  	[hbm4b:s26+s3] =	stream.linear.scatter [tilespmem:s25], [sflag:$0x4], $0x80, $0x38;
	[tilespmem:$0x9100] =	vst v63  }
.Ltmp6:
0x35b: {  	_ = 	snop;
	(pc) =	sbr.rel @p0 .LBB2_12-.Ltmp6, $4  }
0x35c: {  	s28 =	sadd.s32 $0x7230, s0;
	s29 =	sadd.s32 $0x60, s1  }
0x35d: {  	[hbm4b:s29+s3] =	stream.linear.scatter [tilespmem:s28], [sflag:$0x4], $0x80, $0x38;
	[tilespmem:$0x9100] =	vst v63  }
0x35e: {  	s30 =	sadd.s32 $0x72B8, s0;
	s31 =	sadd.s32 $0x70, s1  }
0x35f: {  	[hbm4b:s31+s3] =	stream.linear.scatter [tilespmem:s30], [sflag:$0x4], $0x80, $0x38;
	[tilespmem:$0x9100] =	vst v63  }
.Ltmp7:
0x360: {  	(pc) =	sbr.rel .LBB2_2-.Ltmp7, $4  }
0x361: {  	s0 =	sshll.u32 s21, $0x8  }
0x362: {  	s0 =	sand.u32 $0x3FFFFF00, s0  }
0x363: {  	s21 =	sadd.s32 $0x1, s21;
	s0 =	sadd.s32 $0x180, s0  }
0x364: {  	[tilespmem:s13], [sflag:$0x2] =	stream.indirect.gather [hbm4b:s4+s9], $0x40, s0, s9, $0xb8;
	[tilespmem:$0x9100] =	vst v63  }
.LBB2_13:
0x365: {  	_ =	sfence.sel $0x180000  }
0x366: {  	[bflag:$0x0] =	sbarrier.arrive $0xFFFF  }
0x367: {  	_ =	strace $0x90000047  }
0x368: {  	s0 =	stileid.u32;
	[bflag:$0x2] =	sbarrier.arrive $0xFFFF  }
0x369: {  	p0 =	sne.s32 s0, $0x0;
	s0 =	rddreg [dreg:$0x2]  }
0x36a: {  	s0 =	sadd.s32 @!p0 $0x100000, s0  }
0x36b: {  	[sflag:s0] =	ssyncadd.tile.s32 @!p0 $0x1;
	_ =	shalt  }
.Lfunc_end2:
_tile_overlayer_lowered:
.L_overlay_start_2:
0x36c: {  	(tag) =	ssettag $0x2  }
0x36d: {  	s0 =	rddreg [dreg:$0x0];
	s2 =	stileid.u32  }
0x36e: {  	s1 =	rddreg [dreg:$0x1];
	p0 =	sne.s32 s2, $0x0  }
0x36f: {  	s3 =	rddreg [dreg:$0x2];
	[bflag:$0x3] =	sbarrier.arrive $0xFFFF;
	s2 =	simm.s32 @!p0 $0x1C05  }
0x370: {  	[timem:s3], [sflag:s2] =	dma.local @!p0 [hbm:s0], s1  }
0x371: {  	s0 =	simm.s32 @!p0 $0x5  }
0x372: {  	_ =	swait.ge @!p0 [sflag:s0], s1  }
0x373: {  	s1 =	ssub.s32 @!p0 $0x0, s1;
	[sflag:s0] =	ssyncset.done @!p0 $0x0  }
0x374: {  	[sflag:s0] =	ssyncadd.s32 @!p0 s1  }
0x375: {  	[bflag:$0x3] =	sbarrier.arrive $0xFFFF  }
0x376: {  	_ =	shalt  }

</sc_bundles>
